<compile_context>
chip_gen: v7x
topology: tpu7x:2x2x1
jax: 0.10.2.dev20260603
libtpu: 0.0.44.dev20260713+nightly
codegen_flags: <defaults>
</compile_context>

<pallas_src>
import functools

import jax
import jax.numpy as jnp
from jax import lax
from jax.experimental import pallas as pl
from jax.experimental.pallas import tpu as pltpu
from jax.experimental.pallas import tpu_sc as plsc

N1 = 1000000
DIM = 16
B = 98304

PACK = 128 // DIM
N_LINES = N1 // PACK

NUM_CORES = 2
NUM_SUBCORES = 16
NUM_WORKERS = NUM_CORES * NUM_SUBCORES
B_PER_W = B // NUM_WORKERS
CHUNK = 128
N_CHUNKS = B_PER_W // CHUNK
B_ROWS = B // 128
W_ROWS = B_ROWS // NUM_WORKERS


def _sc_gather_dot(tab_s, tab_t, idx_s, idx_t):
    mesh = plsc.VectorSubcoreMesh(core_axis_name="c", subcore_axis_name="s")

    @functools.partial(
        pl.kernel,
        mesh=mesh,
        compiler_params=pltpu.CompilerParams(needs_layout_passes=False),
        out_type=jax.ShapeDtypeStruct((B_ROWS, 128), jnp.float32),
        scratch_types=[
            pltpu.VMEM((W_ROWS, 128), jnp.int32),
            pltpu.VMEM((W_ROWS, 128), jnp.int32),
            pltpu.VMEM((W_ROWS, 128), jnp.int32),
            pltpu.VMEM((W_ROWS, 128), jnp.int32),
            pltpu.VMEM((CHUNK, 128), jnp.float32),
            pltpu.VMEM((CHUNK, 128), jnp.float32),
            pltpu.VMEM((W_ROWS, 128), jnp.float32),
            pltpu.SemaphoreType.DMA,
            pltpu.SemaphoreType.DMA,
        ],
    )
    def gather_dot(src_tab, tgt_tab, src_idx, tgt_idx, out_ip,
                   idx_s_v, idx_t_v, line_s_v, line_t_v,
                   rows_s_v, rows_t_v, ip_v, sem_s, sem_t):
        wid = lax.axis_index("s") * NUM_CORES + lax.axis_index("c")
        base = wid * W_ROWS
        pltpu.sync_copy(src_idx.at[pl.ds(base, W_ROWS)], idx_s_v)
        pltpu.sync_copy(tgt_idx.at[pl.ds(base, W_ROWS)], idx_t_v)

        iota16 = lax.broadcasted_iota(jnp.int32, (16,), 0)

        @pl.loop(0, N_CHUNKS)
        def _(j):
            for g in range(8):
                sl = pl.ds(g * 16, 16)
                line_s_v[j, sl] = lax.shift_right_logical(idx_s_v[j, sl], 3)
                line_t_v[j, sl] = lax.shift_right_logical(idx_t_v[j, sl], 3)
            cp_s = pltpu.async_copy(src_tab.at[line_s_v.at[j]], rows_s_v, sem_s)
            cp_t = pltpu.async_copy(tgt_tab.at[line_t_v.at[j]], rows_t_v, sem_t)
            cp_s.wait()
            cp_t.wait()
            for g in range(8):
                sl = pl.ds(g * 16, 16)
                rows16 = g * 16 + iota16
                lane_s = (idx_s_v[j, sl] & 7) * 16
                lane_t = (idx_t_v[j, sl] & 7) * 16
                acc = jnp.zeros((16,), jnp.float32)
                for d in range(DIM):
                    a = plsc.load_gather(rows_s_v, [rows16, lane_s + d])
                    b = plsc.load_gather(rows_t_v, [rows16, lane_t + d])
                    acc = acc + a * b
                ip_v[j, sl] = acc

        pltpu.sync_copy(ip_v, out_ip.at[pl.ds(base, W_ROWS)])

    return gather_dot(tab_s, tab_t, idx_s, idx_t)


_R_LANES = 2048
_R_LINES = _R_LANES // PACK
_R_STEPS = (N_LINES + _R_LINES - 1) // _R_LINES


def _relayout_body(s_ref, t_ref, os_ref, ot_ref):
    lane = jax.numpy.arange(128)
    placed = [jnp.where((lane[None, :] == j * DIM + jnp.arange(DIM)[:, None]),
                        jnp.float32(1), jnp.float32(0)) for j in range(PACK)]

    eye = jnp.eye(DIM, dtype=jnp.float32)

    def repack(x):
        xt = lax.dot_general(x, eye, (((0,), (0,)), ((), ())),
                             preferred_element_type=jnp.float32)
        t = xt.reshape(_R_LINES, PACK, DIM)
        acc = jnp.zeros((_R_LINES, 128), jnp.float32)
        for j in range(PACK):
            acc = acc + lax.dot_general(
                t[:, j, :], placed[j], (((1,), (0,)), ((), ())),
                preferred_element_type=jnp.float32)
        return acc

    os_ref[...] = repack(s_ref[...])
    ot_ref[...] = repack(t_ref[...])


def _relayout_pair(tab_s_t, tab_t_t):
    return pl.pallas_call(
        _relayout_body,
        grid=(_R_STEPS,),
        in_specs=[
            pl.BlockSpec((DIM, _R_LANES), lambda k: (0, k)),
            pl.BlockSpec((DIM, _R_LANES), lambda k: (0, k)),
        ],
        out_specs=[
            pl.BlockSpec((_R_LINES, 128), lambda k: (k, 0)),
            pl.BlockSpec((_R_LINES, 128), lambda k: (k, 0)),
        ],
        out_shape=[
            jax.ShapeDtypeStruct((N_LINES, 128), jnp.float32),
            jax.ShapeDtypeStruct((N_LINES, 128), jnp.float32),
        ],
    )(tab_s_t, tab_t_t)


def _tc_loss_body(ip_ref, lab_ref, out_ref):
    z = lab_ref[...] * ip_ref[...]
    out_ref[...] = jnp.sum(jax.nn.log_sigmoid(z)).reshape(1, 1)


def _tc_loss_sum(ip, lab):
    return pl.pallas_call(
        _tc_loss_body,
        out_shape=jax.ShapeDtypeStruct((1, 1), jnp.float32),
    )(ip, lab)


def kernel(source_node, target_node, label, nodes_embed, context_nodes_embed):
    tab_s, tab_t = _relayout_pair(jnp.transpose(nodes_embed),
                                  jnp.transpose(context_nodes_embed))
    idx_s = jnp.reshape(source_node.astype(jnp.int32), (B_ROWS, 128))
    idx_t = jnp.reshape(target_node.astype(jnp.int32), (B_ROWS, 128))
    ip = _sc_gather_dot(tab_s, tab_t, idx_s, idx_t)
    total = _tc_loss_sum(ip, jnp.reshape(label, (B_ROWS, 128)))
    return -total[0, 0] / jnp.float32(B)

# --- scband reference (transcript-rebuilt; emitter-appended) ---
"""Pipeline reference for scband-line-42528766165494 (READ-ONLY COPY).

The authoritative reference and input builder live on the scoring server;
editing this copy changes nothing except your own understanding.
"""

import jax, jax.numpy as jnp
import numpy as np

N1 = 1000000
DIM = 16
B = 98304

def setup_inputs(seed: int = 0) -> dict:
    key = jax.random.key(seed)
    k1, k2, k3, k4, k5 = jax.random.split(key, 5)
    source_node = jax.random.randint(k1, (B,), 0, N1, dtype=jnp.int64 if jax.config.jax_enable_x64 else jnp.int32)
    target_node = jax.random.randint(k2, (B,), 0, N1, dtype=jnp.int64 if jax.config.jax_enable_x64 else jnp.int32)
    label = jax.random.normal(k3, (B,), dtype=jnp.float32)
    nodes_embed = jax.random.uniform(k4, (N1, DIM), dtype=jnp.float32, minval=-1.0, maxval=1.0)
    context_nodes_embed = jax.random.uniform(k5, (N1, DIM), dtype=jnp.float32, minval=-1.0, maxval=1.0)
    return {"source_node": source_node, "target_node": target_node, "label": label,
            "nodes_embed": nodes_embed, "context_nodes_embed": context_nodes_embed}

def reference(source_node, target_node, label, nodes_embed, context_nodes_embed):
    # order == 2: source uses nodes_embed, target uses context_nodes_embed
    source_embed = jnp.take(nodes_embed, source_node, axis=0)
    target_embed = jnp.take(context_nodes_embed, target_node, axis=0)
    inner_product = jnp.sum(source_embed * target_embed, axis=1)
    pos_neg = label * inner_product
    line_loss = jax.nn.log_sigmoid(pos_neg)
    mean_loss = -jnp.mean(line_loss)
    return mean_loss

if __name__ == "__main__":
    import jax
    _d = setup_inputs()
    print(jax.jit(kernel)(*tuple(_d.values())))

</pallas_src>

<mosaic_0001>
#map = affine_map<(d0, d1) -> (0, 0)>
module attributes {stable_mosaic.version = 14 : i64} {
  func.func @gather_dot(%arg0: i32, %arg1: i32, %arg2: memref<125000x128xf32, #tpu.memory_space<hbm>>, %arg3: memref<125000x128xf32, #tpu.memory_space<hbm>>, %arg4: memref<768x128xi32, #tpu.memory_space<hbm>>, %arg5: memref<768x128xi32, #tpu.memory_space<hbm>>, %arg6: memref<768x128xf32, #tpu.memory_space<hbm>>, %arg7: memref<24x128xi32, #tpu.memory_space<vmem>>, %arg8: memref<24x128xi32, #tpu.memory_space<vmem>>, %arg9: memref<24x128xi32, #tpu.memory_space<vmem>>, %arg10: memref<24x128xi32, #tpu.memory_space<vmem>>, %arg11: memref<128x128xf32, #tpu.memory_space<vmem>>, %arg12: memref<128x128xf32, #tpu.memory_space<vmem>>, %arg13: memref<24x128xf32, #tpu.memory_space<vmem>>, %arg14: memref<!tpu.dma_semaphore, #tpu.memory_space<semaphore_mem>>, %arg15: memref<!tpu.dma_semaphore, #tpu.memory_space<semaphore_mem>>) attributes {dimension_semantics = [#tpu.dimension_semantics<core_parallel>, #tpu.dimension_semantics<subcore_parallel>], iteration_bounds = array<i64: 2, 16>, scalar_prefetch = 0 : i64, scratch_operands = 9 : i64, tpu.core_type = #tpu.core_type<sc_vector_subcore>, window_params = [{transform_indices = #map}, {transform_indices = #map}, {transform_indices = #map}, {transform_indices = #map}, {transform_indices = #map}]} {
    %mul3A = arith.constant 2 : i32
    %mul3A_0 = arith.muli %arg1, %mul3A : i32
    %add3A = arith.addi %mul3A_0, %arg0 : i32
    %mul3A_1 = arith.constant 24 : i32
    %mul3A_2 = arith.muli %add3A, %mul3A_1 : i32
    "tpu.region"() ({
      %run_scoped3A = tpu.sem_alloc : memref<!tpu.dma_semaphore, #tpu.memory_space<semaphore_mem>>
      %dma_start3A = arith.constant 0 : i32
      %dma_start3A_7 = tpu.memref_slice %arg4[%mul3A_2, %dma_start3A] : memref<768x128xi32, #tpu.memory_space<hbm>> -> memref<24x128xi32, #tpu.memory_space<hbm>>
      %dma_start3A_8 = arith.constant 0 : i32
      %dma_start3A_9 = tpu.memref_slice %arg4[%mul3A_2, %dma_start3A_8] : memref<768x128xi32, #tpu.memory_space<hbm>> -> memref<24x128xi32, #tpu.memory_space<hbm>>
      tpu.enqueue_dma source(%dma_start3A_9 : memref<24x128xi32, #tpu.memory_space<hbm>>) target(%arg7 : memref<24x128xi32, #tpu.memory_space<vmem>>) target_semaphore(%run_scoped3A : memref<!tpu.dma_semaphore, #tpu.memory_space<semaphore_mem>>)
      %dma_wait3A = arith.constant 0 : i32
      %dma_wait3A_10 = tpu.memref_slice %arg4[%mul3A_2, %dma_wait3A] : memref<768x128xi32, #tpu.memory_space<hbm>> -> memref<24x128xi32, #tpu.memory_space<hbm>>
      %dma_wait3A_11 = arith.constant 0 : i32
      %dma_wait3A_12 = tpu.memref_slice %arg4[%mul3A_2, %dma_wait3A_11] : memref<768x128xi32, #tpu.memory_space<hbm>> -> memref<24x128xi32, #tpu.memory_space<hbm>>
      tpu.wait_dma2 semaphore(%run_scoped3A : memref<!tpu.dma_semaphore, #tpu.memory_space<semaphore_mem>>) src(%dma_wait3A_12 : memref<24x128xi32, #tpu.memory_space<hbm>>) dst(%arg7 : memref<24x128xi32, #tpu.memory_space<vmem>>)
      tpu.yield
    }) : () -> ()
    "tpu.region"() ({
      %run_scoped3A = tpu.sem_alloc : memref<!tpu.dma_semaphore, #tpu.memory_space<semaphore_mem>>
      %dma_start3A = arith.constant 0 : i32
      %dma_start3A_7 = tpu.memref_slice %arg5[%mul3A_2, %dma_start3A] : memref<768x128xi32, #tpu.memory_space<hbm>> -> memref<24x128xi32, #tpu.memory_space<hbm>>
      %dma_start3A_8 = arith.constant 0 : i32
      %dma_start3A_9 = tpu.memref_slice %arg5[%mul3A_2, %dma_start3A_8] : memref<768x128xi32, #tpu.memory_space<hbm>> -> memref<24x128xi32, #tpu.memory_space<hbm>>
      tpu.enqueue_dma source(%dma_start3A_9 : memref<24x128xi32, #tpu.memory_space<hbm>>) target(%arg8 : memref<24x128xi32, #tpu.memory_space<vmem>>) target_semaphore(%run_scoped3A : memref<!tpu.dma_semaphore, #tpu.memory_space<semaphore_mem>>)
      %dma_wait3A = arith.constant 0 : i32
      %dma_wait3A_10 = tpu.memref_slice %arg5[%mul3A_2, %dma_wait3A] : memref<768x128xi32, #tpu.memory_space<hbm>> -> memref<24x128xi32, #tpu.memory_space<hbm>>
      %dma_wait3A_11 = arith.constant 0 : i32
      %dma_wait3A_12 = tpu.memref_slice %arg5[%mul3A_2, %dma_wait3A_11] : memref<768x128xi32, #tpu.memory_space<hbm>> -> memref<24x128xi32, #tpu.memory_space<hbm>>
      tpu.wait_dma2 semaphore(%run_scoped3A : memref<!tpu.dma_semaphore, #tpu.memory_space<semaphore_mem>>) src(%dma_wait3A_12 : memref<24x128xi32, #tpu.memory_space<hbm>>) dst(%arg8 : memref<24x128xi32, #tpu.memory_space<vmem>>)
      tpu.yield
    }) : () -> ()
    %iota3A = tpu.iota {dimensions = array<i32: 0>} : vector<16xi32>
    %scan3A = arith.constant 0 : i32
    %scan3A_3 = arith.constant 24 : i32
    %scan3A_4 = arith.addi %scan3A, %scan3A_3 : i32
    %scan3A_5 = arith.constant 1 : i32
    scf.for %scan3A_7 = %scan3A to %scan3A_4 step %scan3A_5  : i32 {
      %mul3A_8 = arith.constant 1 : i32
      %mul3A_9 = arith.muli %scan3A_7, %mul3A_8 : i32
      %add3A_10 = arith.constant 0 : i32
      %add3A_11 = arith.addi %add3A_10, %mul3A_9 : i32
      %get3A = arith.index_cast %add3A_11 : i32 to index
      %get3A_12 = arith.constant 0 : index
      %get3A_13 = tpu.vector_load %arg7[%get3A, %get3A_12] {strides = array<i32>} : memref<24x128xi32, #tpu.memory_space<vmem>>, vector<16xi32>,
      %shift_right_logical3A = arith.constant 3 : i32
      %shift_right_logical3A_14 = vector.broadcast %shift_right_logical3A : i32 to vector<16xi32>
      %shift_right_logical3A_15 = arith.shrui %get3A_13, %shift_right_logical3A_14 : vector<16xi32>
      %swap3A = arith.index_cast %add3A_11 : i32 to index
      %swap3A_16 = arith.constant 0 : index
      %swap3A_17 = tpu.vector_load %arg9[%swap3A, %swap3A_16] {strides = array<i32>} : memref<24x128xi32, #tpu.memory_space<vmem>>, vector<16xi32>,
      tpu.vector_store %arg9[%swap3A, %swap3A_16], %shift_right_logical3A_15 {strides = array<i32>} : memref<24x128xi32, #tpu.memory_space<vmem>>, vector<16xi32>,
      %get3A_18 = arith.index_cast %add3A_11 : i32 to index
      %get3A_19 = arith.constant 0 : index
      %get3A_20 = tpu.vector_load %arg8[%get3A_18, %get3A_19] {strides = array<i32>} : memref<24x128xi32, #tpu.memory_space<vmem>>, vector<16xi32>,
      %shift_right_logical3A_21 = arith.constant 3 : i32
      %shift_right_logical3A_22 = vector.broadcast %shift_right_logical3A_21 : i32 to vector<16xi32>
      %shift_right_logical3A_23 = arith.shrui %get3A_20, %shift_right_logical3A_22 : vector<16xi32>
      %swap3A_24 = arith.index_cast %add3A_11 : i32 to index
      %swap3A_25 = arith.constant 0 : index
      %swap3A_26 = tpu.vector_load %arg10[%swap3A_24, %swap3A_25] {strides = array<i32>} : memref<24x128xi32, #tpu.memory_space<vmem>>, vector<16xi32>,
      tpu.vector_store %arg10[%swap3A_24, %swap3A_25], %shift_right_logical3A_23 {strides = array<i32>} : memref<24x128xi32, #tpu.memory_space<vmem>>, vector<16xi32>,
      %get3A_27 = arith.index_cast %add3A_11 : i32 to index
      %get3A_28 = arith.constant 16 : index
      %get3A_29 = tpu.vector_load %arg7[%get3A_27, %get3A_28] {strides = array<i32>} : memref<24x128xi32, #tpu.memory_space<vmem>>, vector<16xi32>,
      %shift_right_logical3A_30 = arith.constant 3 : i32
      %shift_right_logical3A_31 = vector.broadcast %shift_right_logical3A_30 : i32 to vector<16xi32>
      %shift_right_logical3A_32 = arith.shrui %get3A_29, %shift_right_logical3A_31 : vector<16xi32>
      %swap3A_33 = arith.index_cast %add3A_11 : i32 to index
      %swap3A_34 = arith.constant 16 : index
      %swap3A_35 = tpu.vector_load %arg9[%swap3A_33, %swap3A_34] {strides = array<i32>} : memref<24x128xi32, #tpu.memory_space<vmem>>, vector<16xi32>,
      tpu.vector_store %arg9[%swap3A_33, %swap3A_34], %shift_right_logical3A_32 {strides = array<i32>} : memref<24x128xi32, #tpu.memory_space<vmem>>, vector<16xi32>,
      %get3A_36 = arith.index_cast %add3A_11 : i32 to index
      %get3A_37 = arith.constant 16 : index
      %get3A_38 = tpu.vector_load %arg8[%get3A_36, %get3A_37] {strides = array<i32>} : memref<24x128xi32, #tpu.memory_space<vmem>>, vector<16xi32>,
      %shift_right_logical3A_39 = arith.constant 3 : i32
      %shift_right_logical3A_40 = vector.broadcast %shift_right_logical3A_39 : i32 to vector<16xi32>
      %shift_right_logical3A_41 = arith.shrui %get3A_38, %shift_right_logical3A_40 : vector<16xi32>
      %swap3A_42 = arith.index_cast %add3A_11 : i32 to index
      %swap3A_43 = arith.constant 16 : index
      %swap3A_44 = tpu.vector_load %arg10[%swap3A_42, %swap3A_43] {strides = array<i32>} : memref<24x128xi32, #tpu.memory_space<vmem>>, vector<16xi32>,
      tpu.vector_store %arg10[%swap3A_42, %swap3A_43], %shift_right_logical3A_41 {strides = array<i32>} : memref<24x128xi32, #tpu.memory_space<vmem>>, vector<16xi32>,
      %get3A_45 = arith.index_cast %add3A_11 : i32 to index
      %get3A_46 = arith.constant 32 : index
      %get3A_47 = tpu.vector_load %arg7[%get3A_45, %get3A_46] {strides = array<i32>} : memref<24x128xi32, #tpu.memory_space<vmem>>, vector<16xi32>,
      %shift_right_logical3A_48 = arith.constant 3 : i32
      %shift_right_logical3A_49 = vector.broadcast %shift_right_logical3A_48 : i32 to vector<16xi32>
      %shift_right_logical3A_50 = arith.shrui %get3A_47, %shift_right_logical3A_49 : vector<16xi32>
      %swap3A_51 = arith.index_cast %add3A_11 : i32 to index
      %swap3A_52 = arith.constant 32 : index
      %swap3A_53 = tpu.vector_load %arg9[%swap3A_51, %swap3A_52] {strides = array<i32>} : memref<24x128xi32, #tpu.memory_space<vmem>>, vector<16xi32>,
      tpu.vector_store %arg9[%swap3A_51, %swap3A_52], %shift_right_logical3A_50 {strides = array<i32>} : memref<24x128xi32, #tpu.memory_space<vmem>>, vector<16xi32>,
      %get3A_54 = arith.index_cast %add3A_11 : i32 to index
      %get3A_55 = arith.constant 32 : index
      %get3A_56 = tpu.vector_load %arg8[%get3A_54, %get3A_55] {strides = array<i32>} : memref<24x128xi32, #tpu.memory_space<vmem>>, vector<16xi32>,
      %shift_right_logical3A_57 = arith.constant 3 : i32
      %shift_right_logical3A_58 = vector.broadcast %shift_right_logical3A_57 : i32 to vector<16xi32>
      %shift_right_logical3A_59 = arith.shrui %get3A_56, %shift_right_logical3A_58 : vector<16xi32>
      %swap3A_60 = arith.index_cast %add3A_11 : i32 to index
      %swap3A_61 = arith.constant 32 : index
      %swap3A_62 = tpu.vector_load %arg10[%swap3A_60, %swap3A_61] {strides = array<i32>} : memref<24x128xi32, #tpu.memory_space<vmem>>, vector<16xi32>,
      tpu.vector_store %arg10[%swap3A_60, %swap3A_61], %shift_right_logical3A_59 {strides = array<i32>} : memref<24x128xi32, #tpu.memory_space<vmem>>, vector<16xi32>,
      %get3A_63 = arith.index_cast %add3A_11 : i32 to index
      %get3A_64 = arith.constant 48 : index
      %get3A_65 = tpu.vector_load %arg7[%get3A_63, %get3A_64] {strides = array<i32>} : memref<24x128xi32, #tpu.memory_space<vmem>>, vector<16xi32>,
      %shift_right_logical3A_66 = arith.constant 3 : i32
      %shift_right_logical3A_67 = vector.broadcast %shift_right_logical3A_66 : i32 to vector<16xi32>
      %shift_right_logical3A_68 = arith.shrui %get3A_65, %shift_right_logical3A_67 : vector<16xi32>
      %swap3A_69 = arith.index_cast %add3A_11 : i32 to index
      %swap3A_70 = arith.constant 48 : index
      %swap3A_71 = tpu.vector_load %arg9[%swap3A_69, %swap3A_70] {strides = array<i32>} : memref<24x128xi32, #tpu.memory_space<vmem>>, vector<16xi32>,
      tpu.vector_store %arg9[%swap3A_69, %swap3A_70], %shift_right_logical3A_68 {strides = array<i32>} : memref<24x128xi32, #tpu.memory_space<vmem>>, vector<16xi32>,
      %get3A_72 = arith.index_cast %add3A_11 : i32 to index
      %get3A_73 = arith.constant 48 : index
      %get3A_74 = tpu.vector_load %arg8[%get3A_72, %get3A_73] {strides = array<i32>} : memref<24x128xi32, #tpu.memory_space<vmem>>, vector<16xi32>,
      %shift_right_logical3A_75 = arith.constant 3 : i32
      %shift_right_logical3A_76 = vector.broadcast %shift_right_logical3A_75 : i32 to vector<16xi32>
      %shift_right_logical3A_77 = arith.shrui %get3A_74, %shift_right_logical3A_76 : vector<16xi32>
      %swap3A_78 = arith.index_cast %add3A_11 : i32 to index
      %swap3A_79 = arith.constant 48 : index
      %swap3A_80 = tpu.vector_load %arg10[%swap3A_78, %swap3A_79] {strides = array<i32>} : memref<24x128xi32, #tpu.memory_space<vmem>>, vector<16xi32>,
      tpu.vector_store %arg10[%swap3A_78, %swap3A_79], %shift_right_logical3A_77 {strides = array<i32>} : memref<24x128xi32, #tpu.memory_space<vmem>>, vector<16xi32>,
      %get3A_81 = arith.index_cast %add3A_11 : i32 to index
      %get3A_82 = arith.constant 64 : index
      %get3A_83 = tpu.vector_load %arg7[%get3A_81, %get3A_82] {strides = array<i32>} : memref<24x128xi32, #tpu.memory_space<vmem>>, vector<16xi32>,
      %shift_right_logical3A_84 = arith.constant 3 : i32
      %shift_right_logical3A_85 = vector.broadcast %shift_right_logical3A_84 : i32 to vector<16xi32>
      %shift_right_logical3A_86 = arith.shrui %get3A_83, %shift_right_logical3A_85 : vector<16xi32>
      %swap3A_87 = arith.index_cast %add3A_11 : i32 to index
      %swap3A_88 = arith.constant 64 : index
      %swap3A_89 = tpu.vector_load %arg9[%swap3A_87, %swap3A_88] {strides = array<i32>} : memref<24x128xi32, #tpu.memory_space<vmem>>, vector<16xi32>,
      tpu.vector_store %arg9[%swap3A_87, %swap3A_88], %shift_right_logical3A_86 {strides = array<i32>} : memref<24x128xi32, #tpu.memory_space<vmem>>, vector<16xi32>,
      %get3A_90 = arith.index_cast %add3A_11 : i32 to index
      %get3A_91 = arith.constant 64 : index
      %get3A_92 = tpu.vector_load %arg8[%get3A_90, %get3A_91] {strides = array<i32>} : memref<24x128xi32, #tpu.memory_space<vmem>>, vector<16xi32>,
      %shift_right_logical3A_93 = arith.constant 3 : i32
      %shift_right_logical3A_94 = vector.broadcast %shift_right_logical3A_93 : i32 to vector<16xi32>
      %shift_right_logical3A_95 = arith.shrui %get3A_92, %shift_right_logical3A_94 : vector<16xi32>
      %swap3A_96 = arith.index_cast %add3A_11 : i32 to index
      %swap3A_97 = arith.constant 64 : index
      %swap3A_98 = tpu.vector_load %arg10[%swap3A_96, %swap3A_97] {strides = array<i32>} : memref<24x128xi32, #tpu.memory_space<vmem>>, vector<16xi32>,
      tpu.vector_store %arg10[%swap3A_96, %swap3A_97], %shift_right_logical3A_95 {strides = array<i32>} : memref<24x128xi32, #tpu.memory_space<vmem>>, vector<16xi32>,
      %get3A_99 = arith.index_cast %add3A_11 : i32 to index
      %get3A_100 = arith.constant 80 : index
      %get3A_101 = tpu.vector_load %arg7[%get3A_99, %get3A_100] {strides = array<i32>} : memref<24x128xi32, #tpu.memory_space<vmem>>, vector<16xi32>,
      %shift_right_logical3A_102 = arith.constant 3 : i32
      %shift_right_logical3A_103 = vector.broadcast %shift_right_logical3A_102 : i32 to vector<16xi32>
      %shift_right_logical3A_104 = arith.shrui %get3A_101, %shift_right_logical3A_103 : vector<16xi32>
      %swap3A_105 = arith.index_cast %add3A_11 : i32 to index
      %swap3A_106 = arith.constant 80 : index
      %swap3A_107 = tpu.vector_load %arg9[%swap3A_105, %swap3A_106] {strides = array<i32>} : memref<24x128xi32, #tpu.memory_space<vmem>>, vector<16xi32>,
      tpu.vector_store %arg9[%swap3A_105, %swap3A_106], %shift_right_logical3A_104 {strides = array<i32>} : memref<24x128xi32, #tpu.memory_space<vmem>>, vector<16xi32>,
      %get3A_108 = arith.index_cast %add3A_11 : i32 to index
      %get3A_109 = arith.constant 80 : index
      %get3A_110 = tpu.vector_load %arg8[%get3A_108, %get3A_109] {strides = array<i32>} : memref<24x128xi32, #tpu.memory_space<vmem>>, vector<16xi32>,
      %shift_right_logical3A_111 = arith.constant 3 : i32
      %shift_right_logical3A_112 = vector.broadcast %shift_right_logical3A_111 : i32 to vector<16xi32>
      %shift_right_logical3A_113 = arith.shrui %get3A_110, %shift_right_logical3A_112 : vector<16xi32>
      %swap3A_114 = arith.index_cast %add3A_11 : i32 to index
      %swap3A_115 = arith.constant 80 : index
      %swap3A_116 = tpu.vector_load %arg10[%swap3A_114, %swap3A_115] {strides = array<i32>} : memref<24x128xi32, #tpu.memory_space<vmem>>, vector<16xi32>,
      tpu.vector_store %arg10[%swap3A_114, %swap3A_115], %shift_right_logical3A_113 {strides = array<i32>} : memref<24x128xi32, #tpu.memory_space<vmem>>, vector<16xi32>,
      %get3A_117 = arith.index_cast %add3A_11 : i32 to index
      %get3A_118 = arith.constant 96 : index
      %get3A_119 = tpu.vector_load %arg7[%get3A_117, %get3A_118] {strides = array<i32>} : memref<24x128xi32, #tpu.memory_space<vmem>>, vector<16xi32>,
      %shift_right_logical3A_120 = arith.constant 3 : i32
      %shift_right_logical3A_121 = vector.broadcast %shift_right_logical3A_120 : i32 to vector<16xi32>
      %shift_right_logical3A_122 = arith.shrui %get3A_119, %shift_right_logical3A_121 : vector<16xi32>
      %swap3A_123 = arith.index_cast %add3A_11 : i32 to index
      %swap3A_124 = arith.constant 96 : index
      %swap3A_125 = tpu.vector_load %arg9[%swap3A_123, %swap3A_124] {strides = array<i32>} : memref<24x128xi32, #tpu.memory_space<vmem>>, vector<16xi32>,
      tpu.vector_store %arg9[%swap3A_123, %swap3A_124], %shift_right_logical3A_122 {strides = array<i32>} : memref<24x128xi32, #tpu.memory_space<vmem>>, vector<16xi32>,
      %get3A_126 = arith.index_cast %add3A_11 : i32 to index
      %get3A_127 = arith.constant 96 : index
      %get3A_128 = tpu.vector_load %arg8[%get3A_126, %get3A_127] {strides = array<i32>} : memref<24x128xi32, #tpu.memory_space<vmem>>, vector<16xi32>,
      %shift_right_logical3A_129 = arith.constant 3 : i32
      %shift_right_logical3A_130 = vector.broadcast %shift_right_logical3A_129 : i32 to vector<16xi32>
      %shift_right_logical3A_131 = arith.shrui %get3A_128, %shift_right_logical3A_130 : vector<16xi32>
      %swap3A_132 = arith.index_cast %add3A_11 : i32 to index
      %swap3A_133 = arith.constant 96 : index
      %swap3A_134 = tpu.vector_load %arg10[%swap3A_132, %swap3A_133] {strides = array<i32>} : memref<24x128xi32, #tpu.memory_space<vmem>>, vector<16xi32>,
      tpu.vector_store %arg10[%swap3A_132, %swap3A_133], %shift_right_logical3A_131 {strides = array<i32>} : memref<24x128xi32, #tpu.memory_space<vmem>>, vector<16xi32>,
      %get3A_135 = arith.index_cast %add3A_11 : i32 to index
      %get3A_136 = arith.constant 112 : index
      %get3A_137 = tpu.vector_load %arg7[%get3A_135, %get3A_136] {strides = array<i32>} : memref<24x128xi32, #tpu.memory_space<vmem>>, vector<16xi32>,
      %shift_right_logical3A_138 = arith.constant 3 : i32
      %shift_right_logical3A_139 = vector.broadcast %shift_right_logical3A_138 : i32 to vector<16xi32>
      %shift_right_logical3A_140 = arith.shrui %get3A_137, %shift_right_logical3A_139 : vector<16xi32>
      %swap3A_141 = arith.index_cast %add3A_11 : i32 to index
      %swap3A_142 = arith.constant 112 : index
      %swap3A_143 = tpu.vector_load %arg9[%swap3A_141, %swap3A_142] {strides = array<i32>} : memref<24x128xi32, #tpu.memory_space<vmem>>, vector<16xi32>,
      tpu.vector_store %arg9[%swap3A_141, %swap3A_142], %shift_right_logical3A_140 {strides = array<i32>} : memref<24x128xi32, #tpu.memory_space<vmem>>, vector<16xi32>,
      %get3A_144 = arith.index_cast %add3A_11 : i32 to index
      %get3A_145 = arith.constant 112 : index
      %get3A_146 = tpu.vector_load %arg8[%get3A_144, %get3A_145] {strides = array<i32>} : memref<24x128xi32, #tpu.memory_space<vmem>>, vector<16xi32>,
      %shift_right_logical3A_147 = arith.constant 3 : i32
      %shift_right_logical3A_148 = vector.broadcast %shift_right_logical3A_147 : i32 to vector<16xi32>
      %shift_right_logical3A_149 = arith.shrui %get3A_146, %shift_right_logical3A_148 : vector<16xi32>
      %swap3A_150 = arith.index_cast %add3A_11 : i32 to index
      %swap3A_151 = arith.constant 112 : index
      %swap3A_152 = tpu.vector_load %arg10[%swap3A_150, %swap3A_151] {strides = array<i32>} : memref<24x128xi32, #tpu.memory_space<vmem>>, vector<16xi32>,
      tpu.vector_store %arg10[%swap3A_150, %swap3A_151], %shift_right_logical3A_149 {strides = array<i32>} : memref<24x128xi32, #tpu.memory_space<vmem>>, vector<16xi32>,
      %dma_start3A = arith.constant 0 : i32
      %dma_start3A_153 = tpu.memref_slice %arg9[%add3A_11, %dma_start3A] : memref<24x128xi32, #tpu.memory_space<vmem>> -> memref<1x128xi32, #tpu.memory_space<vmem>>
      %dma_start3A_154 = tpu.memref_squeeze %dma_start3A_153 : memref<1x128xi32, #tpu.memory_space<vmem>> -> memref<128xi32, #tpu.memory_space<vmem>>
      %dma_start3A_155 = arith.constant 0 : i32
      %dma_start3A_156 = arith.constant 0 : i32
      %dma_start3A_157 = tpu.memref_slice %arg2[%dma_start3A_155, %dma_start3A_156] : memref<125000x128xf32, #tpu.memory_space<hbm>> -> memref<125000x128xf32, #tpu.memory_space<hbm>>
      tpu.enqueue_indirect_dma source(%dma_start3A_157 : memref<125000x128xf32, #tpu.memory_space<hbm>>) target(%arg11 : memref<128x128xf32, #tpu.memory_space<vmem>>) offsets(%dma_start3A_154 : memref<128xi32, #tpu.memory_space<vmem>>) semaphore(%arg14 : memref<!tpu.dma_semaphore, #tpu.memory_space<semaphore_mem>>)
      %dma_start3A_158 = arith.constant 0 : i32
      %dma_start3A_159 = tpu.memref_slice %arg10[%add3A_11, %dma_start3A_158] : memref<24x128xi32, #tpu.memory_space<vmem>> -> memref<1x128xi32, #tpu.memory_space<vmem>>
      %dma_start3A_160 = tpu.memref_squeeze %dma_start3A_159 : memref<1x128xi32, #tpu.memory_space<vmem>> -> memref<128xi32, #tpu.memory_space<vmem>>
      %dma_start3A_161 = arith.constant 0 : i32
      %dma_start3A_162 = arith.constant 0 : i32
      %dma_start3A_163 = tpu.memref_slice %arg3[%dma_start3A_161, %dma_start3A_162] : memref<125000x128xf32, #tpu.memory_space<hbm>> -> memref<125000x128xf32, #tpu.memory_space<hbm>>
      tpu.enqueue_indirect_dma source(%dma_start3A_163 : memref<125000x128xf32, #tpu.memory_space<hbm>>) target(%arg12 : memref<128x128xf32, #tpu.memory_space<vmem>>) offsets(%dma_start3A_160 : memref<128xi32, #tpu.memory_space<vmem>>) semaphore(%arg15 : memref<!tpu.dma_semaphore, #tpu.memory_space<semaphore_mem>>)
      %dma_wait3A = arith.constant 0 : i32
      %dma_wait3A_164 = tpu.memref_slice %arg9[%add3A_11, %dma_wait3A] : memref<24x128xi32, #tpu.memory_space<vmem>> -> memref<1x128xi32, #tpu.memory_space<vmem>>
      %dma_wait3A_165 = tpu.memref_squeeze %dma_wait3A_164 : memref<1x128xi32, #tpu.memory_space<vmem>> -> memref<128xi32, #tpu.memory_space<vmem>>
      %dma_wait3A_166 = arith.constant 0 : i32
      %dma_wait3A_167 = arith.constant 0 : i32
      %dma_wait3A_168 = tpu.memref_slice %arg2[%dma_wait3A_166, %dma_wait3A_167] : memref<125000x128xf32, #tpu.memory_space<hbm>> -> memref<125000x128xf32, #tpu.memory_space<hbm>>
      tpu.wait_indirect_dma semaphore(%arg14 : memref<!tpu.dma_semaphore, #tpu.memory_space<semaphore_mem>>) src(%dma_wait3A_168 : memref<125000x128xf32, #tpu.memory_space<hbm>>) dst(%arg11 : memref<128x128xf32, #tpu.memory_space<vmem>>)
      %dma_wait3A_169 = arith.constant 0 : i32
      %dma_wait3A_170 = tpu.memref_slice %arg10[%add3A_11, %dma_wait3A_169] : memref<24x128xi32, #tpu.memory_space<vmem>> -> memref<1x128xi32, #tpu.memory_space<vmem>>
      %dma_wait3A_171 = tpu.memref_squeeze %dma_wait3A_170 : memref<1x128xi32, #tpu.memory_space<vmem>> -> memref<128xi32, #tpu.memory_space<vmem>>
      %dma_wait3A_172 = arith.constant 0 : i32
      %dma_wait3A_173 = arith.constant 0 : i32
      %dma_wait3A_174 = tpu.memref_slice %arg3[%dma_wait3A_172, %dma_wait3A_173] : memref<125000x128xf32, #tpu.memory_space<hbm>> -> memref<125000x128xf32, #tpu.memory_space<hbm>>
      tpu.wait_indirect_dma semaphore(%arg15 : memref<!tpu.dma_semaphore, #tpu.memory_space<semaphore_mem>>) src(%dma_wait3A_174 : memref<125000x128xf32, #tpu.memory_space<hbm>>) dst(%arg12 : memref<128x128xf32, #tpu.memory_space<vmem>>)
      %add3A_175 = arith.constant 0 : i32
      %add3A_176 = vector.broadcast %add3A_175 : i32 to vector<16xi32>
      %add3A_177 = arith.addi %add3A_176, %iota3A : vector<16xi32>
      %get3A_178 = arith.index_cast %add3A_11 : i32 to index
      %get3A_179 = arith.constant 0 : index
      %get3A_180 = tpu.vector_load %arg7[%get3A_178, %get3A_179] {strides = array<i32>} : memref<24x128xi32, #tpu.memory_space<vmem>>, vector<16xi32>,
      %and3A = arith.constant 7 : i32
      %and3A_181 = vector.broadcast %and3A : i32 to vector<16xi32>
      %and3A_182 = arith.andi %get3A_180, %and3A_181 : vector<16xi32>
      %mul3A_183 = arith.constant 16 : i32
      %mul3A_184 = vector.broadcast %mul3A_183 : i32 to vector<16xi32>
      %mul3A_185 = arith.muli %and3A_182, %mul3A_184 : vector<16xi32>
      %get3A_186 = arith.index_cast %add3A_11 : i32 to index
      %get3A_187 = arith.constant 0 : index
      %get3A_188 = tpu.vector_load %arg8[%get3A_186, %get3A_187] {strides = array<i32>} : memref<24x128xi32, #tpu.memory_space<vmem>>, vector<16xi32>,
      %and3A_189 = arith.constant 7 : i32
      %and3A_190 = vector.broadcast %and3A_189 : i32 to vector<16xi32>
      %and3A_191 = arith.andi %get3A_188, %and3A_190 : vector<16xi32>
      %mul3A_192 = arith.constant 16 : i32
      %mul3A_193 = vector.broadcast %mul3A_192 : i32 to vector<16xi32>
      %mul3A_194 = arith.muli %and3A_191, %mul3A_193 : vector<16xi32>
      %broadcast_in_dim3A = arith.constant 0.000000e+00 : f32
      %broadcast_in_dim3A_195 = vector.broadcast %broadcast_in_dim3A : f32 to vector<16xf32>
      %add3A_196 = arith.constant 0 : i32
      %add3A_197 = vector.broadcast %add3A_196 : i32 to vector<16xi32>
      %add3A_198 = arith.addi %mul3A_185, %add3A_197 : vector<16xi32>
      %gather3A = tpu.vector_load_idx %arg11[%add3A_177, %add3A_198] : memref<128x128xf32, #tpu.memory_space<vmem>>[vector<16xi32>, vector<16xi32>], vector<16xf32>,
      %add3A_199 = arith.constant 0 : i32
      %add3A_200 = vector.broadcast %add3A_199 : i32 to vector<16xi32>
      %add3A_201 = arith.addi %mul3A_194, %add3A_200 : vector<16xi32>
      %gather3A_202 = tpu.vector_load_idx %arg12[%add3A_177, %add3A_201] : memref<128x128xf32, #tpu.memory_space<vmem>>[vector<16xi32>, vector<16xi32>], vector<16xf32>,
      %mul3A_203 = arith.mulf %gather3A, %gather3A_202 : vector<16xf32>
      %add3A_204 = arith.addf %broadcast_in_dim3A_195, %mul3A_203 : vector<16xf32>
      %add3A_205 = arith.constant 1 : i32
      %add3A_206 = vector.broadcast %add3A_205 : i32 to vector<16xi32>
      %add3A_207 = arith.addi %mul3A_185, %add3A_206 : vector<16xi32>
      %gather3A_208 = tpu.vector_load_idx %arg11[%add3A_177, %add3A_207] : memref<128x128xf32, #tpu.memory_space<vmem>>[vector<16xi32>, vector<16xi32>], vector<16xf32>,
      %add3A_209 = arith.constant 1 : i32
      %add3A_210 = vector.broadcast %add3A_209 : i32 to vector<16xi32>
      %add3A_211 = arith.addi %mul3A_194, %add3A_210 : vector<16xi32>
      %gather3A_212 = tpu.vector_load_idx %arg12[%add3A_177, %add3A_211] : memref<128x128xf32, #tpu.memory_space<vmem>>[vector<16xi32>, vector<16xi32>], vector<16xf32>,
      %mul3A_213 = arith.mulf %gather3A_208, %gather3A_212 : vector<16xf32>
      %add3A_214 = arith.addf %add3A_204, %mul3A_213 : vector<16xf32>
      %add3A_215 = arith.constant 2 : i32
      %add3A_216 = vector.broadcast %add3A_215 : i32 to vector<16xi32>
      %add3A_217 = arith.addi %mul3A_185, %add3A_216 : vector<16xi32>
      %gather3A_218 = tpu.vector_load_idx %arg11[%add3A_177, %add3A_217] : memref<128x128xf32, #tpu.memory_space<vmem>>[vector<16xi32>, vector<16xi32>], vector<16xf32>,
      %add3A_219 = arith.constant 2 : i32
      %add3A_220 = vector.broadcast %add3A_219 : i32 to vector<16xi32>
      %add3A_221 = arith.addi %mul3A_194, %add3A_220 : vector<16xi32>
      %gather3A_222 = tpu.vector_load_idx %arg12[%add3A_177, %add3A_221] : memref<128x128xf32, #tpu.memory_space<vmem>>[vector<16xi32>, vector<16xi32>], vector<16xf32>,
      %mul3A_223 = arith.mulf %gather3A_218, %gather3A_222 : vector<16xf32>
      %add3A_224 = arith.addf %add3A_214, %mul3A_223 : vector<16xf32>
      %add3A_225 = arith.constant 3 : i32
      %add3A_226 = vector.broadcast %add3A_225 : i32 to vector<16xi32>
      %add3A_227 = arith.addi %mul3A_185, %add3A_226 : vector<16xi32>
      %gather3A_228 = tpu.vector_load_idx %arg11[%add3A_177, %add3A_227] : memref<128x128xf32, #tpu.memory_space<vmem>>[vector<16xi32>, vector<16xi32>], vector<16xf32>,
      %add3A_229 = arith.constant 3 : i32
      %add3A_230 = vector.broadcast %add3A_229 : i32 to vector<16xi32>
      %add3A_231 = arith.addi %mul3A_194, %add3A_230 : vector<16xi32>
      %gather3A_232 = tpu.vector_load_idx %arg12[%add3A_177, %add3A_231] : memref<128x128xf32, #tpu.memory_space<vmem>>[vector<16xi32>, vector<16xi32>], vector<16xf32>,
      %mul3A_233 = arith.mulf %gather3A_228, %gather3A_232 : vector<16xf32>
      %add3A_234 = arith.addf %add3A_224, %mul3A_233 : vector<16xf32>
      %add3A_235 = arith.constant 4 : i32
      %add3A_236 = vector.broadcast %add3A_235 : i32 to vector<16xi32>
      %add3A_237 = arith.addi %mul3A_185, %add3A_236 : vector<16xi32>
      %gather3A_238 = tpu.vector_load_idx %arg11[%add3A_177, %add3A_237] : memref<128x128xf32, #tpu.memory_space<vmem>>[vector<16xi32>, vector<16xi32>], vector<16xf32>,
      %add3A_239 = arith.constant 4 : i32
      %add3A_240 = vector.broadcast %add3A_239 : i32 to vector<16xi32>
      %add3A_241 = arith.addi %mul3A_194, %add3A_240 : vector<16xi32>
      %gather3A_242 = tpu.vector_load_idx %arg12[%add3A_177, %add3A_241] : memref<128x128xf32, #tpu.memory_space<vmem>>[vector<16xi32>, vector<16xi32>], vector<16xf32>,
      %mul3A_243 = arith.mulf %gather3A_238, %gather3A_242 : vector<16xf32>
      %add3A_244 = arith.addf %add3A_234, %mul3A_243 : vector<16xf32>
      %add3A_245 = arith.constant 5 : i32
      %add3A_246 = vector.broadcast %add3A_245 : i32 to vector<16xi32>
      %add3A_247 = arith.addi %mul3A_185, %add3A_246 : vector<16xi32>
      %gather3A_248 = tpu.vector_load_idx %arg11[%add3A_177, %add3A_247] : memref<128x128xf32, #tpu.memory_space<vmem>>[vector<16xi32>, vector<16xi32>], vector<16xf32>,
      %add3A_249 = arith.constant 5 : i32
      %add3A_250 = vector.broadcast %add3A_249 : i32 to vector<16xi32>
      %add3A_251 = arith.addi %mul3A_194, %add3A_250 : vector<16xi32>
      %gather3A_252 = tpu.vector_load_idx %arg12[%add3A_177, %add3A_251] : memref<128x128xf32, #tpu.memory_space<vmem>>[vector<16xi32>, vector<16xi32>], vector<16xf32>,
      %mul3A_253 = arith.mulf %gather3A_248, %gather3A_252 : vector<16xf32>
      %add3A_254 = arith.addf %add3A_244, %mul3A_253 : vector<16xf32>
      %add3A_255 = arith.constant 6 : i32
      %add3A_256 = vector.broadcast %add3A_255 : i32 to vector<16xi32>
      %add3A_257 = arith.addi %mul3A_185, %add3A_256 : vector<16xi32>
      %gather3A_258 = tpu.vector_load_idx %arg11[%add3A_177, %add3A_257] : memref<128x128xf32, #tpu.memory_space<vmem>>[vector<16xi32>, vector<16xi32>], vector<16xf32>,
      %add3A_259 = arith.constant 6 : i32
      %add3A_260 = vector.broadcast %add3A_259 : i32 to vector<16xi32>
      %add3A_261 = arith.addi %mul3A_194, %add3A_260 : vector<16xi32>
      %gather3A_262 = tpu.vector_load_idx %arg12[%add3A_177, %add3A_261] : memref<128x128xf32, #tpu.memory_space<vmem>>[vector<16xi32>, vector<16xi32>], vector<16xf32>,
      %mul3A_263 = arith.mulf %gather3A_258, %gather3A_262 : vector<16xf32>
      %add3A_264 = arith.addf %add3A_254, %mul3A_263 : vector<16xf32>
      %add3A_265 = arith.constant 7 : i32
      %add3A_266 = vector.broadcast %add3A_265 : i32 to vector<16xi32>
      %add3A_267 = arith.addi %mul3A_185, %add3A_266 : vector<16xi32>
      %gather3A_268 = tpu.vector_load_idx %arg11[%add3A_177, %add3A_267] : memref<128x128xf32, #tpu.memory_space<vmem>>[vector<16xi32>, vector<16xi32>], vector<16xf32>,
      %add3A_269 = arith.constant 7 : i32
      %add3A_270 = vector.broadcast %add3A_269 : i32 to vector<16xi32>
      %add3A_271 = arith.addi %mul3A_194, %add3A_270 : vector<16xi32>
      %gather3A_272 = tpu.vector_load_idx %arg12[%add3A_177, %add3A_271] : memref<128x128xf32, #tpu.memory_space<vmem>>[vector<16xi32>, vector<16xi32>], vector<16xf32>,
      %mul3A_273 = arith.mulf %gather3A_268, %gather3A_272 : vector<16xf32>
      %add3A_274 = arith.addf %add3A_264, %mul3A_273 : vector<16xf32>
      %add3A_275 = arith.constant 8 : i32
      %add3A_276 = vector.broadcast %add3A_275 : i32 to vector<16xi32>
      %add3A_277 = arith.addi %mul3A_185, %add3A_276 : vector<16xi32>
      %gather3A_278 = tpu.vector_load_idx %arg11[%add3A_177, %add3A_277] : memref<128x128xf32, #tpu.memory_space<vmem>>[vector<16xi32>, vector<16xi32>], vector<16xf32>,
      %add3A_279 = arith.constant 8 : i32
      %add3A_280 = vector.broadcast %add3A_279 : i32 to vector<16xi32>
      %add3A_281 = arith.addi %mul3A_194, %add3A_280 : vector<16xi32>
      %gather3A_282 = tpu.vector_load_idx %arg12[%add3A_177, %add3A_281] : memref<128x128xf32, #tpu.memory_space<vmem>>[vector<16xi32>, vector<16xi32>], vector<16xf32>,
      %mul3A_283 = arith.mulf %gather3A_278, %gather3A_282 : vector<16xf32>
      %add3A_284 = arith.addf %add3A_274, %mul3A_283 : vector<16xf32>
      %add3A_285 = arith.constant 9 : i32
      %add3A_286 = vector.broadcast %add3A_285 : i32 to vector<16xi32>
      %add3A_287 = arith.addi %mul3A_185, %add3A_286 : vector<16xi32>
      %gather3A_288 = tpu.vector_load_idx %arg11[%add3A_177, %add3A_287] : memref<128x128xf32, #tpu.memory_space<vmem>>[vector<16xi32>, vector<16xi32>], vector<16xf32>,
      %add3A_289 = arith.constant 9 : i32
      %add3A_290 = vector.broadcast %add3A_289 : i32 to vector<16xi32>
      %add3A_291 = arith.addi %mul3A_194, %add3A_290 : vector<16xi32>
      %gather3A_292 = tpu.vector_load_idx %arg12[%add3A_177, %add3A_291] : memref<128x128xf32, #tpu.memory_space<vmem>>[vector<16xi32>, vector<16xi32>], vector<16xf32>,
      %mul3A_293 = arith.mulf %gather3A_288, %gather3A_292 : vector<16xf32>
      %add3A_294 = arith.addf %add3A_284, %mul3A_293 : vector<16xf32>
      %add3A_295 = arith.constant 10 : i32
      %add3A_296 = vector.broadcast %add3A_295 : i32 to vector<16xi32>
      %add3A_297 = arith.addi %mul3A_185, %add3A_296 : vector<16xi32>
      %gather3A_298 = tpu.vector_load_idx %arg11[%add3A_177, %add3A_297] : memref<128x128xf32, #tpu.memory_space<vmem>>[vector<16xi32>, vector<16xi32>], vector<16xf32>,
      %add3A_299 = arith.constant 10 : i32
      %add3A_300 = vector.broadcast %add3A_299 : i32 to vector<16xi32>
      %add3A_301 = arith.addi %mul3A_194, %add3A_300 : vector<16xi32>
      %gather3A_302 = tpu.vector_load_idx %arg12[%add3A_177, %add3A_301] : memref<128x128xf32, #tpu.memory_space<vmem>>[vector<16xi32>, vector<16xi32>], vector<16xf32>,
      %mul3A_303 = arith.mulf %gather3A_298, %gather3A_302 : vector<16xf32>
      %add3A_304 = arith.addf %add3A_294, %mul3A_303 : vector<16xf32>
      %add3A_305 = arith.constant 11 : i32
      %add3A_306 = vector.broadcast %add3A_305 : i32 to vector<16xi32>
      %add3A_307 = arith.addi %mul3A_185, %add3A_306 : vector<16xi32>
      %gather3A_308 = tpu.vector_load_idx %arg11[%add3A_177, %add3A_307] : memref<128x128xf32, #tpu.memory_space<vmem>>[vector<16xi32>, vector<16xi32>], vector<16xf32>,
      %add3A_309 = arith.constant 11 : i32
      %add3A_310 = vector.broadcast %add3A_309 : i32 to vector<16xi32>
      %add3A_311 = arith.addi %mul3A_194, %add3A_310 : vector<16xi32>
      %gather3A_312 = tpu.vector_load_idx %arg12[%add3A_177, %add3A_311] : memref<128x128xf32, #tpu.memory_space<vmem>>[vector<16xi32>, vector<16xi32>], vector<16xf32>,
      %mul3A_313 = arith.mulf %gather3A_308, %gather3A_312 : vector<16xf32>
      %add3A_314 = arith.addf %add3A_304, %mul3A_313 : vector<16xf32>
      %add3A_315 = arith.constant 12 : i32
      %add3A_316 = vector.broadcast %add3A_315 : i32 to vector<16xi32>
      %add3A_317 = arith.addi %mul3A_185, %add3A_316 : vector<16xi32>
      %gather3A_318 = tpu.vector_load_idx %arg11[%add3A_177, %add3A_317] : memref<128x128xf32, #tpu.memory_space<vmem>>[vector<16xi32>, vector<16xi32>], vector<16xf32>,
      %add3A_319 = arith.constant 12 : i32
      %add3A_320 = vector.broadcast %add3A_319 : i32 to vector<16xi32>
      %add3A_321 = arith.addi %mul3A_194, %add3A_320 : vector<16xi32>
      %gather3A_322 = tpu.vector_load_idx %arg12[%add3A_177, %add3A_321] : memref<128x128xf32, #tpu.memory_space<vmem>>[vector<16xi32>, vector<16xi32>], vector<16xf32>,
      %mul3A_323 = arith.mulf %gather3A_318, %gather3A_322 : vector<16xf32>
      %add3A_324 = arith.addf %add3A_314, %mul3A_323 : vector<16xf32>
      %add3A_325 = arith.constant 13 : i32
      %add3A_326 = vector.broadcast %add3A_325 : i32 to vector<16xi32>
      %add3A_327 = arith.addi %mul3A_185, %add3A_326 : vector<16xi32>
      %gather3A_328 = tpu.vector_load_idx %arg11[%add3A_177, %add3A_327] : memref<128x128xf32, #tpu.memory_space<vmem>>[vector<16xi32>, vector<16xi32>], vector<16xf32>,
      %add3A_329 = arith.constant 13 : i32
      %add3A_330 = vector.broadcast %add3A_329 : i32 to vector<16xi32>
      %add3A_331 = arith.addi %mul3A_194, %add3A_330 : vector<16xi32>
      %gather3A_332 = tpu.vector_load_idx %arg12[%add3A_177, %add3A_331] : memref<128x128xf32, #tpu.memory_space<vmem>>[vector<16xi32>, vector<16xi32>], vector<16xf32>,
      %mul3A_333 = arith.mulf %gather3A_328, %gather3A_332 : vector<16xf32>
      %add3A_334 = arith.addf %add3A_324, %mul3A_333 : vector<16xf32>
      %add3A_335 = arith.constant 14 : i32
      %add3A_336 = vector.broadcast %add3A_335 : i32 to vector<16xi32>
      %add3A_337 = arith.addi %mul3A_185, %add3A_336 : vector<16xi32>
      %gather3A_338 = tpu.vector_load_idx %arg11[%add3A_177, %add3A_337] : memref<128x128xf32, #tpu.memory_space<vmem>>[vector<16xi32>, vector<16xi32>], vector<16xf32>,
      %add3A_339 = arith.constant 14 : i32
      %add3A_340 = vector.broadcast %add3A_339 : i32 to vector<16xi32>
      %add3A_341 = arith.addi %mul3A_194, %add3A_340 : vector<16xi32>
      %gather3A_342 = tpu.vector_load_idx %arg12[%add3A_177, %add3A_341] : memref<128x128xf32, #tpu.memory_space<vmem>>[vector<16xi32>, vector<16xi32>], vector<16xf32>,
      %mul3A_343 = arith.mulf %gather3A_338, %gather3A_342 : vector<16xf32>
      %add3A_344 = arith.addf %add3A_334, %mul3A_343 : vector<16xf32>
      %add3A_345 = arith.constant 15 : i32
      %add3A_346 = vector.broadcast %add3A_345 : i32 to vector<16xi32>
      %add3A_347 = arith.addi %mul3A_185, %add3A_346 : vector<16xi32>
      %gather3A_348 = tpu.vector_load_idx %arg11[%add3A_177, %add3A_347] : memref<128x128xf32, #tpu.memory_space<vmem>>[vector<16xi32>, vector<16xi32>], vector<16xf32>,
      %add3A_349 = arith.constant 15 : i32
      %add3A_350 = vector.broadcast %add3A_349 : i32 to vector<16xi32>
      %add3A_351 = arith.addi %mul3A_194, %add3A_350 : vector<16xi32>
      %gather3A_352 = tpu.vector_load_idx %arg12[%add3A_177, %add3A_351] : memref<128x128xf32, #tpu.memory_space<vmem>>[vector<16xi32>, vector<16xi32>], vector<16xf32>,
      %mul3A_353 = arith.mulf %gather3A_348, %gather3A_352 : vector<16xf32>
      %add3A_354 = arith.addf %add3A_344, %mul3A_353 : vector<16xf32>
      %swap3A_355 = arith.index_cast %add3A_11 : i32 to index
      %swap3A_356 = arith.constant 0 : index
      %swap3A_357 = tpu.vector_load %arg13[%swap3A_355, %swap3A_356] {strides = array<i32>} : memref<24x128xf32, #tpu.memory_space<vmem>>, vector<16xf32>,
      tpu.vector_store %arg13[%swap3A_355, %swap3A_356], %add3A_354 {strides = array<i32>} : memref<24x128xf32, #tpu.memory_space<vmem>>, vector<16xf32>,
      %add3A_358 = arith.constant 16 : i32
      %add3A_359 = vector.broadcast %add3A_358 : i32 to vector<16xi32>
      %add3A_360 = arith.addi %add3A_359, %iota3A : vector<16xi32>
      %get3A_361 = arith.index_cast %add3A_11 : i32 to index
      %get3A_362 = arith.constant 16 : index
      %get3A_363 = tpu.vector_load %arg7[%get3A_361, %get3A_362] {strides = array<i32>} : memref<24x128xi32, #tpu.memory_space<vmem>>, vector<16xi32>,
      %and3A_364 = arith.constant 7 : i32
      %and3A_365 = vector.broadcast %and3A_364 : i32 to vector<16xi32>
      %and3A_366 = arith.andi %get3A_363, %and3A_365 : vector<16xi32>
      %mul3A_367 = arith.constant 16 : i32
      %mul3A_368 = vector.broadcast %mul3A_367 : i32 to vector<16xi32>
      %mul3A_369 = arith.muli %and3A_366, %mul3A_368 : vector<16xi32>
      %get3A_370 = arith.index_cast %add3A_11 : i32 to index
      %get3A_371 = arith.constant 16 : index
      %get3A_372 = tpu.vector_load %arg8[%get3A_370, %get3A_371] {strides = array<i32>} : memref<24x128xi32, #tpu.memory_space<vmem>>, vector<16xi32>,
      %and3A_373 = arith.constant 7 : i32
      %and3A_374 = vector.broadcast %and3A_373 : i32 to vector<16xi32>
      %and3A_375 = arith.andi %get3A_372, %and3A_374 : vector<16xi32>
      %mul3A_376 = arith.constant 16 : i32
      %mul3A_377 = vector.broadcast %mul3A_376 : i32 to vector<16xi32>
      %mul3A_378 = arith.muli %and3A_375, %mul3A_377 : vector<16xi32>
      %broadcast_in_dim3A_379 = arith.constant 0.000000e+00 : f32
      %broadcast_in_dim3A_380 = vector.broadcast %broadcast_in_dim3A_379 : f32 to vector<16xf32>
      %add3A_381 = arith.constant 0 : i32
      %add3A_382 = vector.broadcast %add3A_381 : i32 to vector<16xi32>
      %add3A_383 = arith.addi %mul3A_369, %add3A_382 : vector<16xi32>
      %gather3A_384 = tpu.vector_load_idx %arg11[%add3A_360, %add3A_383] : memref<128x128xf32, #tpu.memory_space<vmem>>[vector<16xi32>, vector<16xi32>], vector<16xf32>,
      %add3A_385 = arith.constant 0 : i32
      %add3A_386 = vector.broadcast %add3A_385 : i32 to vector<16xi32>
      %add3A_387 = arith.addi %mul3A_378, %add3A_386 : vector<16xi32>
      %gather3A_388 = tpu.vector_load_idx %arg12[%add3A_360, %add3A_387] : memref<128x128xf32, #tpu.memory_space<vmem>>[vector<16xi32>, vector<16xi32>], vector<16xf32>,
      %mul3A_389 = arith.mulf %gather3A_384, %gather3A_388 : vector<16xf32>
      %add3A_390 = arith.addf %broadcast_in_dim3A_380, %mul3A_389 : vector<16xf32>
      %add3A_391 = arith.constant 1 : i32
      %add3A_392 = vector.broadcast %add3A_391 : i32 to vector<16xi32>
      %add3A_393 = arith.addi %mul3A_369, %add3A_392 : vector<16xi32>
      %gather3A_394 = tpu.vector_load_idx %arg11[%add3A_360, %add3A_393] : memref<128x128xf32, #tpu.memory_space<vmem>>[vector<16xi32>, vector<16xi32>], vector<16xf32>,
      %add3A_395 = arith.constant 1 : i32
      %add3A_396 = vector.broadcast %add3A_395 : i32 to vector<16xi32>
      %add3A_397 = arith.addi %mul3A_378, %add3A_396 : vector<16xi32>
      %gather3A_398 = tpu.vector_load_idx %arg12[%add3A_360, %add3A_397] : memref<128x128xf32, #tpu.memory_space<vmem>>[vector<16xi32>, vector<16xi32>], vector<16xf32>,
      %mul3A_399 = arith.mulf %gather3A_394, %gather3A_398 : vector<16xf32>
      %add3A_400 = arith.addf %add3A_390, %mul3A_399 : vector<16xf32>
      %add3A_401 = arith.constant 2 : i32
      %add3A_402 = vector.broadcast %add3A_401 : i32 to vector<16xi32>
      %add3A_403 = arith.addi %mul3A_369, %add3A_402 : vector<16xi32>
      %gather3A_404 = tpu.vector_load_idx %arg11[%add3A_360, %add3A_403] : memref<128x128xf32, #tpu.memory_space<vmem>>[vector<16xi32>, vector<16xi32>], vector<16xf32>,
      %add3A_405 = arith.constant 2 : i32
      %add3A_406 = vector.broadcast %add3A_405 : i32 to vector<16xi32>
      %add3A_407 = arith.addi %mul3A_378, %add3A_406 : vector<16xi32>
      %gather3A_408 = tpu.vector_load_idx %arg12[%add3A_360, %add3A_407] : memref<128x128xf32, #tpu.memory_space<vmem>>[vector<16xi32>, vector<16xi32>], vector<16xf32>,
      %mul3A_409 = arith.mulf %gather3A_404, %gather3A_408 : vector<16xf32>
      %add3A_410 = arith.addf %add3A_400, %mul3A_409 : vector<16xf32>
      %add3A_411 = arith.constant 3 : i32
      %add3A_412 = vector.broadcast %add3A_411 : i32 to vector<16xi32>
      %add3A_413 = arith.addi %mul3A_369, %add3A_412 : vector<16xi32>
      %gather3A_414 = tpu.vector_load_idx %arg11[%add3A_360, %add3A_413] : memref<128x128xf32, #tpu.memory_space<vmem>>[vector<16xi32>, vector<16xi32>], vector<16xf32>,
      %add3A_415 = arith.constant 3 : i32
      %add3A_416 = vector.broadcast %add3A_415 : i32 to vector<16xi32>
      %add3A_417 = arith.addi %mul3A_378, %add3A_416 : vector<16xi32>
      %gather3A_418 = tpu.vector_load_idx %arg12[%add3A_360, %add3A_417] : memref<128x128xf32, #tpu.memory_space<vmem>>[vector<16xi32>, vector<16xi32>], vector<16xf32>,
      %mul3A_419 = arith.mulf %gather3A_414, %gather3A_418 : vector<16xf32>
      %add3A_420 = arith.addf %add3A_410, %mul3A_419 : vector<16xf32>
      %add3A_421 = arith.constant 4 : i32
      %add3A_422 = vector.broadcast %add3A_421 : i32 to vector<16xi32>
      %add3A_423 = arith.addi %mul3A_369, %add3A_422 : vector<16xi32>
      %gather3A_424 = tpu.vector_load_idx %arg11[%add3A_360, %add3A_423] : memref<128x128xf32, #tpu.memory_space<vmem>>[vector<16xi32>, vector<16xi32>], vector<16xf32>,
      %add3A_425 = arith.constant 4 : i32
      %add3A_426 = vector.broadcast %add3A_425 : i32 to vector<16xi32>
      %add3A_427 = arith.addi %mul3A_378, %add3A_426 : vector<16xi32>
      %gather3A_428 = tpu.vector_load_idx %arg12[%add3A_360, %add3A_427] : memref<128x128xf32, #tpu.memory_space<vmem>>[vector<16xi32>, vector<16xi32>], vector<16xf32>,
      %mul3A_429 = arith.mulf %gather3A_424, %gather3A_428 : vector<16xf32>
      %add3A_430 = arith.addf %add3A_420, %mul3A_429 : vector<16xf32>
      %add3A_431 = arith.constant 5 : i32
      %add3A_432 = vector.broadcast %add3A_431 : i32 to vector<16xi32>
      %add3A_433 = arith.addi %mul3A_369, %add3A_432 : vector<16xi32>
      %gather3A_434 = tpu.vector_load_idx %arg11[%add3A_360, %add3A_433] : memref<128x128xf32, #tpu.memory_space<vmem>>[vector<16xi32>, vector<16xi32>], vector<16xf32>,
      %add3A_435 = arith.constant 5 : i32
      %add3A_436 = vector.broadcast %add3A_435 : i32 to vector<16xi32>
      %add3A_437 = arith.addi %mul3A_378, %add3A_436 : vector<16xi32>
      %gather3A_438 = tpu.vector_load_idx %arg12[%add3A_360, %add3A_437] : memref<128x128xf32, #tpu.memory_space<vmem>>[vector<16xi32>, vector<16xi32>], vector<16xf32>,
      %mul3A_439 = arith.mulf %gather3A_434, %gather3A_438 : vector<16xf32>
      %add3A_440 = arith.addf %add3A_430, %mul3A_439 : vector<16xf32>
      %add3A_441 = arith.constant 6 : i32
      %add3A_442 = vector.broadcast %add3A_441 : i32 to vector<16xi32>
      %add3A_443 = arith.addi %mul3A_369, %add3A_442 : vector<16xi32>
      %gather3A_444 = tpu.vector_load_idx %arg11[%add3A_360, %add3A_443] : memref<128x128xf32, #tpu.memory_space<vmem>>[vector<16xi32>, vector<16xi32>], vector<16xf32>,
      %add3A_445 = arith.constant 6 : i32
      %add3A_446 = vector.broadcast %add3A_445 : i32 to vector<16xi32>
      %add3A_447 = arith.addi %mul3A_378, %add3A_446 : vector<16xi32>
      %gather3A_448 = tpu.vector_load_idx %arg12[%add3A_360, %add3A_447] : memref<128x128xf32, #tpu.memory_space<vmem>>[vector<16xi32>, vector<16xi32>], vector<16xf32>,
      %mul3A_449 = arith.mulf %gather3A_444, %gather3A_448 : vector<16xf32>
      %add3A_450 = arith.addf %add3A_440, %mul3A_449 : vector<16xf32>
      %add3A_451 = arith.constant 7 : i32
      %add3A_452 = vector.broadcast %add3A_451 : i32 to vector<16xi32>
      %add3A_453 = arith.addi %mul3A_369, %add3A_452 : vector<16xi32>
      %gather3A_454 = tpu.vector_load_idx %arg11[%add3A_360, %add3A_453] : memref<128x128xf32, #tpu.memory_space<vmem>>[vector<16xi32>, vector<16xi32>], vector<16xf32>,
      %add3A_455 = arith.constant 7 : i32
      %add3A_456 = vector.broadcast %add3A_455 : i32 to vector<16xi32>
      %add3A_457 = arith.addi %mul3A_378, %add3A_456 : vector<16xi32>
      %gather3A_458 = tpu.vector_load_idx %arg12[%add3A_360, %add3A_457] : memref<128x128xf32, #tpu.memory_space<vmem>>[vector<16xi32>, vector<16xi32>], vector<16xf32>,
      %mul3A_459 = arith.mulf %gather3A_454, %gather3A_458 : vector<16xf32>
      %add3A_460 = arith.addf %add3A_450, %mul3A_459 : vector<16xf32>
      %add3A_461 = arith.constant 8 : i32
      %add3A_462 = vector.broadcast %add3A_461 : i32 to vector<16xi32>
      %add3A_463 = arith.addi %mul3A_369, %add3A_462 : vector<16xi32>
      %gather3A_464 = tpu.vector_load_idx %arg11[%add3A_360, %add3A_463] : memref<128x128xf32, #tpu.memory_space<vmem>>[vector<16xi32>, vector<16xi32>], vector<16xf32>,
      %add3A_465 = arith.constant 8 : i32
      %add3A_466 = vector.broadcast %add3A_465 : i32 to vector<16xi32>
      %add3A_467 = arith.addi %mul3A_378, %add3A_466 : vector<16xi32>
      %gather3A_468 = tpu.vector_load_idx %arg12[%add3A_360, %add3A_467] : memref<128x128xf32, #tpu.memory_space<vmem>>[vector<16xi32>, vector<16xi32>], vector<16xf32>,
      %mul3A_469 = arith.mulf %gather3A_464, %gather3A_468 : vector<16xf32>
      %add3A_470 = arith.addf %add3A_460, %mul3A_469 : vector<16xf32>
      %add3A_471 = arith.constant 9 : i32
      %add3A_472 = vector.broadcast %add3A_471 : i32 to vector<16xi32>
      %add3A_473 = arith.addi %mul3A_369, %add3A_472 : vector<16xi32>
      %gather3A_474 = tpu.vector_load_idx %arg11[%add3A_360, %add3A_473] : memref<128x128xf32, #tpu.memory_space<vmem>>[vector<16xi32>, vector<16xi32>], vector<16xf32>,
      %add3A_475 = arith.constant 9 : i32
      %add3A_476 = vector.broadcast %add3A_475 : i32 to vector<16xi32>
      %add3A_477 = arith.addi %mul3A_378, %add3A_476 : vector<16xi32>
      %gather3A_478 = tpu.vector_load_idx %arg12[%add3A_360, %add3A_477] : memref<128x128xf32, #tpu.memory_space<vmem>>[vector<16xi32>, vector<16xi32>], vector<16xf32>,
      %mul3A_479 = arith.mulf %gather3A_474, %gather3A_478 : vector<16xf32>
      %add3A_480 = arith.addf %add3A_470, %mul3A_479 : vector<16xf32>
      %add3A_481 = arith.constant 10 : i32
      %add3A_482 = vector.broadcast %add3A_481 : i32 to vector<16xi32>
      %add3A_483 = arith.addi %mul3A_369, %add3A_482 : vector<16xi32>
      %gather3A_484 = tpu.vector_load_idx %arg11[%add3A_360, %add3A_483] : memref<128x128xf32, #tpu.memory_space<vmem>>[vector<16xi32>, vector<16xi32>], vector<16xf32>,
      %add3A_485 = arith.constant 10 : i32
      %add3A_486 = vector.broadcast %add3A_485 : i32 to vector<16xi32>
      %add3A_487 = arith.addi %mul3A_378, %add3A_486 : vector<16xi32>
      %gather3A_488 = tpu.vector_load_idx %arg12[%add3A_360, %add3A_487] : memref<128x128xf32, #tpu.memory_space<vmem>>[vector<16xi32>, vector<16xi32>], vector<16xf32>,
      %mul3A_489 = arith.mulf %gather3A_484, %gather3A_488 : vector<16xf32>
      %add3A_490 = arith.addf %add3A_480, %mul3A_489 : vector<16xf32>
      %add3A_491 = arith.constant 11 : i32
      %add3A_492 = vector.broadcast %add3A_491 : i32 to vector<16xi32>
      %add3A_493 = arith.addi %mul3A_369, %add3A_492 : vector<16xi32>
      %gather3A_494 = tpu.vector_load_idx %arg11[%add3A_360, %add3A_493] : memref<128x128xf32, #tpu.memory_space<vmem>>[vector<16xi32>, vector<16xi32>], vector<16xf32>,
      %add3A_495 = arith.constant 11 : i32
      %add3A_496 = vector.broadcast %add3A_495 : i32 to vector<16xi32>
      %add3A_497 = arith.addi %mul3A_378, %add3A_496 : vector<16xi32>
      %gather3A_498 = tpu.vector_load_idx %arg12[%add3A_360, %add3A_497] : memref<128x128xf32, #tpu.memory_space<vmem>>[vector<16xi32>, vector<16xi32>], vector<16xf32>,
      %mul3A_499 = arith.mulf %gather3A_494, %gather3A_498 : vector<16xf32>
      %add3A_500 = arith.addf %add3A_490, %mul3A_499 : vector<16xf32>
      %add3A_501 = arith.constant 12 : i32
      %add3A_502 = vector.broadcast %add3A_501 : i32 to vector<16xi32>
      %add3A_503 = arith.addi %mul3A_369, %add3A_502 : vector<16xi32>
      %gather3A_504 = tpu.vector_load_idx %arg11[%add3A_360, %add3A_503] : memref<128x128xf32, #tpu.memory_space<vmem>>[vector<16xi32>, vector<16xi32>], vector<16xf32>,
      %add3A_505 = arith.constant 12 : i32
      %add3A_506 = vector.broadcast %add3A_505 : i32 to vector<16xi32>
      %add3A_507 = arith.addi %mul3A_378, %add3A_506 : vector<16xi32>
      %gather3A_508 = tpu.vector_load_idx %arg12[%add3A_360, %add3A_507] : memref<128x128xf32, #tpu.memory_space<vmem>>[vector<16xi32>, vector<16xi32>], vector<16xf32>,
      %mul3A_509 = arith.mulf %gather3A_504, %gather3A_508 : vector<16xf32>
      %add3A_510 = arith.addf %add3A_500, %mul3A_509 : vector<16xf32>
      %add3A_511 = arith.constant 13 : i32
      %add3A_512 = vector.broadcast %add3A_511 : i32 to vector<16xi32>
      %add3A_513 = arith.addi %mul3A_369, %add3A_512 : vector<16xi32>
      %gather3A_514 = tpu.vector_load_idx %arg11[%add3A_360, %add3A_513] : memref<128x128xf32, #tpu.memory_space<vmem>>[vector<16xi32>, vector<16xi32>], vector<16xf32>,
      %add3A_515 = arith.constant 13 : i32
      %add3A_516 = vector.broadcast %add3A_515 : i32 to vector<16xi32>
      %add3A_517 = arith.addi %mul3A_378, %add3A_516 : vector<16xi32>
      %gather3A_518 = tpu.vector_load_idx %arg12[%add3A_360, %add3A_517] : memref<128x128xf32, #tpu.memory_space<vmem>>[vector<16xi32>, vector<16xi32>], vector<16xf32>,
      %mul3A_519 = arith.mulf %gather3A_514, %gather3A_518 : vector<16xf32>
      %add3A_520 = arith.addf %add3A_510, %mul3A_519 : vector<16xf32>
      %add3A_521 = arith.constant 14 : i32
      %add3A_522 = vector.broadcast %add3A_521 : i32 to vector<16xi32>
      %add3A_523 = arith.addi %mul3A_369, %add3A_522 : vector<16xi32>
      %gather3A_524 = tpu.vector_load_idx %arg11[%add3A_360, %add3A_523] : memref<128x128xf32, #tpu.memory_space<vmem>>[vector<16xi32>, vector<16xi32>], vector<16xf32>,
      %add3A_525 = arith.constant 14 : i32
      %add3A_526 = vector.broadcast %add3A_525 : i32 to vector<16xi32>
      %add3A_527 = arith.addi %mul3A_378, %add3A_526 : vector<16xi32>
      %gather3A_528 = tpu.vector_load_idx %arg12[%add3A_360, %add3A_527] : memref<128x128xf32, #tpu.memory_space<vmem>>[vector<16xi32>, vector<16xi32>], vector<16xf32>,
      %mul3A_529 = arith.mulf %gather3A_524, %gather3A_528 : vector<16xf32>
      %add3A_530 = arith.addf %add3A_520, %mul3A_529 : vector<16xf32>
      %add3A_531 = arith.constant 15 : i32
      %add3A_532 = vector.broadcast %add3A_531 : i32 to vector<16xi32>
      %add3A_533 = arith.addi %mul3A_369, %add3A_532 : vector<16xi32>
      %gather3A_534 = tpu.vector_load_idx %arg11[%add3A_360, %add3A_533] : memref<128x128xf32, #tpu.memory_space<vmem>>[vector<16xi32>, vector<16xi32>], vector<16xf32>,
      %add3A_535 = arith.constant 15 : i32
      %add3A_536 = vector.broadcast %add3A_535 : i32 to vector<16xi32>
      %add3A_537 = arith.addi %mul3A_378, %add3A_536 : vector<16xi32>
      %gather3A_538 = tpu.vector_load_idx %arg12[%add3A_360, %add3A_537] : memref<128x128xf32, #tpu.memory_space<vmem>>[vector<16xi32>, vector<16xi32>], vector<16xf32>,
      %mul3A_539 = arith.mulf %gather3A_534, %gather3A_538 : vector<16xf32>
      %add3A_540 = arith.addf %add3A_530, %mul3A_539 : vector<16xf32>
      %swap3A_541 = arith.index_cast %add3A_11 : i32 to index
      %swap3A_542 = arith.constant 16 : index
      %swap3A_543 = tpu.vector_load %arg13[%swap3A_541, %swap3A_542] {strides = array<i32>} : memref<24x128xf32, #tpu.memory_space<vmem>>, vector<16xf32>,
      tpu.vector_store %arg13[%swap3A_541, %swap3A_542], %add3A_540 {strides = array<i32>} : memref<24x128xf32, #tpu.memory_space<vmem>>, vector<16xf32>,
      %add3A_544 = arith.constant 32 : i32
      %add3A_545 = vector.broadcast %add3A_544 : i32 to vector<16xi32>
      %add3A_546 = arith.addi %add3A_545, %iota3A : vector<16xi32>
      %get3A_547 = arith.index_cast %add3A_11 : i32 to index
      %get3A_548 = arith.constant 32 : index
      %get3A_549 = tpu.vector_load %arg7[%get3A_547, %get3A_548] {strides = array<i32>} : memref<24x128xi32, #tpu.memory_space<vmem>>, vector<16xi32>,
      %and3A_550 = arith.constant 7 : i32
      %and3A_551 = vector.broadcast %and3A_550 : i32 to vector<16xi32>
      %and3A_552 = arith.andi %get3A_549, %and3A_551 : vector<16xi32>
      %mul3A_553 = arith.constant 16 : i32
      %mul3A_554 = vector.broadcast %mul3A_553 : i32 to vector<16xi32>
      %mul3A_555 = arith.muli %and3A_552, %mul3A_554 : vector<16xi32>
      %get3A_556 = arith.index_cast %add3A_11 : i32 to index
      %get3A_557 = arith.constant 32 : index
      %get3A_558 = tpu.vector_load %arg8[%get3A_556, %get3A_557] {strides = array<i32>} : memref<24x128xi32, #tpu.memory_space<vmem>>, vector<16xi32>,
      %and3A_559 = arith.constant 7 : i32
      %and3A_560 = vector.broadcast %and3A_559 : i32 to vector<16xi32>
      %and3A_561 = arith.andi %get3A_558, %and3A_560 : vector<16xi32>
      %mul3A_562 = arith.constant 16 : i32
      %mul3A_563 = vector.broadcast %mul3A_562 : i32 to vector<16xi32>
      %mul3A_564 = arith.muli %and3A_561, %mul3A_563 : vector<16xi32>
      %broadcast_in_dim3A_565 = arith.constant 0.000000e+00 : f32
      %broadcast_in_dim3A_566 = vector.broadcast %broadcast_in_dim3A_565 : f32 to vector<16xf32>
      %add3A_567 = arith.constant 0 : i32
      %add3A_568 = vector.broadcast %add3A_567 : i32 to vector<16xi32>
      %add3A_569 = arith.addi %mul3A_555, %add3A_568 : vector<16xi32>
      %gather3A_570 = tpu.vector_load_idx %arg11[%add3A_546, %add3A_569] : memref<128x128xf32, #tpu.memory_space<vmem>>[vector<16xi32>, vector<16xi32>], vector<16xf32>,
      %add3A_571 = arith.constant 0 : i32
      %add3A_572 = vector.broadcast %add3A_571 : i32 to vector<16xi32>
      %add3A_573 = arith.addi %mul3A_564, %add3A_572 : vector<16xi32>
      %gather3A_574 = tpu.vector_load_idx %arg12[%add3A_546, %add3A_573] : memref<128x128xf32, #tpu.memory_space<vmem>>[vector<16xi32>, vector<16xi32>], vector<16xf32>,
      %mul3A_575 = arith.mulf %gather3A_570, %gather3A_574 : vector<16xf32>
      %add3A_576 = arith.addf %broadcast_in_dim3A_566, %mul3A_575 : vector<16xf32>
      %add3A_577 = arith.constant 1 : i32
      %add3A_578 = vector.broadcast %add3A_577 : i32 to vector<16xi32>
      %add3A_579 = arith.addi %mul3A_555, %add3A_578 : vector<16xi32>
      %gather3A_580 = tpu.vector_load_idx %arg11[%add3A_546, %add3A_579] : memref<128x128xf32, #tpu.memory_space<vmem>>[vector<16xi32>, vector<16xi32>], vector<16xf32>,
      %add3A_581 = arith.constant 1 : i32
      %add3A_582 = vector.broadcast %add3A_581 : i32 to vector<16xi32>
      %add3A_583 = arith.addi %mul3A_564, %add3A_582 : vector<16xi32>
      %gather3A_584 = tpu.vector_load_idx %arg12[%add3A_546, %add3A_583] : memref<128x128xf32, #tpu.memory_space<vmem>>[vector<16xi32>, vector<16xi32>], vector<16xf32>,
      %mul3A_585 = arith.mulf %gather3A_580, %gather3A_584 : vector<16xf32>
      %add3A_586 = arith.addf %add3A_576, %mul3A_585 : vector<16xf32>
      %add3A_587 = arith.constant 2 : i32
      %add3A_588 = vector.broadcast %add3A_587 : i32 to vector<16xi32>
      %add3A_589 = arith.addi %mul3A_555, %add3A_588 : vector<16xi32>
      %gather3A_590 = tpu.vector_load_idx %arg11[%add3A_546, %add3A_589] : memref<128x128xf32, #tpu.memory_space<vmem>>[vector<16xi32>, vector<16xi32>], vector<16xf32>,
      %add3A_591 = arith.constant 2 : i32
      %add3A_592 = vector.broadcast %add3A_591 : i32 to vector<16xi32>
      %add3A_593 = arith.addi %mul3A_564, %add3A_592 : vector<16xi32>
      %gather3A_594 = tpu.vector_load_idx %arg12[%add3A_546, %add3A_593] : memref<128x128xf32, #tpu.memory_space<vmem>>[vector<16xi32>, vector<16xi32>], vector<16xf32>,
      %mul3A_595 = arith.mulf %gather3A_590, %gather3A_594 : vector<16xf32>
      %add3A_596 = arith.addf %add3A_586, %mul3A_595 : vector<16xf32>
      %add3A_597 = arith.constant 3 : i32
      %add3A_598 = vector.broadcast %add3A_597 : i32 to vector<16xi32>
      %add3A_599 = arith.addi %mul3A_555, %add3A_598 : vector<16xi32>
      %gather3A_600 = tpu.vector_load_idx %arg11[%add3A_546, %add3A_599] : memref<128x128xf32, #tpu.memory_space<vmem>>[vector<16xi32>, vector<16xi32>], vector<16xf32>,
      %add3A_601 = arith.constant 3 : i32
      %add3A_602 = vector.broadcast %add3A_601 : i32 to vector<16xi32>
      %add3A_603 = arith.addi %mul3A_564, %add3A_602 : vector<16xi32>
      %gather3A_604 = tpu.vector_load_idx %arg12[%add3A_546, %add3A_603] : memref<128x128xf32, #tpu.memory_space<vmem>>[vector<16xi32>, vector<16xi32>], vector<16xf32>,
      %mul3A_605 = arith.mulf %gather3A_600, %gather3A_604 : vector<16xf32>
      %add3A_606 = arith.addf %add3A_596, %mul3A_605 : vector<16xf32>
      %add3A_607 = arith.constant 4 : i32
      %add3A_608 = vector.broadcast %add3A_607 : i32 to vector<16xi32>
      %add3A_609 = arith.addi %mul3A_555, %add3A_608 : vector<16xi32>
      %gather3A_610 = tpu.vector_load_idx %arg11[%add3A_546, %add3A_609] : memref<128x128xf32, #tpu.memory_space<vmem>>[vector<16xi32>, vector<16xi32>], vector<16xf32>,
      %add3A_611 = arith.constant 4 : i32
      %add3A_612 = vector.broadcast %add3A_611 : i32 to vector<16xi32>
      %add3A_613 = arith.addi %mul3A_564, %add3A_612 : vector<16xi32>
      %gather3A_614 = tpu.vector_load_idx %arg12[%add3A_546, %add3A_613] : memref<128x128xf32, #tpu.memory_space<vmem>>[vector<16xi32>, vector<16xi32>], vector<16xf32>,
      %mul3A_615 = arith.mulf %gather3A_610, %gather3A_614 : vector<16xf32>
      %add3A_616 = arith.addf %add3A_606, %mul3A_615 : vector<16xf32>
      %add3A_617 = arith.constant 5 : i32
      %add3A_618 = vector.broadcast %add3A_617 : i32 to vector<16xi32>
      %add3A_619 = arith.addi %mul3A_555, %add3A_618 : vector<16xi32>
      %gather3A_620 = tpu.vector_load_idx %arg11[%add3A_546, %add3A_619] : memref<128x128xf32, #tpu.memory_space<vmem>>[vector<16xi32>, vector<16xi32>], vector<16xf32>,
      %add3A_621 = arith.constant 5 : i32
      %add3A_622 = vector.broadcast %add3A_621 : i32 to vector<16xi32>
      %add3A_623 = arith.addi %mul3A_564, %add3A_622 : vector<16xi32>
      %gather3A_624 = tpu.vector_load_idx %arg12[%add3A_546, %add3A_623] : memref<128x128xf32, #tpu.memory_space<vmem>>[vector<16xi32>, vector<16xi32>], vector<16xf32>,
      %mul3A_625 = arith.mulf %gather3A_620, %gather3A_624 : vector<16xf32>
      %add3A_626 = arith.addf %add3A_616, %mul3A_625 : vector<16xf32>
      %add3A_627 = arith.constant 6 : i32
      %add3A_628 = vector.broadcast %add3A_627 : i32 to vector<16xi32>
      %add3A_629 = arith.addi %mul3A_555, %add3A_628 : vector<16xi32>
      %gather3A_630 = tpu.vector_load_idx %arg11[%add3A_546, %add3A_629] : memref<128x128xf32, #tpu.memory_space<vmem>>[vector<16xi32>, vector<16xi32>], vector<16xf32>,
      %add3A_631 = arith.constant 6 : i32
      %add3A_632 = vector.broadcast %add3A_631 : i32 to vector<16xi32>
      %add3A_633 = arith.addi %mul3A_564, %add3A_632 : vector<16xi32>
      %gather3A_634 = tpu.vector_load_idx %arg12[%add3A_546, %add3A_633] : memref<128x128xf32, #tpu.memory_space<vmem>>[vector<16xi32>, vector<16xi32>], vector<16xf32>,
      %mul3A_635 = arith.mulf %gather3A_630, %gather3A_634 : vector<16xf32>
      %add3A_636 = arith.addf %add3A_626, %mul3A_635 : vector<16xf32>
      %add3A_637 = arith.constant 7 : i32
      %add3A_638 = vector.broadcast %add3A_637 : i32 to vector<16xi32>
      %add3A_639 = arith.addi %mul3A_555, %add3A_638 : vector<16xi32>
      %gather3A_640 = tpu.vector_load_idx %arg11[%add3A_546, %add3A_639] : memref<128x128xf32, #tpu.memory_space<vmem>>[vector<16xi32>, vector<16xi32>], vector<16xf32>,
      %add3A_641 = arith.constant 7 : i32
      %add3A_642 = vector.broadcast %add3A_641 : i32 to vector<16xi32>
      %add3A_643 = arith.addi %mul3A_564, %add3A_642 : vector<16xi32>
      %gather3A_644 = tpu.vector_load_idx %arg12[%add3A_546, %add3A_643] : memref<128x128xf32, #tpu.memory_space<vmem>>[vector<16xi32>, vector<16xi32>], vector<16xf32>,
      %mul3A_645 = arith.mulf %gather3A_640, %gather3A_644 : vector<16xf32>
      %add3A_646 = arith.addf %add3A_636, %mul3A_645 : vector<16xf32>
      %add3A_647 = arith.constant 8 : i32
      %add3A_648 = vector.broadcast %add3A_647 : i32 to vector<16xi32>
      %add3A_649 = arith.addi %mul3A_555, %add3A_648 : vector<16xi32>
      %gather3A_650 = tpu.vector_load_idx %arg11[%add3A_546, %add3A_649] : memref<128x128xf32, #tpu.memory_space<vmem>>[vector<16xi32>, vector<16xi32>], vector<16xf32>,
      %add3A_651 = arith.constant 8 : i32
      %add3A_652 = vector.broadcast %add3A_651 : i32 to vector<16xi32>
      %add3A_653 = arith.addi %mul3A_564, %add3A_652 : vector<16xi32>
      %gather3A_654 = tpu.vector_load_idx %arg12[%add3A_546, %add3A_653] : memref<128x128xf32, #tpu.memory_space<vmem>>[vector<16xi32>, vector<16xi32>], vector<16xf32>,
      %mul3A_655 = arith.mulf %gather3A_650, %gather3A_654 : vector<16xf32>
      %add3A_656 = arith.addf %add3A_646, %mul3A_655 : vector<16xf32>
      %add3A_657 = arith.constant 9 : i32
      %add3A_658 = vector.broadcast %add3A_657 : i32 to vector<16xi32>
      %add3A_659 = arith.addi %mul3A_555, %add3A_658 : vector<16xi32>
      %gather3A_660 = tpu.vector_load_idx %arg11[%add3A_546, %add3A_659] : memref<128x128xf32, #tpu.memory_space<vmem>>[vector<16xi32>, vector<16xi32>], vector<16xf32>,
      %add3A_661 = arith.constant 9 : i32
      %add3A_662 = vector.broadcast %add3A_661 : i32 to vector<16xi32>
      %add3A_663 = arith.addi %mul3A_564, %add3A_662 : vector<16xi32>
      %gather3A_664 = tpu.vector_load_idx %arg12[%add3A_546, %add3A_663] : memref<128x128xf32, #tpu.memory_space<vmem>>[vector<16xi32>, vector<16xi32>], vector<16xf32>,
      %mul3A_665 = arith.mulf %gather3A_660, %gather3A_664 : vector<16xf32>
      %add3A_666 = arith.addf %add3A_656, %mul3A_665 : vector<16xf32>
      %add3A_667 = arith.constant 10 : i32
      %add3A_668 = vector.broadcast %add3A_667 : i32 to vector<16xi32>
      %add3A_669 = arith.addi %mul3A_555, %add3A_668 : vector<16xi32>
      %gather3A_670 = tpu.vector_load_idx %arg11[%add3A_546, %add3A_669] : memref<128x128xf32, #tpu.memory_space<vmem>>[vector<16xi32>, vector<16xi32>], vector<16xf32>,
      %add3A_671 = arith.constant 10 : i32
      %add3A_672 = vector.broadcast %add3A_671 : i32 to vector<16xi32>
      %add3A_673 = arith.addi %mul3A_564, %add3A_672 : vector<16xi32>
      %gather3A_674 = tpu.vector_load_idx %arg12[%add3A_546, %add3A_673] : memref<128x128xf32, #tpu.memory_space<vmem>>[vector<16xi32>, vector<16xi32>], vector<16xf32>,
      %mul3A_675 = arith.mulf %gather3A_670, %gather3A_674 : vector<16xf32>
      %add3A_676 = arith.addf %add3A_666, %mul3A_675 : vector<16xf32>
      %add3A_677 = arith.constant 11 : i32
      %add3A_678 = vector.broadcast %add3A_677 : i32 to vector<16xi32>
      %add3A_679 = arith.addi %mul3A_555, %add3A_678 : vector<16xi32>
      %gather3A_680 = tpu.vector_load_idx %arg11[%add3A_546, %add3A_679] : memref<128x128xf32, #tpu.memory_space<vmem>>[vector<16xi32>, vector<16xi32>], vector<16xf32>,
      %add3A_681 = arith.constant 11 : i32
      %add3A_682 = vector.broadcast %add3A_681 : i32 to vector<16xi32>
      %add3A_683 = arith.addi %mul3A_564, %add3A_682 : vector<16xi32>
      %gather3A_684 = tpu.vector_load_idx %arg12[%add3A_546, %add3A_683] : memref<128x128xf32, #tpu.memory_space<vmem>>[vector<16xi32>, vector<16xi32>], vector<16xf32>,
      %mul3A_685 = arith.mulf %gather3A_680, %gather3A_684 : vector<16xf32>
      %add3A_686 = arith.addf %add3A_676, %mul3A_685 : vector<16xf32>
      %add3A_687 = arith.constant 12 : i32
      %add3A_688 = vector.broadcast %add3A_687 : i32 to vector<16xi32>
      %add3A_689 = arith.addi %mul3A_555, %add3A_688 : vector<16xi32>
      %gather3A_690 = tpu.vector_load_idx %arg11[%add3A_546, %add3A_689] : memref<128x128xf32, #tpu.memory_space<vmem>>[vector<16xi32>, vector<16xi32>], vector<16xf32>,
      %add3A_691 = arith.constant 12 : i32
      %add3A_692 = vector.broadcast %add3A_691 : i32 to vector<16xi32>
      %add3A_693 = arith.addi %mul3A_564, %add3A_692 : vector<16xi32>
      %gather3A_694 = tpu.vector_load_idx %arg12[%add3A_546, %add3A_693] : memref<128x128xf32, #tpu.memory_space<vmem>>[vector<16xi32>, vector<16xi32>], vector<16xf32>,
      %mul3A_695 = arith.mulf %gather3A_690, %gather3A_694 : vector<16xf32>
      %add3A_696 = arith.addf %add3A_686, %mul3A_695 : vector<16xf32>
      %add3A_697 = arith.constant 13 : i32
      %add3A_698 = vector.broadcast %add3A_697 : i32 to vector<16xi32>
      %add3A_699 = arith.addi %mul3A_555, %add3A_698 : vector<16xi32>
      %gather3A_700 = tpu.vector_load_idx %arg11[%add3A_546, %add3A_699] : memref<128x128xf32, #tpu.memory_space<vmem>>[vector<16xi32>, vector<16xi32>], vector<16xf32>,
      %add3A_701 = arith.constant 13 : i32
      %add3A_702 = vector.broadcast %add3A_701 : i32 to vector<16xi32>
      %add3A_703 = arith.addi %mul3A_564, %add3A_702 : vector<16xi32>
      %gather3A_704 = tpu.vector_load_idx %arg12[%add3A_546, %add3A_703] : memref<128x128xf32, #tpu.memory_space<vmem>>[vector<16xi32>, vector<16xi32>], vector<16xf32>,
      %mul3A_705 = arith.mulf %gather3A_700, %gather3A_704 : vector<16xf32>
      %add3A_706 = arith.addf %add3A_696, %mul3A_705 : vector<16xf32>
      %add3A_707 = arith.constant 14 : i32
      %add3A_708 = vector.broadcast %add3A_707 : i32 to vector<16xi32>
      %add3A_709 = arith.addi %mul3A_555, %add3A_708 : vector<16xi32>
      %gather3A_710 = tpu.vector_load_idx %arg11[%add3A_546, %add3A_709] : memref<128x128xf32, #tpu.memory_space<vmem>>[vector<16xi32>, vector<16xi32>], vector<16xf32>,
      %add3A_711 = arith.constant 14 : i32
      %add3A_712 = vector.broadcast %add3A_711 : i32 to vector<16xi32>
      %add3A_713 = arith.addi %mul3A_564, %add3A_712 : vector<16xi32>
      %gather3A_714 = tpu.vector_load_idx %arg12[%add3A_546, %add3A_713] : memref<128x128xf32, #tpu.memory_space<vmem>>[vector<16xi32>, vector<16xi32>], vector<16xf32>,
      %mul3A_715 = arith.mulf %gather3A_710, %gather3A_714 : vector<16xf32>
      %add3A_716 = arith.addf %add3A_706, %mul3A_715 : vector<16xf32>
      %add3A_717 = arith.constant 15 : i32
      %add3A_718 = vector.broadcast %add3A_717 : i32 to vector<16xi32>
      %add3A_719 = arith.addi %mul3A_555, %add3A_718 : vector<16xi32>
      %gather3A_720 = tpu.vector_load_idx %arg11[%add3A_546, %add3A_719] : memref<128x128xf32, #tpu.memory_space<vmem>>[vector<16xi32>, vector<16xi32>], vector<16xf32>,
      %add3A_721 = arith.constant 15 : i32
      %add3A_722 = vector.broadcast %add3A_721 : i32 to vector<16xi32>
      %add3A_723 = arith.addi %mul3A_564, %add3A_722 : vector<16xi32>
      %gather3A_724 = tpu.vector_load_idx %arg12[%add3A_546, %add3A_723] : memref<128x128xf32, #tpu.memory_space<vmem>>[vector<16xi32>, vector<16xi32>], vector<16xf32>,
      %mul3A_725 = arith.mulf %gather3A_720, %gather3A_724 : vector<16xf32>
      %add3A_726 = arith.addf %add3A_716, %mul3A_725 : vector<16xf32>
      %swap3A_727 = arith.index_cast %add3A_11 : i32 to index
      %swap3A_728 = arith.constant 32 : index
      %swap3A_729 = tpu.vector_load %arg13[%swap3A_727, %swap3A_728] {strides = array<i32>} : memref<24x128xf32, #tpu.memory_space<vmem>>, vector<16xf32>,
      tpu.vector_store %arg13[%swap3A_727, %swap3A_728], %add3A_726 {strides = array<i32>} : memref<24x128xf32, #tpu.memory_space<vmem>>, vector<16xf32>,
      %add3A_730 = arith.constant 48 : i32
      %add3A_731 = vector.broadcast %add3A_730 : i32 to vector<16xi32>
      %add3A_732 = arith.addi %add3A_731, %iota3A : vector<16xi32>
      %get3A_733 = arith.index_cast %add3A_11 : i32 to index
      %get3A_734 = arith.constant 48 : index
      %get3A_735 = tpu.vector_load %arg7[%get3A_733, %get3A_734] {strides = array<i32>} : memref<24x128xi32, #tpu.memory_space<vmem>>, vector<16xi32>,
      %and3A_736 = arith.constant 7 : i32
      %and3A_737 = vector.broadcast %and3A_736 : i32 to vector<16xi32>
      %and3A_738 = arith.andi %get3A_735, %and3A_737 : vector<16xi32>
      %mul3A_739 = arith.constant 16 : i32
      %mul3A_740 = vector.broadcast %mul3A_739 : i32 to vector<16xi32>
      %mul3A_741 = arith.muli %and3A_738, %mul3A_740 : vector<16xi32>
      %get3A_742 = arith.index_cast %add3A_11 : i32 to index
      %get3A_743 = arith.constant 48 : index
      %get3A_744 = tpu.vector_load %arg8[%get3A_742, %get3A_743] {strides = array<i32>} : memref<24x128xi32, #tpu.memory_space<vmem>>, vector<16xi32>,
      %and3A_745 = arith.constant 7 : i32
      %and3A_746 = vector.broadcast %and3A_745 : i32 to vector<16xi32>
      %and3A_747 = arith.andi %get3A_744, %and3A_746 : vector<16xi32>
      %mul3A_748 = arith.constant 16 : i32
      %mul3A_749 = vector.broadcast %mul3A_748 : i32 to vector<16xi32>
      %mul3A_750 = arith.muli %and3A_747, %mul3A_749 : vector<16xi32>
      %broadcast_in_dim3A_751 = arith.constant 0.000000e+00 : f32
      %broadcast_in_dim3A_752 = vector.broadcast %broadcast_in_dim3A_751 : f32 to vector<16xf32>
      %add3A_753 = arith.constant 0 : i32
      %add3A_754 = vector.broadcast %add3A_753 : i32 to vector<16xi32>
      %add3A_755 = arith.addi %mul3A_741, %add3A_754 : vector<16xi32>
      %gather3A_756 = tpu.vector_load_idx %arg11[%add3A_732, %add3A_755] : memref<128x128xf32, #tpu.memory_space<vmem>>[vector<16xi32>, vector<16xi32>], vector<16xf32>,
      %add3A_757 = arith.constant 0 : i32
      %add3A_758 = vector.broadcast %add3A_757 : i32 to vector<16xi32>
      %add3A_759 = arith.addi %mul3A_750, %add3A_758 : vector<16xi32>
      %gather3A_760 = tpu.vector_load_idx %arg12[%add3A_732, %add3A_759] : memref<128x128xf32, #tpu.memory_space<vmem>>[vector<16xi32>, vector<16xi32>], vector<16xf32>,
      %mul3A_761 = arith.mulf %gather3A_756, %gather3A_760 : vector<16xf32>
      %add3A_762 = arith.addf %broadcast_in_dim3A_752, %mul3A_761 : vector<16xf32>
      %add3A_763 = arith.constant 1 : i32
      %add3A_764 = vector.broadcast %add3A_763 : i32 to vector<16xi32>
      %add3A_765 = arith.addi %mul3A_741, %add3A_764 : vector<16xi32>
      %gather3A_766 = tpu.vector_load_idx %arg11[%add3A_732, %add3A_765] : memref<128x128xf32, #tpu.memory_space<vmem>>[vector<16xi32>, vector<16xi32>], vector<16xf32>,
      %add3A_767 = arith.constant 1 : i32
      %add3A_768 = vector.broadcast %add3A_767 : i32 to vector<16xi32>
      %add3A_769 = arith.addi %mul3A_750, %add3A_768 : vector<16xi32>
      %gather3A_770 = tpu.vector_load_idx %arg12[%add3A_732, %add3A_769] : memref<128x128xf32, #tpu.memory_space<vmem>>[vector<16xi32>, vector<16xi32>], vector<16xf32>,
      %mul3A_771 = arith.mulf %gather3A_766, %gather3A_770 : vector<16xf32>
      %add3A_772 = arith.addf %add3A_762, %mul3A_771 : vector<16xf32>
      %add3A_773 = arith.constant 2 : i32
      %add3A_774 = vector.broadcast %add3A_773 : i32 to vector<16xi32>
      %add3A_775 = arith.addi %mul3A_741, %add3A_774 : vector<16xi32>
      %gather3A_776 = tpu.vector_load_idx %arg11[%add3A_732, %add3A_775] : memref<128x128xf32, #tpu.memory_space<vmem>>[vector<16xi32>, vector<16xi32>], vector<16xf32>,
      %add3A_777 = arith.constant 2 : i32
      %add3A_778 = vector.broadcast %add3A_777 : i32 to vector<16xi32>
      %add3A_779 = arith.addi %mul3A_750, %add3A_778 : vector<16xi32>
      %gather3A_780 = tpu.vector_load_idx %arg12[%add3A_732, %add3A_779] : memref<128x128xf32, #tpu.memory_space<vmem>>[vector<16xi32>, vector<16xi32>], vector<16xf32>,
      %mul3A_781 = arith.mulf %gather3A_776, %gather3A_780 : vector<16xf32>
      %add3A_782 = arith.addf %add3A_772, %mul3A_781 : vector<16xf32>
      %add3A_783 = arith.constant 3 : i32
      %add3A_784 = vector.broadcast %add3A_783 : i32 to vector<16xi32>
      %add3A_785 = arith.addi %mul3A_741, %add3A_784 : vector<16xi32>
      %gather3A_786 = tpu.vector_load_idx %arg11[%add3A_732, %add3A_785] : memref<128x128xf32, #tpu.memory_space<vmem>>[vector<16xi32>, vector<16xi32>], vector<16xf32>,
      %add3A_787 = arith.constant 3 : i32
      %add3A_788 = vector.broadcast %add3A_787 : i32 to vector<16xi32>
      %add3A_789 = arith.addi %mul3A_750, %add3A_788 : vector<16xi32>
      %gather3A_790 = tpu.vector_load_idx %arg12[%add3A_732, %add3A_789] : memref<128x128xf32, #tpu.memory_space<vmem>>[vector<16xi32>, vector<16xi32>], vector<16xf32>,
      %mul3A_791 = arith.mulf %gather3A_786, %gather3A_790 : vector<16xf32>
      %add3A_792 = arith.addf %add3A_782, %mul3A_791 : vector<16xf32>
      %add3A_793 = arith.constant 4 : i32
      %add3A_794 = vector.broadcast %add3A_793 : i32 to vector<16xi32>
      %add3A_795 = arith.addi %mul3A_741, %add3A_794 : vector<16xi32>
      %gather3A_796 = tpu.vector_load_idx %arg11[%add3A_732, %add3A_795] : memref<128x128xf32, #tpu.memory_space<vmem>>[vector<16xi32>, vector<16xi32>], vector<16xf32>,
      %add3A_797 = arith.constant 4 : i32
      %add3A_798 = vector.broadcast %add3A_797 : i32 to vector<16xi32>
      %add3A_799 = arith.addi %mul3A_750, %add3A_798 : vector<16xi32>
      %gather3A_800 = tpu.vector_load_idx %arg12[%add3A_732, %add3A_799] : memref<128x128xf32, #tpu.memory_space<vmem>>[vector<16xi32>, vector<16xi32>], vector<16xf32>,
      %mul3A_801 = arith.mulf %gather3A_796, %gather3A_800 : vector<16xf32>
      %add3A_802 = arith.addf %add3A_792, %mul3A_801 : vector<16xf32>
      %add3A_803 = arith.constant 5 : i32
      %add3A_804 = vector.broadcast %add3A_803 : i32 to vector<16xi32>
      %add3A_805 = arith.addi %mul3A_741, %add3A_804 : vector<16xi32>
      %gather3A_806 = tpu.vector_load_idx %arg11[%add3A_732, %add3A_805] : memref<128x128xf32, #tpu.memory_space<vmem>>[vector<16xi32>, vector<16xi32>], vector<16xf32>,
      %add3A_807 = arith.constant 5 : i32
      %add3A_808 = vector.broadcast %add3A_807 : i32 to vector<16xi32>
      %add3A_809 = arith.addi %mul3A_750, %add3A_808 : vector<16xi32>
      %gather3A_810 = tpu.vector_load_idx %arg12[%add3A_732, %add3A_809] : memref<128x128xf32, #tpu.memory_space<vmem>>[vector<16xi32>, vector<16xi32>], vector<16xf32>,
      %mul3A_811 = arith.mulf %gather3A_806, %gather3A_810 : vector<16xf32>
      %add3A_812 = arith.addf %add3A_802, %mul3A_811 : vector<16xf32>
      %add3A_813 = arith.constant 6 : i32
      %add3A_814 = vector.broadcast %add3A_813 : i32 to vector<16xi32>
      %add3A_815 = arith.addi %mul3A_741, %add3A_814 : vector<16xi32>
      %gather3A_816 = tpu.vector_load_idx %arg11[%add3A_732, %add3A_815] : memref<128x128xf32, #tpu.memory_space<vmem>>[vector<16xi32>, vector<16xi32>], vector<16xf32>,
      %add3A_817 = arith.constant 6 : i32
      %add3A_818 = vector.broadcast %add3A_817 : i32 to vector<16xi32>
      %add3A_819 = arith.addi %mul3A_750, %add3A_818 : vector<16xi32>
      %gather3A_820 = tpu.vector_load_idx %arg12[%add3A_732, %add3A_819] : memref<128x128xf32, #tpu.memory_space<vmem>>[vector<16xi32>, vector<16xi32>], vector<16xf32>,
      %mul3A_821 = arith.mulf %gather3A_816, %gather3A_820 : vector<16xf32>
      %add3A_822 = arith.addf %add3A_812, %mul3A_821 : vector<16xf32>
      %add3A_823 = arith.constant 7 : i32
      %add3A_824 = vector.broadcast %add3A_823 : i32 to vector<16xi32>
      %add3A_825 = arith.addi %mul3A_741, %add3A_824 : vector<16xi32>
      %gather3A_826 = tpu.vector_load_idx %arg11[%add3A_732, %add3A_825] : memref<128x128xf32, #tpu.memory_space<vmem>>[vector<16xi32>, vector<16xi32>], vector<16xf32>,
      %add3A_827 = arith.constant 7 : i32
      %add3A_828 = vector.broadcast %add3A_827 : i32 to vector<16xi32>
      %add3A_829 = arith.addi %mul3A_750, %add3A_828 : vector<16xi32>
      %gather3A_830 = tpu.vector_load_idx %arg12[%add3A_732, %add3A_829] : memref<128x128xf32, #tpu.memory_space<vmem>>[vector<16xi32>, vector<16xi32>], vector<16xf32>,
      %mul3A_831 = arith.mulf %gather3A_826, %gather3A_830 : vector<16xf32>
      %add3A_832 = arith.addf %add3A_822, %mul3A_831 : vector<16xf32>
      %add3A_833 = arith.constant 8 : i32
      %add3A_834 = vector.broadcast %add3A_833 : i32 to vector<16xi32>
      %add3A_835 = arith.addi %mul3A_741, %add3A_834 : vector<16xi32>
      %gather3A_836 = tpu.vector_load_idx %arg11[%add3A_732, %add3A_835] : memref<128x128xf32, #tpu.memory_space<vmem>>[vector<16xi32>, vector<16xi32>], vector<16xf32>,
      %add3A_837 = arith.constant 8 : i32
      %add3A_838 = vector.broadcast %add3A_837 : i32 to vector<16xi32>
      %add3A_839 = arith.addi %mul3A_750, %add3A_838 : vector<16xi32>
      %gather3A_840 = tpu.vector_load_idx %arg12[%add3A_732, %add3A_839] : memref<128x128xf32, #tpu.memory_space<vmem>>[vector<16xi32>, vector<16xi32>], vector<16xf32>,
      %mul3A_841 = arith.mulf %gather3A_836, %gather3A_840 : vector<16xf32>
      %add3A_842 = arith.addf %add3A_832, %mul3A_841 : vector<16xf32>
      %add3A_843 = arith.constant 9 : i32
      %add3A_844 = vector.broadcast %add3A_843 : i32 to vector<16xi32>
      %add3A_845 = arith.addi %mul3A_741, %add3A_844 : vector<16xi32>
      %gather3A_846 = tpu.vector_load_idx %arg11[%add3A_732, %add3A_845] : memref<128x128xf32, #tpu.memory_space<vmem>>[vector<16xi32>, vector<16xi32>], vector<16xf32>,
      %add3A_847 = arith.constant 9 : i32
      %add3A_848 = vector.broadcast %add3A_847 : i32 to vector<16xi32>
      %add3A_849 = arith.addi %mul3A_750, %add3A_848 : vector<16xi32>
      %gather3A_850 = tpu.vector_load_idx %arg12[%add3A_732, %add3A_849] : memref<128x128xf32, #tpu.memory_space<vmem>>[vector<16xi32>, vector<16xi32>], vector<16xf32>,
      %mul3A_851 = arith.mulf %gather3A_846, %gather3A_850 : vector<16xf32>
      %add3A_852 = arith.addf %add3A_842, %mul3A_851 : vector<16xf32>
      %add3A_853 = arith.constant 10 : i32
      %add3A_854 = vector.broadcast %add3A_853 : i32 to vector<16xi32>
      %add3A_855 = arith.addi %mul3A_741, %add3A_854 : vector<16xi32>
      %gather3A_856 = tpu.vector_load_idx %arg11[%add3A_732, %add3A_855] : memref<128x128xf32, #tpu.memory_space<vmem>>[vector<16xi32>, vector<16xi32>], vector<16xf32>,
      %add3A_857 = arith.constant 10 : i32
      %add3A_858 = vector.broadcast %add3A_857 : i32 to vector<16xi32>
      %add3A_859 = arith.addi %mul3A_750, %add3A_858 : vector<16xi32>
      %gather3A_860 = tpu.vector_load_idx %arg12[%add3A_732, %add3A_859] : memref<128x128xf32, #tpu.memory_space<vmem>>[vector<16xi32>, vector<16xi32>], vector<16xf32>,
      %mul3A_861 = arith.mulf %gather3A_856, %gather3A_860 : vector<16xf32>
      %add3A_862 = arith.addf %add3A_852, %mul3A_861 : vector<16xf32>
      %add3A_863 = arith.constant 11 : i32
      %add3A_864 = vector.broadcast %add3A_863 : i32 to vector<16xi32>
      %add3A_865 = arith.addi %mul3A_741, %add3A_864 : vector<16xi32>
      %gather3A_866 = tpu.vector_load_idx %arg11[%add3A_732, %add3A_865] : memref<128x128xf32, #tpu.memory_space<vmem>>[vector<16xi32>, vector<16xi32>], vector<16xf32>,
      %add3A_867 = arith.constant 11 : i32
      %add3A_868 = vector.broadcast %add3A_867 : i32 to vector<16xi32>
      %add3A_869 = arith.addi %mul3A_750, %add3A_868 : vector<16xi32>
      %gather3A_870 = tpu.vector_load_idx %arg12[%add3A_732, %add3A_869] : memref<128x128xf32, #tpu.memory_space<vmem>>[vector<16xi32>, vector<16xi32>], vector<16xf32>,
      %mul3A_871 = arith.mulf %gather3A_866, %gather3A_870 : vector<16xf32>
      %add3A_872 = arith.addf %add3A_862, %mul3A_871 : vector<16xf32>
      %add3A_873 = arith.constant 12 : i32
      %add3A_874 = vector.broadcast %add3A_873 : i32 to vector<16xi32>
      %add3A_875 = arith.addi %mul3A_741, %add3A_874 : vector<16xi32>
      %gather3A_876 = tpu.vector_load_idx %arg11[%add3A_732, %add3A_875] : memref<128x128xf32, #tpu.memory_space<vmem>>[vector<16xi32>, vector<16xi32>], vector<16xf32>,
      %add3A_877 = arith.constant 12 : i32
      %add3A_878 = vector.broadcast %add3A_877 : i32 to vector<16xi32>
      %add3A_879 = arith.addi %mul3A_750, %add3A_878 : vector<16xi32>
      %gather3A_880 = tpu.vector_load_idx %arg12[%add3A_732, %add3A_879] : memref<128x128xf32, #tpu.memory_space<vmem>>[vector<16xi32>, vector<16xi32>], vector<16xf32>,
      %mul3A_881 = arith.mulf %gather3A_876, %gather3A_880 : vector<16xf32>
      %add3A_882 = arith.addf %add3A_872, %mul3A_881 : vector<16xf32>
      %add3A_883 = arith.constant 13 : i32
      %add3A_884 = vector.broadcast %add3A_883 : i32 to vector<16xi32>
      %add3A_885 = arith.addi %mul3A_741, %add3A_884 : vector<16xi32>
      %gather3A_886 = tpu.vector_load_idx %arg11[%add3A_732, %add3A_885] : memref<128x128xf32, #tpu.memory_space<vmem>>[vector<16xi32>, vector<16xi32>], vector<16xf32>,
      %add3A_887 = arith.constant 13 : i32
      %add3A_888 = vector.broadcast %add3A_887 : i32 to vector<16xi32>
      %add3A_889 = arith.addi %mul3A_750, %add3A_888 : vector<16xi32>
      %gather3A_890 = tpu.vector_load_idx %arg12[%add3A_732, %add3A_889] : memref<128x128xf32, #tpu.memory_space<vmem>>[vector<16xi32>, vector<16xi32>], vector<16xf32>,
      %mul3A_891 = arith.mulf %gather3A_886, %gather3A_890 : vector<16xf32>
      %add3A_892 = arith.addf %add3A_882, %mul3A_891 : vector<16xf32>
      %add3A_893 = arith.constant 14 : i32
      %add3A_894 = vector.broadcast %add3A_893 : i32 to vector<16xi32>
      %add3A_895 = arith.addi %mul3A_741, %add3A_894 : vector<16xi32>
      %gather3A_896 = tpu.vector_load_idx %arg11[%add3A_732, %add3A_895] : memref<128x128xf32, #tpu.memory_space<vmem>>[vector<16xi32>, vector<16xi32>], vector<16xf32>,
      %add3A_897 = arith.constant 14 : i32
      %add3A_898 = vector.broadcast %add3A_897 : i32 to vector<16xi32>
      %add3A_899 = arith.addi %mul3A_750, %add3A_898 : vector<16xi32>
      %gather3A_900 = tpu.vector_load_idx %arg12[%add3A_732, %add3A_899] : memref<128x128xf32, #tpu.memory_space<vmem>>[vector<16xi32>, vector<16xi32>], vector<16xf32>,
      %mul3A_901 = arith.mulf %gather3A_896, %gather3A_900 : vector<16xf32>
      %add3A_902 = arith.addf %add3A_892, %mul3A_901 : vector<16xf32>
      %add3A_903 = arith.constant 15 : i32
      %add3A_904 = vector.broadcast %add3A_903 : i32 to vector<16xi32>
      %add3A_905 = arith.addi %mul3A_741, %add3A_904 : vector<16xi32>
      %gather3A_906 = tpu.vector_load_idx %arg11[%add3A_732, %add3A_905] : memref<128x128xf32, #tpu.memory_space<vmem>>[vector<16xi32>, vector<16xi32>], vector<16xf32>,
      %add3A_907 = arith.constant 15 : i32
      %add3A_908 = vector.broadcast %add3A_907 : i32 to vector<16xi32>
      %add3A_909 = arith.addi %mul3A_750, %add3A_908 : vector<16xi32>
      %gather3A_910 = tpu.vector_load_idx %arg12[%add3A_732, %add3A_909] : memref<128x128xf32, #tpu.memory_space<vmem>>[vector<16xi32>, vector<16xi32>], vector<16xf32>,
      %mul3A_911 = arith.mulf %gather3A_906, %gather3A_910 : vector<16xf32>
      %add3A_912 = arith.addf %add3A_902, %mul3A_911 : vector<16xf32>
      %swap3A_913 = arith.index_cast %add3A_11 : i32 to index
      %swap3A_914 = arith.constant 48 : index
      %swap3A_915 = tpu.vector_load %arg13[%swap3A_913, %swap3A_914] {strides = array<i32>} : memref<24x128xf32, #tpu.memory_space<vmem>>, vector<16xf32>,
      tpu.vector_store %arg13[%swap3A_913, %swap3A_914], %add3A_912 {strides = array<i32>} : memref<24x128xf32, #tpu.memory_space<vmem>>, vector<16xf32>,
      %add3A_916 = arith.constant 64 : i32
      %add3A_917 = vector.broadcast %add3A_916 : i32 to vector<16xi32>
      %add3A_918 = arith.addi %add3A_917, %iota3A : vector<16xi32>
      %get3A_919 = arith.index_cast %add3A_11 : i32 to index
      %get3A_920 = arith.constant 64 : index
      %get3A_921 = tpu.vector_load %arg7[%get3A_919, %get3A_920] {strides = array<i32>} : memref<24x128xi32, #tpu.memory_space<vmem>>, vector<16xi32>,
      %and3A_922 = arith.constant 7 : i32
      %and3A_923 = vector.broadcast %and3A_922 : i32 to vector<16xi32>
      %and3A_924 = arith.andi %get3A_921, %and3A_923 : vector<16xi32>
      %mul3A_925 = arith.constant 16 : i32
      %mul3A_926 = vector.broadcast %mul3A_925 : i32 to vector<16xi32>
      %mul3A_927 = arith.muli %and3A_924, %mul3A_926 : vector<16xi32>
      %get3A_928 = arith.index_cast %add3A_11 : i32 to index
      %get3A_929 = arith.constant 64 : index
      %get3A_930 = tpu.vector_load %arg8[%get3A_928, %get3A_929] {strides = array<i32>} : memref<24x128xi32, #tpu.memory_space<vmem>>, vector<16xi32>,
      %and3A_931 = arith.constant 7 : i32
      %and3A_932 = vector.broadcast %and3A_931 : i32 to vector<16xi32>
      %and3A_933 = arith.andi %get3A_930, %and3A_932 : vector<16xi32>
      %mul3A_934 = arith.constant 16 : i32
      %mul3A_935 = vector.broadcast %mul3A_934 : i32 to vector<16xi32>
      %mul3A_936 = arith.muli %and3A_933, %mul3A_935 : vector<16xi32>
      %broadcast_in_dim3A_937 = arith.constant 0.000000e+00 : f32
      %broadcast_in_dim3A_938 = vector.broadcast %broadcast_in_dim3A_937 : f32 to vector<16xf32>
      %add3A_939 = arith.constant 0 : i32
      %add3A_940 = vector.broadcast %add3A_939 : i32 to vector<16xi32>
      %add3A_941 = arith.addi %mul3A_927, %add3A_940 : vector<16xi32>
      %gather3A_942 = tpu.vector_load_idx %arg11[%add3A_918, %add3A_941] : memref<128x128xf32, #tpu.memory_space<vmem>>[vector<16xi32>, vector<16xi32>], vector<16xf32>,
      %add3A_943 = arith.constant 0 : i32
      %add3A_944 = vector.broadcast %add3A_943 : i32 to vector<16xi32>
      %add3A_945 = arith.addi %mul3A_936, %add3A_944 : vector<16xi32>
      %gather3A_946 = tpu.vector_load_idx %arg12[%add3A_918, %add3A_945] : memref<128x128xf32, #tpu.memory_space<vmem>>[vector<16xi32>, vector<16xi32>], vector<16xf32>,
      %mul3A_947 = arith.mulf %gather3A_942, %gather3A_946 : vector<16xf32>
      %add3A_948 = arith.addf %broadcast_in_dim3A_938, %mul3A_947 : vector<16xf32>
      %add3A_949 = arith.constant 1 : i32
      %add3A_950 = vector.broadcast %add3A_949 : i32 to vector<16xi32>
      %add3A_951 = arith.addi %mul3A_927, %add3A_950 : vector<16xi32>
      %gather3A_952 = tpu.vector_load_idx %arg11[%add3A_918, %add3A_951] : memref<128x128xf32, #tpu.memory_space<vmem>>[vector<16xi32>, vector<16xi32>], vector<16xf32>,
      %add3A_953 = arith.constant 1 : i32
      %add3A_954 = vector.broadcast %add3A_953 : i32 to vector<16xi32>
      %add3A_955 = arith.addi %mul3A_936, %add3A_954 : vector<16xi32>
      %gather3A_956 = tpu.vector_load_idx %arg12[%add3A_918, %add3A_955] : memref<128x128xf32, #tpu.memory_space<vmem>>[vector<16xi32>, vector<16xi32>], vector<16xf32>,
      %mul3A_957 = arith.mulf %gather3A_952, %gather3A_956 : vector<16xf32>
      %add3A_958 = arith.addf %add3A_948, %mul3A_957 : vector<16xf32>
      %add3A_959 = arith.constant 2 : i32
      %add3A_960 = vector.broadcast %add3A_959 : i32 to vector<16xi32>
      %add3A_961 = arith.addi %mul3A_927, %add3A_960 : vector<16xi32>
      %gather3A_962 = tpu.vector_load_idx %arg11[%add3A_918, %add3A_961] : memref<128x128xf32, #tpu.memory_space<vmem>>[vector<16xi32>, vector<16xi32>], vector<16xf32>,
      %add3A_963 = arith.constant 2 : i32
      %add3A_964 = vector.broadcast %add3A_963 : i32 to vector<16xi32>
      %add3A_965 = arith.addi %mul3A_936, %add3A_964 : vector<16xi32>
      %gather3A_966 = tpu.vector_load_idx %arg12[%add3A_918, %add3A_965] : memref<128x128xf32, #tpu.memory_space<vmem>>[vector<16xi32>, vector<16xi32>], vector<16xf32>,
      %mul3A_967 = arith.mulf %gather3A_962, %gather3A_966 : vector<16xf32>
      %add3A_968 = arith.addf %add3A_958, %mul3A_967 : vector<16xf32>
      %add3A_969 = arith.constant 3 : i32
      %add3A_970 = vector.broadcast %add3A_969 : i32 to vector<16xi32>
      %add3A_971 = arith.addi %mul3A_927, %add3A_970 : vector<16xi32>
      %gather3A_972 = tpu.vector_load_idx %arg11[%add3A_918, %add3A_971] : memref<128x128xf32, #tpu.memory_space<vmem>>[vector<16xi32>, vector<16xi32>], vector<16xf32>,
      %add3A_973 = arith.constant 3 : i32
      %add3A_974 = vector.broadcast %add3A_973 : i32 to vector<16xi32>
      %add3A_975 = arith.addi %mul3A_936, %add3A_974 : vector<16xi32>
      %gather3A_976 = tpu.vector_load_idx %arg12[%add3A_918, %add3A_975] : memref<128x128xf32, #tpu.memory_space<vmem>>[vector<16xi32>, vector<16xi32>], vector<16xf32>,
      %mul3A_977 = arith.mulf %gather3A_972, %gather3A_976 : vector<16xf32>
      %add3A_978 = arith.addf %add3A_968, %mul3A_977 : vector<16xf32>
      %add3A_979 = arith.constant 4 : i32
      %add3A_980 = vector.broadcast %add3A_979 : i32 to vector<16xi32>
      %add3A_981 = arith.addi %mul3A_927, %add3A_980 : vector<16xi32>
      %gather3A_982 = tpu.vector_load_idx %arg11[%add3A_918, %add3A_981] : memref<128x128xf32, #tpu.memory_space<vmem>>[vector<16xi32>, vector<16xi32>], vector<16xf32>,
      %add3A_983 = arith.constant 4 : i32
      %add3A_984 = vector.broadcast %add3A_983 : i32 to vector<16xi32>
      %add3A_985 = arith.addi %mul3A_936, %add3A_984 : vector<16xi32>
      %gather3A_986 = tpu.vector_load_idx %arg12[%add3A_918, %add3A_985] : memref<128x128xf32, #tpu.memory_space<vmem>>[vector<16xi32>, vector<16xi32>], vector<16xf32>,
      %mul3A_987 = arith.mulf %gather3A_982, %gather3A_986 : vector<16xf32>
      %add3A_988 = arith.addf %add3A_978, %mul3A_987 : vector<16xf32>
      %add3A_989 = arith.constant 5 : i32
      %add3A_990 = vector.broadcast %add3A_989 : i32 to vector<16xi32>
      %add3A_991 = arith.addi %mul3A_927, %add3A_990 : vector<16xi32>
      %gather3A_992 = tpu.vector_load_idx %arg11[%add3A_918, %add3A_991] : memref<128x128xf32, #tpu.memory_space<vmem>>[vector<16xi32>, vector<16xi32>], vector<16xf32>,
      %add3A_993 = arith.constant 5 : i32
      %add3A_994 = vector.broadcast %add3A_993 : i32 to vector<16xi32>
      %add3A_995 = arith.addi %mul3A_936, %add3A_994 : vector<16xi32>
      %gather3A_996 = tpu.vector_load_idx %arg12[%add3A_918, %add3A_995] : memref<128x128xf32, #tpu.memory_space<vmem>>[vector<16xi32>, vector<16xi32>], vector<16xf32>,
      %mul3A_997 = arith.mulf %gather3A_992, %gather3A_996 : vector<16xf32>
      %add3A_998 = arith.addf %add3A_988, %mul3A_997 : vector<16xf32>
      %add3A_999 = arith.constant 6 : i32
      %add3A_1000 = vector.broadcast %add3A_999 : i32 to vector<16xi32>
      %add3A_1001 = arith.addi %mul3A_927, %add3A_1000 : vector<16xi32>
      %gather3A_1002 = tpu.vector_load_idx %arg11[%add3A_918, %add3A_1001] : memref<128x128xf32, #tpu.memory_space<vmem>>[vector<16xi32>, vector<16xi32>], vector<16xf32>,
      %add3A_1003 = arith.constant 6 : i32
      %add3A_1004 = vector.broadcast %add3A_1003 : i32 to vector<16xi32>
      %add3A_1005 = arith.addi %mul3A_936, %add3A_1004 : vector<16xi32>
      %gather3A_1006 = tpu.vector_load_idx %arg12[%add3A_918, %add3A_1005] : memref<128x128xf32, #tpu.memory_space<vmem>>[vector<16xi32>, vector<16xi32>], vector<16xf32>,
      %mul3A_1007 = arith.mulf %gather3A_1002, %gather3A_1006 : vector<16xf32>
      %add3A_1008 = arith.addf %add3A_998, %mul3A_1007 : vector<16xf32>
      %add3A_1009 = arith.constant 7 : i32
      %add3A_1010 = vector.broadcast %add3A_1009 : i32 to vector<16xi32>
      %add3A_1011 = arith.addi %mul3A_927, %add3A_1010 : vector<16xi32>
      %gather3A_1012 = tpu.vector_load_idx %arg11[%add3A_918, %add3A_1011] : memref<128x128xf32, #tpu.memory_space<vmem>>[vector<16xi32>, vector<16xi32>], vector<16xf32>,
      %add3A_1013 = arith.constant 7 : i32
      %add3A_1014 = vector.broadcast %add3A_1013 : i32 to vector<16xi32>
      %add3A_1015 = arith.addi %mul3A_936, %add3A_1014 : vector<16xi32>
      %gather3A_1016 = tpu.vector_load_idx %arg12[%add3A_918, %add3A_1015] : memref<128x128xf32, #tpu.memory_space<vmem>>[vector<16xi32>, vector<16xi32>], vector<16xf32>,
      %mul3A_1017 = arith.mulf %gather3A_1012, %gather3A_1016 : vector<16xf32>
      %add3A_1018 = arith.addf %add3A_1008, %mul3A_1017 : vector<16xf32>
      %add3A_1019 = arith.constant 8 : i32
      %add3A_1020 = vector.broadcast %add3A_1019 : i32 to vector<16xi32>
      %add3A_1021 = arith.addi %mul3A_927, %add3A_1020 : vector<16xi32>
      %gather3A_1022 = tpu.vector_load_idx %arg11[%add3A_918, %add3A_1021] : memref<128x128xf32, #tpu.memory_space<vmem>>[vector<16xi32>, vector<16xi32>], vector<16xf32>,
      %add3A_1023 = arith.constant 8 : i32
      %add3A_1024 = vector.broadcast %add3A_1023 : i32 to vector<16xi32>
      %add3A_1025 = arith.addi %mul3A_936, %add3A_1024 : vector<16xi32>
      %gather3A_1026 = tpu.vector_load_idx %arg12[%add3A_918, %add3A_1025] : memref<128x128xf32, #tpu.memory_space<vmem>>[vector<16xi32>, vector<16xi32>], vector<16xf32>,
      %mul3A_1027 = arith.mulf %gather3A_1022, %gather3A_1026 : vector<16xf32>
      %add3A_1028 = arith.addf %add3A_1018, %mul3A_1027 : vector<16xf32>
      %add3A_1029 = arith.constant 9 : i32
      %add3A_1030 = vector.broadcast %add3A_1029 : i32 to vector<16xi32>
      %add3A_1031 = arith.addi %mul3A_927, %add3A_1030 : vector<16xi32>
      %gather3A_1032 = tpu.vector_load_idx %arg11[%add3A_918, %add3A_1031] : memref<128x128xf32, #tpu.memory_space<vmem>>[vector<16xi32>, vector<16xi32>], vector<16xf32>,
      %add3A_1033 = arith.constant 9 : i32
      %add3A_1034 = vector.broadcast %add3A_1033 : i32 to vector<16xi32>
      %add3A_1035 = arith.addi %mul3A_936, %add3A_1034 : vector<16xi32>
      %gather3A_1036 = tpu.vector_load_idx %arg12[%add3A_918, %add3A_1035] : memref<128x128xf32, #tpu.memory_space<vmem>>[vector<16xi32>, vector<16xi32>], vector<16xf32>,
      %mul3A_1037 = arith.mulf %gather3A_1032, %gather3A_1036 : vector<16xf32>
      %add3A_1038 = arith.addf %add3A_1028, %mul3A_1037 : vector<16xf32>
      %add3A_1039 = arith.constant 10 : i32
      %add3A_1040 = vector.broadcast %add3A_1039 : i32 to vector<16xi32>
      %add3A_1041 = arith.addi %mul3A_927, %add3A_1040 : vector<16xi32>
      %gather3A_1042 = tpu.vector_load_idx %arg11[%add3A_918, %add3A_1041] : memref<128x128xf32, #tpu.memory_space<vmem>>[vector<16xi32>, vector<16xi32>], vector<16xf32>,
      %add3A_1043 = arith.constant 10 : i32
      %add3A_1044 = vector.broadcast %add3A_1043 : i32 to vector<16xi32>
      %add3A_1045 = arith.addi %mul3A_936, %add3A_1044 : vector<16xi32>
      %gather3A_1046 = tpu.vector_load_idx %arg12[%add3A_918, %add3A_1045] : memref<128x128xf32, #tpu.memory_space<vmem>>[vector<16xi32>, vector<16xi32>], vector<16xf32>,
      %mul3A_1047 = arith.mulf %gather3A_1042, %gather3A_1046 : vector<16xf32>
      %add3A_1048 = arith.addf %add3A_1038, %mul3A_1047 : vector<16xf32>
      %add3A_1049 = arith.constant 11 : i32
      %add3A_1050 = vector.broadcast %add3A_1049 : i32 to vector<16xi32>
      %add3A_1051 = arith.addi %mul3A_927, %add3A_1050 : vector<16xi32>
      %gather3A_1052 = tpu.vector_load_idx %arg11[%add3A_918, %add3A_1051] : memref<128x128xf32, #tpu.memory_space<vmem>>[vector<16xi32>, vector<16xi32>], vector<16xf32>,
      %add3A_1053 = arith.constant 11 : i32
      %add3A_1054 = vector.broadcast %add3A_1053 : i32 to vector<16xi32>
      %add3A_1055 = arith.addi %mul3A_936, %add3A_1054 : vector<16xi32>
      %gather3A_1056 = tpu.vector_load_idx %arg12[%add3A_918, %add3A_1055] : memref<128x128xf32, #tpu.memory_space<vmem>>[vector<16xi32>, vector<16xi32>], vector<16xf32>,
      %mul3A_1057 = arith.mulf %gather3A_1052, %gather3A_1056 : vector<16xf32>
      %add3A_1058 = arith.addf %add3A_1048, %mul3A_1057 : vector<16xf32>
      %add3A_1059 = arith.constant 12 : i32
      %add3A_1060 = vector.broadcast %add3A_1059 : i32 to vector<16xi32>
      %add3A_1061 = arith.addi %mul3A_927, %add3A_1060 : vector<16xi32>
      %gather3A_1062 = tpu.vector_load_idx %arg11[%add3A_918, %add3A_1061] : memref<128x128xf32, #tpu.memory_space<vmem>>[vector<16xi32>, vector<16xi32>], vector<16xf32>,
      %add3A_1063 = arith.constant 12 : i32
      %add3A_1064 = vector.broadcast %add3A_1063 : i32 to vector<16xi32>
      %add3A_1065 = arith.addi %mul3A_936, %add3A_1064 : vector<16xi32>
      %gather3A_1066 = tpu.vector_load_idx %arg12[%add3A_918, %add3A_1065] : memref<128x128xf32, #tpu.memory_space<vmem>>[vector<16xi32>, vector<16xi32>], vector<16xf32>,
      %mul3A_1067 = arith.mulf %gather3A_1062, %gather3A_1066 : vector<16xf32>
      %add3A_1068 = arith.addf %add3A_1058, %mul3A_1067 : vector<16xf32>
      %add3A_1069 = arith.constant 13 : i32
      %add3A_1070 = vector.broadcast %add3A_1069 : i32 to vector<16xi32>
      %add3A_1071 = arith.addi %mul3A_927, %add3A_1070 : vector<16xi32>
      %gather3A_1072 = tpu.vector_load_idx %arg11[%add3A_918, %add3A_1071] : memref<128x128xf32, #tpu.memory_space<vmem>>[vector<16xi32>, vector<16xi32>], vector<16xf32>,
      %add3A_1073 = arith.constant 13 : i32
      %add3A_1074 = vector.broadcast %add3A_1073 : i32 to vector<16xi32>
      %add3A_1075 = arith.addi %mul3A_936, %add3A_1074 : vector<16xi32>
      %gather3A_1076 = tpu.vector_load_idx %arg12[%add3A_918, %add3A_1075] : memref<128x128xf32, #tpu.memory_space<vmem>>[vector<16xi32>, vector<16xi32>], vector<16xf32>,
      %mul3A_1077 = arith.mulf %gather3A_1072, %gather3A_1076 : vector<16xf32>
      %add3A_1078 = arith.addf %add3A_1068, %mul3A_1077 : vector<16xf32>
      %add3A_1079 = arith.constant 14 : i32
      %add3A_1080 = vector.broadcast %add3A_1079 : i32 to vector<16xi32>
      %add3A_1081 = arith.addi %mul3A_927, %add3A_1080 : vector<16xi32>
      %gather3A_1082 = tpu.vector_load_idx %arg11[%add3A_918, %add3A_1081] : memref<128x128xf32, #tpu.memory_space<vmem>>[vector<16xi32>, vector<16xi32>], vector<16xf32>,
      %add3A_1083 = arith.constant 14 : i32
      %add3A_1084 = vector.broadcast %add3A_1083 : i32 to vector<16xi32>
      %add3A_1085 = arith.addi %mul3A_936, %add3A_1084 : vector<16xi32>
      %gather3A_1086 = tpu.vector_load_idx %arg12[%add3A_918, %add3A_1085] : memref<128x128xf32, #tpu.memory_space<vmem>>[vector<16xi32>, vector<16xi32>], vector<16xf32>,
      %mul3A_1087 = arith.mulf %gather3A_1082, %gather3A_1086 : vector<16xf32>
      %add3A_1088 = arith.addf %add3A_1078, %mul3A_1087 : vector<16xf32>
      %add3A_1089 = arith.constant 15 : i32
      %add3A_1090 = vector.broadcast %add3A_1089 : i32 to vector<16xi32>
      %add3A_1091 = arith.addi %mul3A_927, %add3A_1090 : vector<16xi32>
      %gather3A_1092 = tpu.vector_load_idx %arg11[%add3A_918, %add3A_1091] : memref<128x128xf32, #tpu.memory_space<vmem>>[vector<16xi32>, vector<16xi32>], vector<16xf32>,
      %add3A_1093 = arith.constant 15 : i32
      %add3A_1094 = vector.broadcast %add3A_1093 : i32 to vector<16xi32>
      %add3A_1095 = arith.addi %mul3A_936, %add3A_1094 : vector<16xi32>
      %gather3A_1096 = tpu.vector_load_idx %arg12[%add3A_918, %add3A_1095] : memref<128x128xf32, #tpu.memory_space<vmem>>[vector<16xi32>, vector<16xi32>], vector<16xf32>,
      %mul3A_1097 = arith.mulf %gather3A_1092, %gather3A_1096 : vector<16xf32>
      %add3A_1098 = arith.addf %add3A_1088, %mul3A_1097 : vector<16xf32>
      %swap3A_1099 = arith.index_cast %add3A_11 : i32 to index
      %swap3A_1100 = arith.constant 64 : index
      %swap3A_1101 = tpu.vector_load %arg13[%swap3A_1099, %swap3A_1100] {strides = array<i32>} : memref<24x128xf32, #tpu.memory_space<vmem>>, vector<16xf32>,
      tpu.vector_store %arg13[%swap3A_1099, %swap3A_1100], %add3A_1098 {strides = array<i32>} : memref<24x128xf32, #tpu.memory_space<vmem>>, vector<16xf32>,
      %add3A_1102 = arith.constant 80 : i32
      %add3A_1103 = vector.broadcast %add3A_1102 : i32 to vector<16xi32>
      %add3A_1104 = arith.addi %add3A_1103, %iota3A : vector<16xi32>
      %get3A_1105 = arith.index_cast %add3A_11 : i32 to index
      %get3A_1106 = arith.constant 80 : index
      %get3A_1107 = tpu.vector_load %arg7[%get3A_1105, %get3A_1106] {strides = array<i32>} : memref<24x128xi32, #tpu.memory_space<vmem>>, vector<16xi32>,
      %and3A_1108 = arith.constant 7 : i32
      %and3A_1109 = vector.broadcast %and3A_1108 : i32 to vector<16xi32>
      %and3A_1110 = arith.andi %get3A_1107, %and3A_1109 : vector<16xi32>
      %mul3A_1111 = arith.constant 16 : i32
      %mul3A_1112 = vector.broadcast %mul3A_1111 : i32 to vector<16xi32>
      %mul3A_1113 = arith.muli %and3A_1110, %mul3A_1112 : vector<16xi32>
      %get3A_1114 = arith.index_cast %add3A_11 : i32 to index
      %get3A_1115 = arith.constant 80 : index
      %get3A_1116 = tpu.vector_load %arg8[%get3A_1114, %get3A_1115] {strides = array<i32>} : memref<24x128xi32, #tpu.memory_space<vmem>>, vector<16xi32>,
      %and3A_1117 = arith.constant 7 : i32
      %and3A_1118 = vector.broadcast %and3A_1117 : i32 to vector<16xi32>
      %and3A_1119 = arith.andi %get3A_1116, %and3A_1118 : vector<16xi32>
      %mul3A_1120 = arith.constant 16 : i32
      %mul3A_1121 = vector.broadcast %mul3A_1120 : i32 to vector<16xi32>
      %mul3A_1122 = arith.muli %and3A_1119, %mul3A_1121 : vector<16xi32>
      %broadcast_in_dim3A_1123 = arith.constant 0.000000e+00 : f32
      %broadcast_in_dim3A_1124 = vector.broadcast %broadcast_in_dim3A_1123 : f32 to vector<16xf32>
      %add3A_1125 = arith.constant 0 : i32
      %add3A_1126 = vector.broadcast %add3A_1125 : i32 to vector<16xi32>
      %add3A_1127 = arith.addi %mul3A_1113, %add3A_1126 : vector<16xi32>
      %gather3A_1128 = tpu.vector_load_idx %arg11[%add3A_1104, %add3A_1127] : memref<128x128xf32, #tpu.memory_space<vmem>>[vector<16xi32>, vector<16xi32>], vector<16xf32>,
      %add3A_1129 = arith.constant 0 : i32
      %add3A_1130 = vector.broadcast %add3A_1129 : i32 to vector<16xi32>
      %add3A_1131 = arith.addi %mul3A_1122, %add3A_1130 : vector<16xi32>
      %gather3A_1132 = tpu.vector_load_idx %arg12[%add3A_1104, %add3A_1131] : memref<128x128xf32, #tpu.memory_space<vmem>>[vector<16xi32>, vector<16xi32>], vector<16xf32>,
      %mul3A_1133 = arith.mulf %gather3A_1128, %gather3A_1132 : vector<16xf32>
      %add3A_1134 = arith.addf %broadcast_in_dim3A_1124, %mul3A_1133 : vector<16xf32>
      %add3A_1135 = arith.constant 1 : i32
      %add3A_1136 = vector.broadcast %add3A_1135 : i32 to vector<16xi32>
      %add3A_1137 = arith.addi %mul3A_1113, %add3A_1136 : vector<16xi32>
      %gather3A_1138 = tpu.vector_load_idx %arg11[%add3A_1104, %add3A_1137] : memref<128x128xf32, #tpu.memory_space<vmem>>[vector<16xi32>, vector<16xi32>], vector<16xf32>,
      %add3A_1139 = arith.constant 1 : i32
      %add3A_1140 = vector.broadcast %add3A_1139 : i32 to vector<16xi32>
      %add3A_1141 = arith.addi %mul3A_1122, %add3A_1140 : vector<16xi32>
      %gather3A_1142 = tpu.vector_load_idx %arg12[%add3A_1104, %add3A_1141] : memref<128x128xf32, #tpu.memory_space<vmem>>[vector<16xi32>, vector<16xi32>], vector<16xf32>,
      %mul3A_1143 = arith.mulf %gather3A_1138, %gather3A_1142 : vector<16xf32>
      %add3A_1144 = arith.addf %add3A_1134, %mul3A_1143 : vector<16xf32>
      %add3A_1145 = arith.constant 2 : i32
      %add3A_1146 = vector.broadcast %add3A_1145 : i32 to vector<16xi32>
      %add3A_1147 = arith.addi %mul3A_1113, %add3A_1146 : vector<16xi32>
      %gather3A_1148 = tpu.vector_load_idx %arg11[%add3A_1104, %add3A_1147] : memref<128x128xf32, #tpu.memory_space<vmem>>[vector<16xi32>, vector<16xi32>], vector<16xf32>,
      %add3A_1149 = arith.constant 2 : i32
      %add3A_1150 = vector.broadcast %add3A_1149 : i32 to vector<16xi32>
      %add3A_1151 = arith.addi %mul3A_1122, %add3A_1150 : vector<16xi32>
      %gather3A_1152 = tpu.vector_load_idx %arg12[%add3A_1104, %add3A_1151] : memref<128x128xf32, #tpu.memory_space<vmem>>[vector<16xi32>, vector<16xi32>], vector<16xf32>,
      %mul3A_1153 = arith.mulf %gather3A_1148, %gather3A_1152 : vector<16xf32>
      %add3A_1154 = arith.addf %add3A_1144, %mul3A_1153 : vector<16xf32>
      %add3A_1155 = arith.constant 3 : i32
      %add3A_1156 = vector.broadcast %add3A_1155 : i32 to vector<16xi32>
      %add3A_1157 = arith.addi %mul3A_1113, %add3A_1156 : vector<16xi32>
      %gather3A_1158 = tpu.vector_load_idx %arg11[%add3A_1104, %add3A_1157] : memref<128x128xf32, #tpu.memory_space<vmem>>[vector<16xi32>, vector<16xi32>], vector<16xf32>,
      %add3A_1159 = arith.constant 3 : i32
      %add3A_1160 = vector.broadcast %add3A_1159 : i32 to vector<16xi32>
      %add3A_1161 = arith.addi %mul3A_1122, %add3A_1160 : vector<16xi32>
      %gather3A_1162 = tpu.vector_load_idx %arg12[%add3A_1104, %add3A_1161] : memref<128x128xf32, #tpu.memory_space<vmem>>[vector<16xi32>, vector<16xi32>], vector<16xf32>,
      %mul3A_1163 = arith.mulf %gather3A_1158, %gather3A_1162 : vector<16xf32>
      %add3A_1164 = arith.addf %add3A_1154, %mul3A_1163 : vector<16xf32>
      %add3A_1165 = arith.constant 4 : i32
      %add3A_1166 = vector.broadcast %add3A_1165 : i32 to vector<16xi32>
      %add3A_1167 = arith.addi %mul3A_1113, %add3A_1166 : vector<16xi32>
      %gather3A_1168 = tpu.vector_load_idx %arg11[%add3A_1104, %add3A_1167] : memref<128x128xf32, #tpu.memory_space<vmem>>[vector<16xi32>, vector<16xi32>], vector<16xf32>,
      %add3A_1169 = arith.constant 4 : i32
      %add3A_1170 = vector.broadcast %add3A_1169 : i32 to vector<16xi32>
      %add3A_1171 = arith.addi %mul3A_1122, %add3A_1170 : vector<16xi32>
      %gather3A_1172 = tpu.vector_load_idx %arg12[%add3A_1104, %add3A_1171] : memref<128x128xf32, #tpu.memory_space<vmem>>[vector<16xi32>, vector<16xi32>], vector<16xf32>,
      %mul3A_1173 = arith.mulf %gather3A_1168, %gather3A_1172 : vector<16xf32>
      %add3A_1174 = arith.addf %add3A_1164, %mul3A_1173 : vector<16xf32>
      %add3A_1175 = arith.constant 5 : i32
      %add3A_1176 = vector.broadcast %add3A_1175 : i32 to vector<16xi32>
      %add3A_1177 = arith.addi %mul3A_1113, %add3A_1176 : vector<16xi32>
      %gather3A_1178 = tpu.vector_load_idx %arg11[%add3A_1104, %add3A_1177] : memref<128x128xf32, #tpu.memory_space<vmem>>[vector<16xi32>, vector<16xi32>], vector<16xf32>,
      %add3A_1179 = arith.constant 5 : i32
      %add3A_1180 = vector.broadcast %add3A_1179 : i32 to vector<16xi32>
      %add3A_1181 = arith.addi %mul3A_1122, %add3A_1180 : vector<16xi32>
      %gather3A_1182 = tpu.vector_load_idx %arg12[%add3A_1104, %add3A_1181] : memref<128x128xf32, #tpu.memory_space<vmem>>[vector<16xi32>, vector<16xi32>], vector<16xf32>,
      %mul3A_1183 = arith.mulf %gather3A_1178, %gather3A_1182 : vector<16xf32>
      %add3A_1184 = arith.addf %add3A_1174, %mul3A_1183 : vector<16xf32>
      %add3A_1185 = arith.constant 6 : i32
      %add3A_1186 = vector.broadcast %add3A_1185 : i32 to vector<16xi32>
      %add3A_1187 = arith.addi %mul3A_1113, %add3A_1186 : vector<16xi32>
      %gather3A_1188 = tpu.vector_load_idx %arg11[%add3A_1104, %add3A_1187] : memref<128x128xf32, #tpu.memory_space<vmem>>[vector<16xi32>, vector<16xi32>], vector<16xf32>,
      %add3A_1189 = arith.constant 6 : i32
      %add3A_1190 = vector.broadcast %add3A_1189 : i32 to vector<16xi32>
      %add3A_1191 = arith.addi %mul3A_1122, %add3A_1190 : vector<16xi32>
      %gather3A_1192 = tpu.vector_load_idx %arg12[%add3A_1104, %add3A_1191] : memref<128x128xf32, #tpu.memory_space<vmem>>[vector<16xi32>, vector<16xi32>], vector<16xf32>,
      %mul3A_1193 = arith.mulf %gather3A_1188, %gather3A_1192 : vector<16xf32>
      %add3A_1194 = arith.addf %add3A_1184, %mul3A_1193 : vector<16xf32>
      %add3A_1195 = arith.constant 7 : i32
      %add3A_1196 = vector.broadcast %add3A_1195 : i32 to vector<16xi32>
      %add3A_1197 = arith.addi %mul3A_1113, %add3A_1196 : vector<16xi32>
      %gather3A_1198 = tpu.vector_load_idx %arg11[%add3A_1104, %add3A_1197] : memref<128x128xf32, #tpu.memory_space<vmem>>[vector<16xi32>, vector<16xi32>], vector<16xf32>,
      %add3A_1199 = arith.constant 7 : i32
      %add3A_1200 = vector.broadcast %add3A_1199 : i32 to vector<16xi32>
      %add3A_1201 = arith.addi %mul3A_1122, %add3A_1200 : vector<16xi32>
      %gather3A_1202 = tpu.vector_load_idx %arg12[%add3A_1104, %add3A_1201] : memref<128x128xf32, #tpu.memory_space<vmem>>[vector<16xi32>, vector<16xi32>], vector<16xf32>,
      %mul3A_1203 = arith.mulf %gather3A_1198, %gather3A_1202 : vector<16xf32>
      %add3A_1204 = arith.addf %add3A_1194, %mul3A_1203 : vector<16xf32>
      %add3A_1205 = arith.constant 8 : i32
      %add3A_1206 = vector.broadcast %add3A_1205 : i32 to vector<16xi32>
      %add3A_1207 = arith.addi %mul3A_1113, %add3A_1206 : vector<16xi32>
      %gather3A_1208 = tpu.vector_load_idx %arg11[%add3A_1104, %add3A_1207] : memref<128x128xf32, #tpu.memory_space<vmem>>[vector<16xi32>, vector<16xi32>], vector<16xf32>,
      %add3A_1209 = arith.constant 8 : i32
      %add3A_1210 = vector.broadcast %add3A_1209 : i32 to vector<16xi32>
      %add3A_1211 = arith.addi %mul3A_1122, %add3A_1210 : vector<16xi32>
      %gather3A_1212 = tpu.vector_load_idx %arg12[%add3A_1104, %add3A_1211] : memref<128x128xf32, #tpu.memory_space<vmem>>[vector<16xi32>, vector<16xi32>], vector<16xf32>,
      %mul3A_1213 = arith.mulf %gather3A_1208, %gather3A_1212 : vector<16xf32>
      %add3A_1214 = arith.addf %add3A_1204, %mul3A_1213 : vector<16xf32>
      %add3A_1215 = arith.constant 9 : i32
      %add3A_1216 = vector.broadcast %add3A_1215 : i32 to vector<16xi32>
      %add3A_1217 = arith.addi %mul3A_1113, %add3A_1216 : vector<16xi32>
      %gather3A_1218 = tpu.vector_load_idx %arg11[%add3A_1104, %add3A_1217] : memref<128x128xf32, #tpu.memory_space<vmem>>[vector<16xi32>, vector<16xi32>], vector<16xf32>,
      %add3A_1219 = arith.constant 9 : i32
      %add3A_1220 = vector.broadcast %add3A_1219 : i32 to vector<16xi32>
      %add3A_1221 = arith.addi %mul3A_1122, %add3A_1220 : vector<16xi32>
      %gather3A_1222 = tpu.vector_load_idx %arg12[%add3A_1104, %add3A_1221] : memref<128x128xf32, #tpu.memory_space<vmem>>[vector<16xi32>, vector<16xi32>], vector<16xf32>,
      %mul3A_1223 = arith.mulf %gather3A_1218, %gather3A_1222 : vector<16xf32>
      %add3A_1224 = arith.addf %add3A_1214, %mul3A_1223 : vector<16xf32>
      %add3A_1225 = arith.constant 10 : i32
      %add3A_1226 = vector.broadcast %add3A_1225 : i32 to vector<16xi32>
      %add3A_1227 = arith.addi %mul3A_1113, %add3A_1226 : vector<16xi32>
      %gather3A_1228 = tpu.vector_load_idx %arg11[%add3A_1104, %add3A_1227] : memref<128x128xf32, #tpu.memory_space<vmem>>[vector<16xi32>, vector<16xi32>], vector<16xf32>,
      %add3A_1229 = arith.constant 10 : i32
      %add3A_1230 = vector.broadcast %add3A_1229 : i32 to vector<16xi32>
      %add3A_1231 = arith.addi %mul3A_1122, %add3A_1230 : vector<16xi32>
      %gather3A_1232 = tpu.vector_load_idx %arg12[%add3A_1104, %add3A_1231] : memref<128x128xf32, #tpu.memory_space<vmem>>[vector<16xi32>, vector<16xi32>], vector<16xf32>,
      %mul3A_1233 = arith.mulf %gather3A_1228, %gather3A_1232 : vector<16xf32>
      %add3A_1234 = arith.addf %add3A_1224, %mul3A_1233 : vector<16xf32>
      %add3A_1235 = arith.constant 11 : i32
      %add3A_1236 = vector.broadcast %add3A_1235 : i32 to vector<16xi32>
      %add3A_1237 = arith.addi %mul3A_1113, %add3A_1236 : vector<16xi32>
      %gather3A_1238 = tpu.vector_load_idx %arg11[%add3A_1104, %add3A_1237] : memref<128x128xf32, #tpu.memory_space<vmem>>[vector<16xi32>, vector<16xi32>], vector<16xf32>,
      %add3A_1239 = arith.constant 11 : i32
      %add3A_1240 = vector.broadcast %add3A_1239 : i32 to vector<16xi32>
      %add3A_1241 = arith.addi %mul3A_1122, %add3A_1240 : vector<16xi32>
      %gather3A_1242 = tpu.vector_load_idx %arg12[%add3A_1104, %add3A_1241] : memref<128x128xf32, #tpu.memory_space<vmem>>[vector<16xi32>, vector<16xi32>], vector<16xf32>,
      %mul3A_1243 = arith.mulf %gather3A_1238, %gather3A_1242 : vector<16xf32>
      %add3A_1244 = arith.addf %add3A_1234, %mul3A_1243 : vector<16xf32>
      %add3A_1245 = arith.constant 12 : i32
      %add3A_1246 = vector.broadcast %add3A_1245 : i32 to vector<16xi32>
      %add3A_1247 = arith.addi %mul3A_1113, %add3A_1246 : vector<16xi32>
      %gather3A_1248 = tpu.vector_load_idx %arg11[%add3A_1104, %add3A_1247] : memref<128x128xf32, #tpu.memory_space<vmem>>[vector<16xi32>, vector<16xi32>], vector<16xf32>,
      %add3A_1249 = arith.constant 12 : i32
      %add3A_1250 = vector.broadcast %add3A_1249 : i32 to vector<16xi32>
      %add3A_1251 = arith.addi %mul3A_1122, %add3A_1250 : vector<16xi32>
      %gather3A_1252 = tpu.vector_load_idx %arg12[%add3A_1104, %add3A_1251] : memref<128x128xf32, #tpu.memory_space<vmem>>[vector<16xi32>, vector<16xi32>], vector<16xf32>,
      %mul3A_1253 = arith.mulf %gather3A_1248, %gather3A_1252 : vector<16xf32>
      %add3A_1254 = arith.addf %add3A_1244, %mul3A_1253 : vector<16xf32>
      %add3A_1255 = arith.constant 13 : i32
      %add3A_1256 = vector.broadcast %add3A_1255 : i32 to vector<16xi32>
      %add3A_1257 = arith.addi %mul3A_1113, %add3A_1256 : vector<16xi32>
      %gather3A_1258 = tpu.vector_load_idx %arg11[%add3A_1104, %add3A_1257] : memref<128x128xf32, #tpu.memory_space<vmem>>[vector<16xi32>, vector<16xi32>], vector<16xf32>,
      %add3A_1259 = arith.constant 13 : i32
      %add3A_1260 = vector.broadcast %add3A_1259 : i32 to vector<16xi32>
      %add3A_1261 = arith.addi %mul3A_1122, %add3A_1260 : vector<16xi32>
      %gather3A_1262 = tpu.vector_load_idx %arg12[%add3A_1104, %add3A_1261] : memref<128x128xf32, #tpu.memory_space<vmem>>[vector<16xi32>, vector<16xi32>], vector<16xf32>,
      %mul3A_1263 = arith.mulf %gather3A_1258, %gather3A_1262 : vector<16xf32>
      %add3A_1264 = arith.addf %add3A_1254, %mul3A_1263 : vector<16xf32>
      %add3A_1265 = arith.constant 14 : i32
      %add3A_1266 = vector.broadcast %add3A_1265 : i32 to vector<16xi32>
      %add3A_1267 = arith.addi %mul3A_1113, %add3A_1266 : vector<16xi32>
      %gather3A_1268 = tpu.vector_load_idx %arg11[%add3A_1104, %add3A_1267] : memref<128x128xf32, #tpu.memory_space<vmem>>[vector<16xi32>, vector<16xi32>], vector<16xf32>,
      %add3A_1269 = arith.constant 14 : i32
      %add3A_1270 = vector.broadcast %add3A_1269 : i32 to vector<16xi32>
      %add3A_1271 = arith.addi %mul3A_1122, %add3A_1270 : vector<16xi32>
      %gather3A_1272 = tpu.vector_load_idx %arg12[%add3A_1104, %add3A_1271] : memref<128x128xf32, #tpu.memory_space<vmem>>[vector<16xi32>, vector<16xi32>], vector<16xf32>,
      %mul3A_1273 = arith.mulf %gather3A_1268, %gather3A_1272 : vector<16xf32>
      %add3A_1274 = arith.addf %add3A_1264, %mul3A_1273 : vector<16xf32>
      %add3A_1275 = arith.constant 15 : i32
      %add3A_1276 = vector.broadcast %add3A_1275 : i32 to vector<16xi32>
      %add3A_1277 = arith.addi %mul3A_1113, %add3A_1276 : vector<16xi32>
      %gather3A_1278 = tpu.vector_load_idx %arg11[%add3A_1104, %add3A_1277] : memref<128x128xf32, #tpu.memory_space<vmem>>[vector<16xi32>, vector<16xi32>], vector<16xf32>,
      %add3A_1279 = arith.constant 15 : i32
      %add3A_1280 = vector.broadcast %add3A_1279 : i32 to vector<16xi32>
      %add3A_1281 = arith.addi %mul3A_1122, %add3A_1280 : vector<16xi32>
      %gather3A_1282 = tpu.vector_load_idx %arg12[%add3A_1104, %add3A_1281] : memref<128x128xf32, #tpu.memory_space<vmem>>[vector<16xi32>, vector<16xi32>], vector<16xf32>,
      %mul3A_1283 = arith.mulf %gather3A_1278, %gather3A_1282 : vector<16xf32>
      %add3A_1284 = arith.addf %add3A_1274, %mul3A_1283 : vector<16xf32>
      %swap3A_1285 = arith.index_cast %add3A_11 : i32 to index
      %swap3A_1286 = arith.constant 80 : index
      %swap3A_1287 = tpu.vector_load %arg13[%swap3A_1285, %swap3A_1286] {strides = array<i32>} : memref<24x128xf32, #tpu.memory_space<vmem>>, vector<16xf32>,
      tpu.vector_store %arg13[%swap3A_1285, %swap3A_1286], %add3A_1284 {strides = array<i32>} : memref<24x128xf32, #tpu.memory_space<vmem>>, vector<16xf32>,
      %add3A_1288 = arith.constant 96 : i32
      %add3A_1289 = vector.broadcast %add3A_1288 : i32 to vector<16xi32>
      %add3A_1290 = arith.addi %add3A_1289, %iota3A : vector<16xi32>
      %get3A_1291 = arith.index_cast %add3A_11 : i32 to index
      %get3A_1292 = arith.constant 96 : index
      %get3A_1293 = tpu.vector_load %arg7[%get3A_1291, %get3A_1292] {strides = array<i32>} : memref<24x128xi32, #tpu.memory_space<vmem>>, vector<16xi32>,
      %and3A_1294 = arith.constant 7 : i32
      %and3A_1295 = vector.broadcast %and3A_1294 : i32 to vector<16xi32>
      %and3A_1296 = arith.andi %get3A_1293, %and3A_1295 : vector<16xi32>
      %mul3A_1297 = arith.constant 16 : i32
      %mul3A_1298 = vector.broadcast %mul3A_1297 : i32 to vector<16xi32>
      %mul3A_1299 = arith.muli %and3A_1296, %mul3A_1298 : vector<16xi32>
      %get3A_1300 = arith.index_cast %add3A_11 : i32 to index
      %get3A_1301 = arith.constant 96 : index
      %get3A_1302 = tpu.vector_load %arg8[%get3A_1300, %get3A_1301] {strides = array<i32>} : memref<24x128xi32, #tpu.memory_space<vmem>>, vector<16xi32>,
      %and3A_1303 = arith.constant 7 : i32
      %and3A_1304 = vector.broadcast %and3A_1303 : i32 to vector<16xi32>
      %and3A_1305 = arith.andi %get3A_1302, %and3A_1304 : vector<16xi32>
      %mul3A_1306 = arith.constant 16 : i32
      %mul3A_1307 = vector.broadcast %mul3A_1306 : i32 to vector<16xi32>
      %mul3A_1308 = arith.muli %and3A_1305, %mul3A_1307 : vector<16xi32>
      %broadcast_in_dim3A_1309 = arith.constant 0.000000e+00 : f32
      %broadcast_in_dim3A_1310 = vector.broadcast %broadcast_in_dim3A_1309 : f32 to vector<16xf32>
      %add3A_1311 = arith.constant 0 : i32
      %add3A_1312 = vector.broadcast %add3A_1311 : i32 to vector<16xi32>
      %add3A_1313 = arith.addi %mul3A_1299, %add3A_1312 : vector<16xi32>
      %gather3A_1314 = tpu.vector_load_idx %arg11[%add3A_1290, %add3A_1313] : memref<128x128xf32, #tpu.memory_space<vmem>>[vector<16xi32>, vector<16xi32>], vector<16xf32>,
      %add3A_1315 = arith.constant 0 : i32
      %add3A_1316 = vector.broadcast %add3A_1315 : i32 to vector<16xi32>
      %add3A_1317 = arith.addi %mul3A_1308, %add3A_1316 : vector<16xi32>
      %gather3A_1318 = tpu.vector_load_idx %arg12[%add3A_1290, %add3A_1317] : memref<128x128xf32, #tpu.memory_space<vmem>>[vector<16xi32>, vector<16xi32>], vector<16xf32>,
      %mul3A_1319 = arith.mulf %gather3A_1314, %gather3A_1318 : vector<16xf32>
      %add3A_1320 = arith.addf %broadcast_in_dim3A_1310, %mul3A_1319 : vector<16xf32>
      %add3A_1321 = arith.constant 1 : i32
      %add3A_1322 = vector.broadcast %add3A_1321 : i32 to vector<16xi32>
      %add3A_1323 = arith.addi %mul3A_1299, %add3A_1322 : vector<16xi32>
      %gather3A_1324 = tpu.vector_load_idx %arg11[%add3A_1290, %add3A_1323] : memref<128x128xf32, #tpu.memory_space<vmem>>[vector<16xi32>, vector<16xi32>], vector<16xf32>,
      %add3A_1325 = arith.constant 1 : i32
      %add3A_1326 = vector.broadcast %add3A_1325 : i32 to vector<16xi32>
      %add3A_1327 = arith.addi %mul3A_1308, %add3A_1326 : vector<16xi32>
      %gather3A_1328 = tpu.vector_load_idx %arg12[%add3A_1290, %add3A_1327] : memref<128x128xf32, #tpu.memory_space<vmem>>[vector<16xi32>, vector<16xi32>], vector<16xf32>,
      %mul3A_1329 = arith.mulf %gather3A_1324, %gather3A_1328 : vector<16xf32>
      %add3A_1330 = arith.addf %add3A_1320, %mul3A_1329 : vector<16xf32>
      %add3A_1331 = arith.constant 2 : i32
      %add3A_1332 = vector.broadcast %add3A_1331 : i32 to vector<16xi32>
      %add3A_1333 = arith.addi %mul3A_1299, %add3A_1332 : vector<16xi32>
      %gather3A_1334 = tpu.vector_load_idx %arg11[%add3A_1290, %add3A_1333] : memref<128x128xf32, #tpu.memory_space<vmem>>[vector<16xi32>, vector<16xi32>], vector<16xf32>,
      %add3A_1335 = arith.constant 2 : i32
      %add3A_1336 = vector.broadcast %add3A_1335 : i32 to vector<16xi32>
      %add3A_1337 = arith.addi %mul3A_1308, %add3A_1336 : vector<16xi32>
      %gather3A_1338 = tpu.vector_load_idx %arg12[%add3A_1290, %add3A_1337] : memref<128x128xf32, #tpu.memory_space<vmem>>[vector<16xi32>, vector<16xi32>], vector<16xf32>,
      %mul3A_1339 = arith.mulf %gather3A_1334, %gather3A_1338 : vector<16xf32>
      %add3A_1340 = arith.addf %add3A_1330, %mul3A_1339 : vector<16xf32>
      %add3A_1341 = arith.constant 3 : i32
      %add3A_1342 = vector.broadcast %add3A_1341 : i32 to vector<16xi32>
      %add3A_1343 = arith.addi %mul3A_1299, %add3A_1342 : vector<16xi32>
      %gather3A_1344 = tpu.vector_load_idx %arg11[%add3A_1290, %add3A_1343] : memref<128x128xf32, #tpu.memory_space<vmem>>[vector<16xi32>, vector<16xi32>], vector<16xf32>,
      %add3A_1345 = arith.constant 3 : i32
      %add3A_1346 = vector.broadcast %add3A_1345 : i32 to vector<16xi32>
      %add3A_1347 = arith.addi %mul3A_1308, %add3A_1346 : vector<16xi32>
      %gather3A_1348 = tpu.vector_load_idx %arg12[%add3A_1290, %add3A_1347] : memref<128x128xf32, #tpu.memory_space<vmem>>[vector<16xi32>, vector<16xi32>], vector<16xf32>,
      %mul3A_1349 = arith.mulf %gather3A_1344, %gather3A_1348 : vector<16xf32>
      %add3A_1350 = arith.addf %add3A_1340, %mul3A_1349 : vector<16xf32>
      %add3A_1351 = arith.constant 4 : i32
      %add3A_1352 = vector.broadcast %add3A_1351 : i32 to vector<16xi32>
      %add3A_1353 = arith.addi %mul3A_1299, %add3A_1352 : vector<16xi32>
      %gather3A_1354 = tpu.vector_load_idx %arg11[%add3A_1290, %add3A_1353] : memref<128x128xf32, #tpu.memory_space<vmem>>[vector<16xi32>, vector<16xi32>], vector<16xf32>,
      %add3A_1355 = arith.constant 4 : i32
      %add3A_1356 = vector.broadcast %add3A_1355 : i32 to vector<16xi32>
      %add3A_1357 = arith.addi %mul3A_1308, %add3A_1356 : vector<16xi32>
      %gather3A_1358 = tpu.vector_load_idx %arg12[%add3A_1290, %add3A_1357] : memref<128x128xf32, #tpu.memory_space<vmem>>[vector<16xi32>, vector<16xi32>], vector<16xf32>,
      %mul3A_1359 = arith.mulf %gather3A_1354, %gather3A_1358 : vector<16xf32>
      %add3A_1360 = arith.addf %add3A_1350, %mul3A_1359 : vector<16xf32>
      %add3A_1361 = arith.constant 5 : i32
      %add3A_1362 = vector.broadcast %add3A_1361 : i32 to vector<16xi32>
      %add3A_1363 = arith.addi %mul3A_1299, %add3A_1362 : vector<16xi32>
      %gather3A_1364 = tpu.vector_load_idx %arg11[%add3A_1290, %add3A_1363] : memref<128x128xf32, #tpu.memory_space<vmem>>[vector<16xi32>, vector<16xi32>], vector<16xf32>,
      %add3A_1365 = arith.constant 5 : i32
      %add3A_1366 = vector.broadcast %add3A_1365 : i32 to vector<16xi32>
      %add3A_1367 = arith.addi %mul3A_1308, %add3A_1366 : vector<16xi32>
      %gather3A_1368 = tpu.vector_load_idx %arg12[%add3A_1290, %add3A_1367] : memref<128x128xf32, #tpu.memory_space<vmem>>[vector<16xi32>, vector<16xi32>], vector<16xf32>,
      %mul3A_1369 = arith.mulf %gather3A_1364, %gather3A_1368 : vector<16xf32>
      %add3A_1370 = arith.addf %add3A_1360, %mul3A_1369 : vector<16xf32>
      %add3A_1371 = arith.constant 6 : i32
      %add3A_1372 = vector.broadcast %add3A_1371 : i32 to vector<16xi32>
      %add3A_1373 = arith.addi %mul3A_1299, %add3A_1372 : vector<16xi32>
      %gather3A_1374 = tpu.vector_load_idx %arg11[%add3A_1290, %add3A_1373] : memref<128x128xf32, #tpu.memory_space<vmem>>[vector<16xi32>, vector<16xi32>], vector<16xf32>,
      %add3A_1375 = arith.constant 6 : i32
      %add3A_1376 = vector.broadcast %add3A_1375 : i32 to vector<16xi32>
      %add3A_1377 = arith.addi %mul3A_1308, %add3A_1376 : vector<16xi32>
      %gather3A_1378 = tpu.vector_load_idx %arg12[%add3A_1290, %add3A_1377] : memref<128x128xf32, #tpu.memory_space<vmem>>[vector<16xi32>, vector<16xi32>], vector<16xf32>,
      %mul3A_1379 = arith.mulf %gather3A_1374, %gather3A_1378 : vector<16xf32>
      %add3A_1380 = arith.addf %add3A_1370, %mul3A_1379 : vector<16xf32>
      %add3A_1381 = arith.constant 7 : i32
      %add3A_1382 = vector.broadcast %add3A_1381 : i32 to vector<16xi32>
      %add3A_1383 = arith.addi %mul3A_1299, %add3A_1382 : vector<16xi32>
      %gather3A_1384 = tpu.vector_load_idx %arg11[%add3A_1290, %add3A_1383] : memref<128x128xf32, #tpu.memory_space<vmem>>[vector<16xi32>, vector<16xi32>], vector<16xf32>,
      %add3A_1385 = arith.constant 7 : i32
      %add3A_1386 = vector.broadcast %add3A_1385 : i32 to vector<16xi32>
      %add3A_1387 = arith.addi %mul3A_1308, %add3A_1386 : vector<16xi32>
      %gather3A_1388 = tpu.vector_load_idx %arg12[%add3A_1290, %add3A_1387] : memref<128x128xf32, #tpu.memory_space<vmem>>[vector<16xi32>, vector<16xi32>], vector<16xf32>,
      %mul3A_1389 = arith.mulf %gather3A_1384, %gather3A_1388 : vector<16xf32>
      %add3A_1390 = arith.addf %add3A_1380, %mul3A_1389 : vector<16xf32>
      %add3A_1391 = arith.constant 8 : i32
      %add3A_1392 = vector.broadcast %add3A_1391 : i32 to vector<16xi32>
      %add3A_1393 = arith.addi %mul3A_1299, %add3A_1392 : vector<16xi32>
      %gather3A_1394 = tpu.vector_load_idx %arg11[%add3A_1290, %add3A_1393] : memref<128x128xf32, #tpu.memory_space<vmem>>[vector<16xi32>, vector<16xi32>], vector<16xf32>,
      %add3A_1395 = arith.constant 8 : i32
      %add3A_1396 = vector.broadcast %add3A_1395 : i32 to vector<16xi32>
      %add3A_1397 = arith.addi %mul3A_1308, %add3A_1396 : vector<16xi32>
      %gather3A_1398 = tpu.vector_load_idx %arg12[%add3A_1290, %add3A_1397] : memref<128x128xf32, #tpu.memory_space<vmem>>[vector<16xi32>, vector<16xi32>], vector<16xf32>,
      %mul3A_1399 = arith.mulf %gather3A_1394, %gather3A_1398 : vector<16xf32>
      %add3A_1400 = arith.addf %add3A_1390, %mul3A_1399 : vector<16xf32>
      %add3A_1401 = arith.constant 9 : i32
      %add3A_1402 = vector.broadcast %add3A_1401 : i32 to vector<16xi32>
      %add3A_1403 = arith.addi %mul3A_1299, %add3A_1402 : vector<16xi32>
      %gather3A_1404 = tpu.vector_load_idx %arg11[%add3A_1290, %add3A_1403] : memref<128x128xf32, #tpu.memory_space<vmem>>[vector<16xi32>, vector<16xi32>], vector<16xf32>,
      %add3A_1405 = arith.constant 9 : i32
      %add3A_1406 = vector.broadcast %add3A_1405 : i32 to vector<16xi32>
      %add3A_1407 = arith.addi %mul3A_1308, %add3A_1406 : vector<16xi32>
      %gather3A_1408 = tpu.vector_load_idx %arg12[%add3A_1290, %add3A_1407] : memref<128x128xf32, #tpu.memory_space<vmem>>[vector<16xi32>, vector<16xi32>], vector<16xf32>,
      %mul3A_1409 = arith.mulf %gather3A_1404, %gather3A_1408 : vector<16xf32>
      %add3A_1410 = arith.addf %add3A_1400, %mul3A_1409 : vector<16xf32>
      %add3A_1411 = arith.constant 10 : i32
      %add3A_1412 = vector.broadcast %add3A_1411 : i32 to vector<16xi32>
      %add3A_1413 = arith.addi %mul3A_1299, %add3A_1412 : vector<16xi32>
      %gather3A_1414 = tpu.vector_load_idx %arg11[%add3A_1290, %add3A_1413] : memref<128x128xf32, #tpu.memory_space<vmem>>[vector<16xi32>, vector<16xi32>], vector<16xf32>,
      %add3A_1415 = arith.constant 10 : i32
      %add3A_1416 = vector.broadcast %add3A_1415 : i32 to vector<16xi32>
      %add3A_1417 = arith.addi %mul3A_1308, %add3A_1416 : vector<16xi32>
      %gather3A_1418 = tpu.vector_load_idx %arg12[%add3A_1290, %add3A_1417] : memref<128x128xf32, #tpu.memory_space<vmem>>[vector<16xi32>, vector<16xi32>], vector<16xf32>,
      %mul3A_1419 = arith.mulf %gather3A_1414, %gather3A_1418 : vector<16xf32>
      %add3A_1420 = arith.addf %add3A_1410, %mul3A_1419 : vector<16xf32>
      %add3A_1421 = arith.constant 11 : i32
      %add3A_1422 = vector.broadcast %add3A_1421 : i32 to vector<16xi32>
      %add3A_1423 = arith.addi %mul3A_1299, %add3A_1422 : vector<16xi32>
      %gather3A_1424 = tpu.vector_load_idx %arg11[%add3A_1290, %add3A_1423] : memref<128x128xf32, #tpu.memory_space<vmem>>[vector<16xi32>, vector<16xi32>], vector<16xf32>,
      %add3A_1425 = arith.constant 11 : i32
      %add3A_1426 = vector.broadcast %add3A_1425 : i32 to vector<16xi32>
      %add3A_1427 = arith.addi %mul3A_1308, %add3A_1426 : vector<16xi32>
      %gather3A_1428 = tpu.vector_load_idx %arg12[%add3A_1290, %add3A_1427] : memref<128x128xf32, #tpu.memory_space<vmem>>[vector<16xi32>, vector<16xi32>], vector<16xf32>,
      %mul3A_1429 = arith.mulf %gather3A_1424, %gather3A_1428 : vector<16xf32>
      %add3A_1430 = arith.addf %add3A_1420, %mul3A_1429 : vector<16xf32>
      %add3A_1431 = arith.constant 12 : i32
      %add3A_1432 = vector.broadcast %add3A_1431 : i32 to vector<16xi32>
      %add3A_1433 = arith.addi %mul3A_1299, %add3A_1432 : vector<16xi32>
      %gather3A_1434 = tpu.vector_load_idx %arg11[%add3A_1290, %add3A_1433] : memref<128x128xf32, #tpu.memory_space<vmem>>[vector<16xi32>, vector<16xi32>], vector<16xf32>,
      %add3A_1435 = arith.constant 12 : i32
      %add3A_1436 = vector.broadcast %add3A_1435 : i32 to vector<16xi32>
      %add3A_1437 = arith.addi %mul3A_1308, %add3A_1436 : vector<16xi32>
      %gather3A_1438 = tpu.vector_load_idx %arg12[%add3A_1290, %add3A_1437] : memref<128x128xf32, #tpu.memory_space<vmem>>[vector<16xi32>, vector<16xi32>], vector<16xf32>,
      %mul3A_1439 = arith.mulf %gather3A_1434, %gather3A_1438 : vector<16xf32>
      %add3A_1440 = arith.addf %add3A_1430, %mul3A_1439 : vector<16xf32>
      %add3A_1441 = arith.constant 13 : i32
      %add3A_1442 = vector.broadcast %add3A_1441 : i32 to vector<16xi32>
      %add3A_1443 = arith.addi %mul3A_1299, %add3A_1442 : vector<16xi32>
      %gather3A_1444 = tpu.vector_load_idx %arg11[%add3A_1290, %add3A_1443] : memref<128x128xf32, #tpu.memory_space<vmem>>[vector<16xi32>, vector<16xi32>], vector<16xf32>,
      %add3A_1445 = arith.constant 13 : i32
      %add3A_1446 = vector.broadcast %add3A_1445 : i32 to vector<16xi32>
      %add3A_1447 = arith.addi %mul3A_1308, %add3A_1446 : vector<16xi32>
      %gather3A_1448 = tpu.vector_load_idx %arg12[%add3A_1290, %add3A_1447] : memref<128x128xf32, #tpu.memory_space<vmem>>[vector<16xi32>, vector<16xi32>], vector<16xf32>,
      %mul3A_1449 = arith.mulf %gather3A_1444, %gather3A_1448 : vector<16xf32>
      %add3A_1450 = arith.addf %add3A_1440, %mul3A_1449 : vector<16xf32>
      %add3A_1451 = arith.constant 14 : i32
      %add3A_1452 = vector.broadcast %add3A_1451 : i32 to vector<16xi32>
      %add3A_1453 = arith.addi %mul3A_1299, %add3A_1452 : vector<16xi32>
      %gather3A_1454 = tpu.vector_load_idx %arg11[%add3A_1290, %add3A_1453] : memref<128x128xf32, #tpu.memory_space<vmem>>[vector<16xi32>, vector<16xi32>], vector<16xf32>,
      %add3A_1455 = arith.constant 14 : i32
      %add3A_1456 = vector.broadcast %add3A_1455 : i32 to vector<16xi32>
      %add3A_1457 = arith.addi %mul3A_1308, %add3A_1456 : vector<16xi32>
      %gather3A_1458 = tpu.vector_load_idx %arg12[%add3A_1290, %add3A_1457] : memref<128x128xf32, #tpu.memory_space<vmem>>[vector<16xi32>, vector<16xi32>], vector<16xf32>,
      %mul3A_1459 = arith.mulf %gather3A_1454, %gather3A_1458 : vector<16xf32>
      %add3A_1460 = arith.addf %add3A_1450, %mul3A_1459 : vector<16xf32>
      %add3A_1461 = arith.constant 15 : i32
      %add3A_1462 = vector.broadcast %add3A_1461 : i32 to vector<16xi32>
      %add3A_1463 = arith.addi %mul3A_1299, %add3A_1462 : vector<16xi32>
      %gather3A_1464 = tpu.vector_load_idx %arg11[%add3A_1290, %add3A_1463] : memref<128x128xf32, #tpu.memory_space<vmem>>[vector<16xi32>, vector<16xi32>], vector<16xf32>,
      %add3A_1465 = arith.constant 15 : i32
      %add3A_1466 = vector.broadcast %add3A_1465 : i32 to vector<16xi32>
      %add3A_1467 = arith.addi %mul3A_1308, %add3A_1466 : vector<16xi32>
      %gather3A_1468 = tpu.vector_load_idx %arg12[%add3A_1290, %add3A_1467] : memref<128x128xf32, #tpu.memory_space<vmem>>[vector<16xi32>, vector<16xi32>], vector<16xf32>,
      %mul3A_1469 = arith.mulf %gather3A_1464, %gather3A_1468 : vector<16xf32>
      %add3A_1470 = arith.addf %add3A_1460, %mul3A_1469 : vector<16xf32>
      %swap3A_1471 = arith.index_cast %add3A_11 : i32 to index
      %swap3A_1472 = arith.constant 96 : index
      %swap3A_1473 = tpu.vector_load %arg13[%swap3A_1471, %swap3A_1472] {strides = array<i32>} : memref<24x128xf32, #tpu.memory_space<vmem>>, vector<16xf32>,
      tpu.vector_store %arg13[%swap3A_1471, %swap3A_1472], %add3A_1470 {strides = array<i32>} : memref<24x128xf32, #tpu.memory_space<vmem>>, vector<16xf32>,
      %add3A_1474 = arith.constant 112 : i32
      %add3A_1475 = vector.broadcast %add3A_1474 : i32 to vector<16xi32>
      %add3A_1476 = arith.addi %add3A_1475, %iota3A : vector<16xi32>
      %get3A_1477 = arith.index_cast %add3A_11 : i32 to index
      %get3A_1478 = arith.constant 112 : index
      %get3A_1479 = tpu.vector_load %arg7[%get3A_1477, %get3A_1478] {strides = array<i32>} : memref<24x128xi32, #tpu.memory_space<vmem>>, vector<16xi32>,
      %and3A_1480 = arith.constant 7 : i32
      %and3A_1481 = vector.broadcast %and3A_1480 : i32 to vector<16xi32>
      %and3A_1482 = arith.andi %get3A_1479, %and3A_1481 : vector<16xi32>
      %mul3A_1483 = arith.constant 16 : i32
      %mul3A_1484 = vector.broadcast %mul3A_1483 : i32 to vector<16xi32>
      %mul3A_1485 = arith.muli %and3A_1482, %mul3A_1484 : vector<16xi32>
      %get3A_1486 = arith.index_cast %add3A_11 : i32 to index
      %get3A_1487 = arith.constant 112 : index
      %get3A_1488 = tpu.vector_load %arg8[%get3A_1486, %get3A_1487] {strides = array<i32>} : memref<24x128xi32, #tpu.memory_space<vmem>>, vector<16xi32>,
      %and3A_1489 = arith.constant 7 : i32
      %and3A_1490 = vector.broadcast %and3A_1489 : i32 to vector<16xi32>
      %and3A_1491 = arith.andi %get3A_1488, %and3A_1490 : vector<16xi32>
      %mul3A_1492 = arith.constant 16 : i32
      %mul3A_1493 = vector.broadcast %mul3A_1492 : i32 to vector<16xi32>
      %mul3A_1494 = arith.muli %and3A_1491, %mul3A_1493 : vector<16xi32>
      %broadcast_in_dim3A_1495 = arith.constant 0.000000e+00 : f32
      %broadcast_in_dim3A_1496 = vector.broadcast %broadcast_in_dim3A_1495 : f32 to vector<16xf32>
      %add3A_1497 = arith.constant 0 : i32
      %add3A_1498 = vector.broadcast %add3A_1497 : i32 to vector<16xi32>
      %add3A_1499 = arith.addi %mul3A_1485, %add3A_1498 : vector<16xi32>
      %gather3A_1500 = tpu.vector_load_idx %arg11[%add3A_1476, %add3A_1499] : memref<128x128xf32, #tpu.memory_space<vmem>>[vector<16xi32>, vector<16xi32>], vector<16xf32>,
      %add3A_1501 = arith.constant 0 : i32
      %add3A_1502 = vector.broadcast %add3A_1501 : i32 to vector<16xi32>
      %add3A_1503 = arith.addi %mul3A_1494, %add3A_1502 : vector<16xi32>
      %gather3A_1504 = tpu.vector_load_idx %arg12[%add3A_1476, %add3A_1503] : memref<128x128xf32, #tpu.memory_space<vmem>>[vector<16xi32>, vector<16xi32>], vector<16xf32>,
      %mul3A_1505 = arith.mulf %gather3A_1500, %gather3A_1504 : vector<16xf32>
      %add3A_1506 = arith.addf %broadcast_in_dim3A_1496, %mul3A_1505 : vector<16xf32>
      %add3A_1507 = arith.constant 1 : i32
      %add3A_1508 = vector.broadcast %add3A_1507 : i32 to vector<16xi32>
      %add3A_1509 = arith.addi %mul3A_1485, %add3A_1508 : vector<16xi32>
      %gather3A_1510 = tpu.vector_load_idx %arg11[%add3A_1476, %add3A_1509] : memref<128x128xf32, #tpu.memory_space<vmem>>[vector<16xi32>, vector<16xi32>], vector<16xf32>,
      %add3A_1511 = arith.constant 1 : i32
      %add3A_1512 = vector.broadcast %add3A_1511 : i32 to vector<16xi32>
      %add3A_1513 = arith.addi %mul3A_1494, %add3A_1512 : vector<16xi32>
      %gather3A_1514 = tpu.vector_load_idx %arg12[%add3A_1476, %add3A_1513] : memref<128x128xf32, #tpu.memory_space<vmem>>[vector<16xi32>, vector<16xi32>], vector<16xf32>,
      %mul3A_1515 = arith.mulf %gather3A_1510, %gather3A_1514 : vector<16xf32>
      %add3A_1516 = arith.addf %add3A_1506, %mul3A_1515 : vector<16xf32>
      %add3A_1517 = arith.constant 2 : i32
      %add3A_1518 = vector.broadcast %add3A_1517 : i32 to vector<16xi32>
      %add3A_1519 = arith.addi %mul3A_1485, %add3A_1518 : vector<16xi32>
      %gather3A_1520 = tpu.vector_load_idx %arg11[%add3A_1476, %add3A_1519] : memref<128x128xf32, #tpu.memory_space<vmem>>[vector<16xi32>, vector<16xi32>], vector<16xf32>,
      %add3A_1521 = arith.constant 2 : i32
      %add3A_1522 = vector.broadcast %add3A_1521 : i32 to vector<16xi32>
      %add3A_1523 = arith.addi %mul3A_1494, %add3A_1522 : vector<16xi32>
      %gather3A_1524 = tpu.vector_load_idx %arg12[%add3A_1476, %add3A_1523] : memref<128x128xf32, #tpu.memory_space<vmem>>[vector<16xi32>, vector<16xi32>], vector<16xf32>,
      %mul3A_1525 = arith.mulf %gather3A_1520, %gather3A_1524 : vector<16xf32>
      %add3A_1526 = arith.addf %add3A_1516, %mul3A_1525 : vector<16xf32>
      %add3A_1527 = arith.constant 3 : i32
      %add3A_1528 = vector.broadcast %add3A_1527 : i32 to vector<16xi32>
      %add3A_1529 = arith.addi %mul3A_1485, %add3A_1528 : vector<16xi32>
      %gather3A_1530 = tpu.vector_load_idx %arg11[%add3A_1476, %add3A_1529] : memref<128x128xf32, #tpu.memory_space<vmem>>[vector<16xi32>, vector<16xi32>], vector<16xf32>,
      %add3A_1531 = arith.constant 3 : i32
      %add3A_1532 = vector.broadcast %add3A_1531 : i32 to vector<16xi32>
      %add3A_1533 = arith.addi %mul3A_1494, %add3A_1532 : vector<16xi32>
      %gather3A_1534 = tpu.vector_load_idx %arg12[%add3A_1476, %add3A_1533] : memref<128x128xf32, #tpu.memory_space<vmem>>[vector<16xi32>, vector<16xi32>], vector<16xf32>,
      %mul3A_1535 = arith.mulf %gather3A_1530, %gather3A_1534 : vector<16xf32>
      %add3A_1536 = arith.addf %add3A_1526, %mul3A_1535 : vector<16xf32>
      %add3A_1537 = arith.constant 4 : i32
      %add3A_1538 = vector.broadcast %add3A_1537 : i32 to vector<16xi32>
      %add3A_1539 = arith.addi %mul3A_1485, %add3A_1538 : vector<16xi32>
      %gather3A_1540 = tpu.vector_load_idx %arg11[%add3A_1476, %add3A_1539] : memref<128x128xf32, #tpu.memory_space<vmem>>[vector<16xi32>, vector<16xi32>], vector<16xf32>,
      %add3A_1541 = arith.constant 4 : i32
      %add3A_1542 = vector.broadcast %add3A_1541 : i32 to vector<16xi32>
      %add3A_1543 = arith.addi %mul3A_1494, %add3A_1542 : vector<16xi32>
      %gather3A_1544 = tpu.vector_load_idx %arg12[%add3A_1476, %add3A_1543] : memref<128x128xf32, #tpu.memory_space<vmem>>[vector<16xi32>, vector<16xi32>], vector<16xf32>,
      %mul3A_1545 = arith.mulf %gather3A_1540, %gather3A_1544 : vector<16xf32>
      %add3A_1546 = arith.addf %add3A_1536, %mul3A_1545 : vector<16xf32>
      %add3A_1547 = arith.constant 5 : i32
      %add3A_1548 = vector.broadcast %add3A_1547 : i32 to vector<16xi32>
      %add3A_1549 = arith.addi %mul3A_1485, %add3A_1548 : vector<16xi32>
      %gather3A_1550 = tpu.vector_load_idx %arg11[%add3A_1476, %add3A_1549] : memref<128x128xf32, #tpu.memory_space<vmem>>[vector<16xi32>, vector<16xi32>], vector<16xf32>,
      %add3A_1551 = arith.constant 5 : i32
      %add3A_1552 = vector.broadcast %add3A_1551 : i32 to vector<16xi32>
      %add3A_1553 = arith.addi %mul3A_1494, %add3A_1552 : vector<16xi32>
      %gather3A_1554 = tpu.vector_load_idx %arg12[%add3A_1476, %add3A_1553] : memref<128x128xf32, #tpu.memory_space<vmem>>[vector<16xi32>, vector<16xi32>], vector<16xf32>,
      %mul3A_1555 = arith.mulf %gather3A_1550, %gather3A_1554 : vector<16xf32>
      %add3A_1556 = arith.addf %add3A_1546, %mul3A_1555 : vector<16xf32>
      %add3A_1557 = arith.constant 6 : i32
      %add3A_1558 = vector.broadcast %add3A_1557 : i32 to vector<16xi32>
      %add3A_1559 = arith.addi %mul3A_1485, %add3A_1558 : vector<16xi32>
      %gather3A_1560 = tpu.vector_load_idx %arg11[%add3A_1476, %add3A_1559] : memref<128x128xf32, #tpu.memory_space<vmem>>[vector<16xi32>, vector<16xi32>], vector<16xf32>,
      %add3A_1561 = arith.constant 6 : i32
      %add3A_1562 = vector.broadcast %add3A_1561 : i32 to vector<16xi32>
      %add3A_1563 = arith.addi %mul3A_1494, %add3A_1562 : vector<16xi32>
      %gather3A_1564 = tpu.vector_load_idx %arg12[%add3A_1476, %add3A_1563] : memref<128x128xf32, #tpu.memory_space<vmem>>[vector<16xi32>, vector<16xi32>], vector<16xf32>,
      %mul3A_1565 = arith.mulf %gather3A_1560, %gather3A_1564 : vector<16xf32>
      %add3A_1566 = arith.addf %add3A_1556, %mul3A_1565 : vector<16xf32>
      %add3A_1567 = arith.constant 7 : i32
      %add3A_1568 = vector.broadcast %add3A_1567 : i32 to vector<16xi32>
      %add3A_1569 = arith.addi %mul3A_1485, %add3A_1568 : vector<16xi32>
      %gather3A_1570 = tpu.vector_load_idx %arg11[%add3A_1476, %add3A_1569] : memref<128x128xf32, #tpu.memory_space<vmem>>[vector<16xi32>, vector<16xi32>], vector<16xf32>,
      %add3A_1571 = arith.constant 7 : i32
      %add3A_1572 = vector.broadcast %add3A_1571 : i32 to vector<16xi32>
      %add3A_1573 = arith.addi %mul3A_1494, %add3A_1572 : vector<16xi32>
      %gather3A_1574 = tpu.vector_load_idx %arg12[%add3A_1476, %add3A_1573] : memref<128x128xf32, #tpu.memory_space<vmem>>[vector<16xi32>, vector<16xi32>], vector<16xf32>,
      %mul3A_1575 = arith.mulf %gather3A_1570, %gather3A_1574 : vector<16xf32>
      %add3A_1576 = arith.addf %add3A_1566, %mul3A_1575 : vector<16xf32>
      %add3A_1577 = arith.constant 8 : i32
      %add3A_1578 = vector.broadcast %add3A_1577 : i32 to vector<16xi32>
      %add3A_1579 = arith.addi %mul3A_1485, %add3A_1578 : vector<16xi32>
      %gather3A_1580 = tpu.vector_load_idx %arg11[%add3A_1476, %add3A_1579] : memref<128x128xf32, #tpu.memory_space<vmem>>[vector<16xi32>, vector<16xi32>], vector<16xf32>,
      %add3A_1581 = arith.constant 8 : i32
      %add3A_1582 = vector.broadcast %add3A_1581 : i32 to vector<16xi32>
      %add3A_1583 = arith.addi %mul3A_1494, %add3A_1582 : vector<16xi32>
      %gather3A_1584 = tpu.vector_load_idx %arg12[%add3A_1476, %add3A_1583] : memref<128x128xf32, #tpu.memory_space<vmem>>[vector<16xi32>, vector<16xi32>], vector<16xf32>,
      %mul3A_1585 = arith.mulf %gather3A_1580, %gather3A_1584 : vector<16xf32>
      %add3A_1586 = arith.addf %add3A_1576, %mul3A_1585 : vector<16xf32>
      %add3A_1587 = arith.constant 9 : i32
      %add3A_1588 = vector.broadcast %add3A_1587 : i32 to vector<16xi32>
      %add3A_1589 = arith.addi %mul3A_1485, %add3A_1588 : vector<16xi32>
      %gather3A_1590 = tpu.vector_load_idx %arg11[%add3A_1476, %add3A_1589] : memref<128x128xf32, #tpu.memory_space<vmem>>[vector<16xi32>, vector<16xi32>], vector<16xf32>,
      %add3A_1591 = arith.constant 9 : i32
      %add3A_1592 = vector.broadcast %add3A_1591 : i32 to vector<16xi32>
      %add3A_1593 = arith.addi %mul3A_1494, %add3A_1592 : vector<16xi32>
      %gather3A_1594 = tpu.vector_load_idx %arg12[%add3A_1476, %add3A_1593] : memref<128x128xf32, #tpu.memory_space<vmem>>[vector<16xi32>, vector<16xi32>], vector<16xf32>,
      %mul3A_1595 = arith.mulf %gather3A_1590, %gather3A_1594 : vector<16xf32>
      %add3A_1596 = arith.addf %add3A_1586, %mul3A_1595 : vector<16xf32>
      %add3A_1597 = arith.constant 10 : i32
      %add3A_1598 = vector.broadcast %add3A_1597 : i32 to vector<16xi32>
      %add3A_1599 = arith.addi %mul3A_1485, %add3A_1598 : vector<16xi32>
      %gather3A_1600 = tpu.vector_load_idx %arg11[%add3A_1476, %add3A_1599] : memref<128x128xf32, #tpu.memory_space<vmem>>[vector<16xi32>, vector<16xi32>], vector<16xf32>,
      %add3A_1601 = arith.constant 10 : i32
      %add3A_1602 = vector.broadcast %add3A_1601 : i32 to vector<16xi32>
      %add3A_1603 = arith.addi %mul3A_1494, %add3A_1602 : vector<16xi32>
      %gather3A_1604 = tpu.vector_load_idx %arg12[%add3A_1476, %add3A_1603] : memref<128x128xf32, #tpu.memory_space<vmem>>[vector<16xi32>, vector<16xi32>], vector<16xf32>,
      %mul3A_1605 = arith.mulf %gather3A_1600, %gather3A_1604 : vector<16xf32>
      %add3A_1606 = arith.addf %add3A_1596, %mul3A_1605 : vector<16xf32>
      %add3A_1607 = arith.constant 11 : i32
      %add3A_1608 = vector.broadcast %add3A_1607 : i32 to vector<16xi32>
      %add3A_1609 = arith.addi %mul3A_1485, %add3A_1608 : vector<16xi32>
      %gather3A_1610 = tpu.vector_load_idx %arg11[%add3A_1476, %add3A_1609] : memref<128x128xf32, #tpu.memory_space<vmem>>[vector<16xi32>, vector<16xi32>], vector<16xf32>,
      %add3A_1611 = arith.constant 11 : i32
      %add3A_1612 = vector.broadcast %add3A_1611 : i32 to vector<16xi32>
      %add3A_1613 = arith.addi %mul3A_1494, %add3A_1612 : vector<16xi32>
      %gather3A_1614 = tpu.vector_load_idx %arg12[%add3A_1476, %add3A_1613] : memref<128x128xf32, #tpu.memory_space<vmem>>[vector<16xi32>, vector<16xi32>], vector<16xf32>,
      %mul3A_1615 = arith.mulf %gather3A_1610, %gather3A_1614 : vector<16xf32>
      %add3A_1616 = arith.addf %add3A_1606, %mul3A_1615 : vector<16xf32>
      %add3A_1617 = arith.constant 12 : i32
      %add3A_1618 = vector.broadcast %add3A_1617 : i32 to vector<16xi32>
      %add3A_1619 = arith.addi %mul3A_1485, %add3A_1618 : vector<16xi32>
      %gather3A_1620 = tpu.vector_load_idx %arg11[%add3A_1476, %add3A_1619] : memref<128x128xf32, #tpu.memory_space<vmem>>[vector<16xi32>, vector<16xi32>], vector<16xf32>,
      %add3A_1621 = arith.constant 12 : i32
      %add3A_1622 = vector.broadcast %add3A_1621 : i32 to vector<16xi32>
      %add3A_1623 = arith.addi %mul3A_1494, %add3A_1622 : vector<16xi32>
      %gather3A_1624 = tpu.vector_load_idx %arg12[%add3A_1476, %add3A_1623] : memref<128x128xf32, #tpu.memory_space<vmem>>[vector<16xi32>, vector<16xi32>], vector<16xf32>,
      %mul3A_1625 = arith.mulf %gather3A_1620, %gather3A_1624 : vector<16xf32>
      %add3A_1626 = arith.addf %add3A_1616, %mul3A_1625 : vector<16xf32>
      %add3A_1627 = arith.constant 13 : i32
      %add3A_1628 = vector.broadcast %add3A_1627 : i32 to vector<16xi32>
      %add3A_1629 = arith.addi %mul3A_1485, %add3A_1628 : vector<16xi32>
      %gather3A_1630 = tpu.vector_load_idx %arg11[%add3A_1476, %add3A_1629] : memref<128x128xf32, #tpu.memory_space<vmem>>[vector<16xi32>, vector<16xi32>], vector<16xf32>,
      %add3A_1631 = arith.constant 13 : i32
      %add3A_1632 = vector.broadcast %add3A_1631 : i32 to vector<16xi32>
      %add3A_1633 = arith.addi %mul3A_1494, %add3A_1632 : vector<16xi32>
      %gather3A_1634 = tpu.vector_load_idx %arg12[%add3A_1476, %add3A_1633] : memref<128x128xf32, #tpu.memory_space<vmem>>[vector<16xi32>, vector<16xi32>], vector<16xf32>,
      %mul3A_1635 = arith.mulf %gather3A_1630, %gather3A_1634 : vector<16xf32>
      %add3A_1636 = arith.addf %add3A_1626, %mul3A_1635 : vector<16xf32>
      %add3A_1637 = arith.constant 14 : i32
      %add3A_1638 = vector.broadcast %add3A_1637 : i32 to vector<16xi32>
      %add3A_1639 = arith.addi %mul3A_1485, %add3A_1638 : vector<16xi32>
      %gather3A_1640 = tpu.vector_load_idx %arg11[%add3A_1476, %add3A_1639] : memref<128x128xf32, #tpu.memory_space<vmem>>[vector<16xi32>, vector<16xi32>], vector<16xf32>,
      %add3A_1641 = arith.constant 14 : i32
      %add3A_1642 = vector.broadcast %add3A_1641 : i32 to vector<16xi32>
      %add3A_1643 = arith.addi %mul3A_1494, %add3A_1642 : vector<16xi32>
      %gather3A_1644 = tpu.vector_load_idx %arg12[%add3A_1476, %add3A_1643] : memref<128x128xf32, #tpu.memory_space<vmem>>[vector<16xi32>, vector<16xi32>], vector<16xf32>,
      %mul3A_1645 = arith.mulf %gather3A_1640, %gather3A_1644 : vector<16xf32>
      %add3A_1646 = arith.addf %add3A_1636, %mul3A_1645 : vector<16xf32>
      %add3A_1647 = arith.constant 15 : i32
      %add3A_1648 = vector.broadcast %add3A_1647 : i32 to vector<16xi32>
      %add3A_1649 = arith.addi %mul3A_1485, %add3A_1648 : vector<16xi32>
      %gather3A_1650 = tpu.vector_load_idx %arg11[%add3A_1476, %add3A_1649] : memref<128x128xf32, #tpu.memory_space<vmem>>[vector<16xi32>, vector<16xi32>], vector<16xf32>,
      %add3A_1651 = arith.constant 15 : i32
      %add3A_1652 = vector.broadcast %add3A_1651 : i32 to vector<16xi32>
      %add3A_1653 = arith.addi %mul3A_1494, %add3A_1652 : vector<16xi32>
      %gather3A_1654 = tpu.vector_load_idx %arg12[%add3A_1476, %add3A_1653] : memref<128x128xf32, #tpu.memory_space<vmem>>[vector<16xi32>, vector<16xi32>], vector<16xf32>,
      %mul3A_1655 = arith.mulf %gather3A_1650, %gather3A_1654 : vector<16xf32>
      %add3A_1656 = arith.addf %add3A_1646, %mul3A_1655 : vector<16xf32>
      %swap3A_1657 = arith.index_cast %add3A_11 : i32 to index
      %swap3A_1658 = arith.constant 112 : index
      %swap3A_1659 = tpu.vector_load %arg13[%swap3A_1657, %swap3A_1658] {strides = array<i32>} : memref<24x128xf32, #tpu.memory_space<vmem>>, vector<16xf32>,
      tpu.vector_store %arg13[%swap3A_1657, %swap3A_1658], %add3A_1656 {strides = array<i32>} : memref<24x128xf32, #tpu.memory_space<vmem>>, vector<16xf32>,
    }
    %scan3A_6 = arith.constant 24 : i32
    "tpu.region"() ({
      %run_scoped3A = tpu.sem_alloc : memref<!tpu.dma_semaphore, #tpu.memory_space<semaphore_mem>>
      %dma_start3A = arith.constant 0 : i32
      %dma_start3A_7 = tpu.memref_slice %arg6[%mul3A_2, %dma_start3A] : memref<768x128xf32, #tpu.memory_space<hbm>> -> memref<24x128xf32, #tpu.memory_space<hbm>>
      %dma_start3A_8 = arith.constant 0 : i32
      %dma_start3A_9 = tpu.memref_slice %arg6[%mul3A_2, %dma_start3A_8] : memref<768x128xf32, #tpu.memory_space<hbm>> -> memref<24x128xf32, #tpu.memory_space<hbm>>
      tpu.enqueue_dma source(%arg13 : memref<24x128xf32, #tpu.memory_space<vmem>>) target(%dma_start3A_9 : memref<24x128xf32, #tpu.memory_space<hbm>>) target_semaphore(%run_scoped3A : memref<!tpu.dma_semaphore, #tpu.memory_space<semaphore_mem>>)
      %dma_wait3A = arith.constant 0 : i32
      %dma_wait3A_10 = tpu.memref_slice %arg6[%mul3A_2, %dma_wait3A] : memref<768x128xf32, #tpu.memory_space<hbm>> -> memref<24x128xf32, #tpu.memory_space<hbm>>
      %dma_wait3A_11 = arith.constant 0 : i32
      %dma_wait3A_12 = tpu.memref_slice %arg6[%mul3A_2, %dma_wait3A_11] : memref<768x128xf32, #tpu.memory_space<hbm>> -> memref<24x128xf32, #tpu.memory_space<hbm>>
      tpu.wait_dma2 semaphore(%run_scoped3A : memref<!tpu.dma_semaphore, #tpu.memory_space<semaphore_mem>>) src(%arg13 : memref<24x128xf32, #tpu.memory_space<vmem>>) dst(%dma_wait3A_12 : memref<24x128xf32, #tpu.memory_space<hbm>>)
      tpu.yield
    }) : () -> ()
    return
  }
}

module attributes {stable_mosaic.version = 14 : i64} {
  func.func @_tc_loss_body(%arg0: memref<768x128xf32, #tpu.memory_space<vmem>>, %arg1: memref<768x128xf32, #tpu.memory_space<vmem>>, %arg2: memref<1x1xf32, #tpu.memory_space<vmem>>) attributes {dimension_semantics = [], scalar_prefetch = 0 : i64, scratch_operands = 0 : i64, tpu.core_type = #tpu.core_type<tc>} {
    %get3A = arith.constant 0 : index
    %get3A_0 = arith.constant 0 : index
    %get3A_1 = vector.load %arg1[%get3A, %get3A_0] : memref<768x128xf32, #tpu.memory_space<vmem>>, vector<768x128xf32>
    %get3A_2 = arith.constant 0 : index
    %get3A_3 = arith.constant 0 : index
    %get3A_4 = vector.load %arg0[%get3A_2, %get3A_3] : memref<768x128xf32, #tpu.memory_space<vmem>>, vector<768x128xf32>
    %mul3A = arith.mulf %get3A_1, %get3A_4 : vector<768x128xf32>
    %neg3A = arith.constant 0.000000e+00 : f32
    %neg3A_5 = vector.broadcast %neg3A : f32 to vector<768x128xf32>
    %neg3A_6 = arith.subf %neg3A_5, %mul3A : vector<768x128xf32>
    %custom_jvp_call3A = arith.constant 0.000000e+00 : f32
    %max3A = vector.broadcast %custom_jvp_call3A : f32 to vector<768x128xf32>
    %max3A_7 = arith.maximumf %neg3A_6, %max3A : vector<768x128xf32>
    %sub3A = vector.broadcast %custom_jvp_call3A : f32 to vector<768x128xf32>
    %sub3A_8 = arith.subf %neg3A_6, %sub3A : vector<768x128xf32>
    %ne3A = arith.cmpf one, %sub3A_8, %sub3A_8 : vector<768x128xf32>
    %add3A = vector.broadcast %custom_jvp_call3A : f32 to vector<768x128xf32>
    %add3A_9 = arith.addf %neg3A_6, %add3A : vector<768x128xf32>
    %abs3A = math.absf %sub3A_8 : vector<768x128xf32>
    %neg3A_10 = arith.constant 0.000000e+00 : f32
    %neg3A_11 = vector.broadcast %neg3A_10 : f32 to vector<768x128xf32>
    %neg3A_12 = arith.subf %neg3A_11, %abs3A : vector<768x128xf32>
    %exp3A = math.exp %neg3A_12 : vector<768x128xf32>
    %log1p3A = math.log1p %exp3A : vector<768x128xf32>
    %add3A_13 = arith.addf %max3A_7, %log1p3A : vector<768x128xf32>
    %select_n3A = arith.select %ne3A, %add3A_9, %add3A_13 : vector<768x128xi1>, vector<768x128xf32>
    %neg3A_14 = arith.constant 0.000000e+00 : f32
    %neg3A_15 = vector.broadcast %neg3A_14 : f32 to vector<768x128xf32>
    %neg3A_16 = arith.subf %neg3A_15, %select_n3A : vector<768x128xf32>
    %reduce_sum3A = vector.shape_cast %neg3A_16 : vector<768x128xf32> to vector<1x768x128xf32>
    %reduce_sum3A_17 = arith.constant dense<0.000000e+00> : vector<1xf32>
    %reduce_sum3A_18 = vector.multi_reduction <add>, %reduce_sum3A, %reduce_sum3A_17 [1, 2] : vector<1x768x128xf32> to vector<1xf32>
    %reduce_sum3A_19 = vector.shape_cast %reduce_sum3A_18 : vector<1xf32> to vector<1x1x1xf32>
    %reduce_sum3A_20 = vector.extract %reduce_sum3A_19[0, 0, 0] : f32 from vector<1x1x1xf32>
    %reshape3A = vector.broadcast %reduce_sum3A_20 : f32 to vector<1x1xf32>
    %swap3A = arith.constant 0 : index
    %swap3A_21 = arith.constant 0 : index
    %swap3A_22 = vector.load %arg2[%swap3A, %swap3A_21] : memref<1x1xf32, #tpu.memory_space<vmem>>, vector<1x1xf32>
    tpu.vector_store %arg2[%swap3A, %swap3A_21], %reshape3A {strides = array<i32>} : memref<1x1xf32, #tpu.memory_space<vmem>>, vector<1x1xf32>,
    return
  }
}

module attributes {stable_mosaic.version = 14 : i64} {
  func.func @_relayout_body(%arg0: i32, %arg1: memref<16x2048xf32, #tpu.memory_space<vmem>>, %arg2: memref<16x2048xf32, #tpu.memory_space<vmem>>, %arg3: memref<256x128xf32, #tpu.memory_space<vmem>>, %arg4: memref<256x128xf32, #tpu.memory_space<vmem>>) attributes {dimension_semantics = [#tpu.dimension_semantics<arbitrary>], iteration_bounds = array<i64: 489>, scalar_prefetch = 0 : i64, scratch_operands = 0 : i64, tpu.core_type = #tpu.core_type<tc>, window_params = [{transform_indices = @transform_0, window_bounds = array<i64: 16, 2048>}, {transform_indices = @transform_1, window_bounds = array<i64: 16, 2048>}, {transform_indices = @transform_2, window_bounds = array<i64: 256, 128>}, {transform_indices = @transform_3, window_bounds = array<i64: 256, 128>}]} {
    %iota3A = tpu.iota {dimensions = array<i32: 1>} : vector<1x128xi32>
    %iota3A_0 = vector.shape_cast %iota3A : vector<1x128xi32> to vector<128xi32>
    %broadcast_in_dim3A = vector.shape_cast %iota3A_0 : vector<128xi32> to vector<1x128xi32>
    %iota3A_1 = tpu.iota {dimensions = array<i32: 1>} : vector<1x16xi32>
    %iota3A_2 = vector.shape_cast %iota3A_1 : vector<1x16xi32> to vector<16xi32>
    %broadcast_in_dim3A_3 = vector.shape_cast %iota3A_2 : vector<16xi32> to vector<16x1xi32>
    %add3A = arith.constant 0 : i32
    %add3A_4 = vector.broadcast %add3A : i32 to vector<16x1xi32>
    %add3A_5 = arith.addi %add3A_4, %broadcast_in_dim3A_3 : vector<16x1xi32>
    %eq3A = vector.broadcast %broadcast_in_dim3A : vector<1x128xi32> to vector<16x128xi32>
    %eq3A_6 = vector.broadcast %add3A_5 : vector<16x1xi32> to vector<16x128xi32>
    %eq3A_7 = arith.cmpi eq, %eq3A, %eq3A_6 : vector<16x128xi32>
    %jit3A = arith.constant 1.000000e+00 : f32
    %jit3A_8 = arith.constant 0.000000e+00 : f32
    %broadcast_in_dim3A_9 = vector.broadcast %jit3A : f32 to vector<16x128xf32>
    %broadcast_in_dim3A_10 = vector.broadcast %jit3A_8 : f32 to vector<16x128xf32>
    %select_n3A = arith.select %eq3A_7, %broadcast_in_dim3A_9, %broadcast_in_dim3A_10 : vector<16x128xi1>, vector<16x128xf32>
    %broadcast_in_dim3A_11 = vector.shape_cast %iota3A_0 : vector<128xi32> to vector<1x128xi32>
    %iota3A_12 = tpu.iota {dimensions = array<i32: 1>} : vector<1x16xi32>
    %iota3A_13 = vector.shape_cast %iota3A_12 : vector<1x16xi32> to vector<16xi32>
    %broadcast_in_dim3A_14 = vector.shape_cast %iota3A_13 : vector<16xi32> to vector<16x1xi32>
    %add3A_15 = arith.constant 16 : i32
    %add3A_16 = vector.broadcast %add3A_15 : i32 to vector<16x1xi32>
    %add3A_17 = arith.addi %add3A_16, %broadcast_in_dim3A_14 : vector<16x1xi32>
    %eq3A_18 = vector.broadcast %broadcast_in_dim3A_11 : vector<1x128xi32> to vector<16x128xi32>
    %eq3A_19 = vector.broadcast %add3A_17 : vector<16x1xi32> to vector<16x128xi32>
    %eq3A_20 = arith.cmpi eq, %eq3A_18, %eq3A_19 : vector<16x128xi32>
    %jit3A_21 = arith.constant 1.000000e+00 : f32
    %jit3A_22 = arith.constant 0.000000e+00 : f32
    %broadcast_in_dim3A_23 = vector.broadcast %jit3A_21 : f32 to vector<16x128xf32>
    %broadcast_in_dim3A_24 = vector.broadcast %jit3A_22 : f32 to vector<16x128xf32>
    %select_n3A_25 = arith.select %eq3A_20, %broadcast_in_dim3A_23, %broadcast_in_dim3A_24 : vector<16x128xi1>, vector<16x128xf32>
    %broadcast_in_dim3A_26 = vector.shape_cast %iota3A_0 : vector<128xi32> to vector<1x128xi32>
    %iota3A_27 = tpu.iota {dimensions = array<i32: 1>} : vector<1x16xi32>
    %iota3A_28 = vector.shape_cast %iota3A_27 : vector<1x16xi32> to vector<16xi32>
    %broadcast_in_dim3A_29 = vector.shape_cast %iota3A_28 : vector<16xi32> to vector<16x1xi32>
    %add3A_30 = arith.constant 32 : i32
    %add3A_31 = vector.broadcast %add3A_30 : i32 to vector<16x1xi32>
    %add3A_32 = arith.addi %add3A_31, %broadcast_in_dim3A_29 : vector<16x1xi32>
    %eq3A_33 = vector.broadcast %broadcast_in_dim3A_26 : vector<1x128xi32> to vector<16x128xi32>
    %eq3A_34 = vector.broadcast %add3A_32 : vector<16x1xi32> to vector<16x128xi32>
    %eq3A_35 = arith.cmpi eq, %eq3A_33, %eq3A_34 : vector<16x128xi32>
    %jit3A_36 = arith.constant 1.000000e+00 : f32
    %jit3A_37 = arith.constant 0.000000e+00 : f32
    %broadcast_in_dim3A_38 = vector.broadcast %jit3A_36 : f32 to vector<16x128xf32>
    %broadcast_in_dim3A_39 = vector.broadcast %jit3A_37 : f32 to vector<16x128xf32>
    %select_n3A_40 = arith.select %eq3A_35, %broadcast_in_dim3A_38, %broadcast_in_dim3A_39 : vector<16x128xi1>, vector<16x128xf32>
    %broadcast_in_dim3A_41 = vector.shape_cast %iota3A_0 : vector<128xi32> to vector<1x128xi32>
    %iota3A_42 = tpu.iota {dimensions = array<i32: 1>} : vector<1x16xi32>
    %iota3A_43 = vector.shape_cast %iota3A_42 : vector<1x16xi32> to vector<16xi32>
    %broadcast_in_dim3A_44 = vector.shape_cast %iota3A_43 : vector<16xi32> to vector<16x1xi32>
    %add3A_45 = arith.constant 48 : i32
    %add3A_46 = vector.broadcast %add3A_45 : i32 to vector<16x1xi32>
    %add3A_47 = arith.addi %add3A_46, %broadcast_in_dim3A_44 : vector<16x1xi32>
    %eq3A_48 = vector.broadcast %broadcast_in_dim3A_41 : vector<1x128xi32> to vector<16x128xi32>
    %eq3A_49 = vector.broadcast %add3A_47 : vector<16x1xi32> to vector<16x128xi32>
    %eq3A_50 = arith.cmpi eq, %eq3A_48, %eq3A_49 : vector<16x128xi32>
    %jit3A_51 = arith.constant 1.000000e+00 : f32
    %jit3A_52 = arith.constant 0.000000e+00 : f32
    %broadcast_in_dim3A_53 = vector.broadcast %jit3A_51 : f32 to vector<16x128xf32>
    %broadcast_in_dim3A_54 = vector.broadcast %jit3A_52 : f32 to vector<16x128xf32>
    %select_n3A_55 = arith.select %eq3A_50, %broadcast_in_dim3A_53, %broadcast_in_dim3A_54 : vector<16x128xi1>, vector<16x128xf32>
    %broadcast_in_dim3A_56 = vector.shape_cast %iota3A_0 : vector<128xi32> to vector<1x128xi32>
    %iota3A_57 = tpu.iota {dimensions = array<i32: 1>} : vector<1x16xi32>
    %iota3A_58 = vector.shape_cast %iota3A_57 : vector<1x16xi32> to vector<16xi32>
    %broadcast_in_dim3A_59 = vector.shape_cast %iota3A_58 : vector<16xi32> to vector<16x1xi32>
    %add3A_60 = arith.constant 64 : i32
    %add3A_61 = vector.broadcast %add3A_60 : i32 to vector<16x1xi32>
    %add3A_62 = arith.addi %add3A_61, %broadcast_in_dim3A_59 : vector<16x1xi32>
    %eq3A_63 = vector.broadcast %broadcast_in_dim3A_56 : vector<1x128xi32> to vector<16x128xi32>
    %eq3A_64 = vector.broadcast %add3A_62 : vector<16x1xi32> to vector<16x128xi32>
    %eq3A_65 = arith.cmpi eq, %eq3A_63, %eq3A_64 : vector<16x128xi32>
    %jit3A_66 = arith.constant 1.000000e+00 : f32
    %jit3A_67 = arith.constant 0.000000e+00 : f32
    %broadcast_in_dim3A_68 = vector.broadcast %jit3A_66 : f32 to vector<16x128xf32>
    %broadcast_in_dim3A_69 = vector.broadcast %jit3A_67 : f32 to vector<16x128xf32>
    %select_n3A_70 = arith.select %eq3A_65, %broadcast_in_dim3A_68, %broadcast_in_dim3A_69 : vector<16x128xi1>, vector<16x128xf32>
    %broadcast_in_dim3A_71 = vector.shape_cast %iota3A_0 : vector<128xi32> to vector<1x128xi32>
    %iota3A_72 = tpu.iota {dimensions = array<i32: 1>} : vector<1x16xi32>
    %iota3A_73 = vector.shape_cast %iota3A_72 : vector<1x16xi32> to vector<16xi32>
    %broadcast_in_dim3A_74 = vector.shape_cast %iota3A_73 : vector<16xi32> to vector<16x1xi32>
    %add3A_75 = arith.constant 80 : i32
    %add3A_76 = vector.broadcast %add3A_75 : i32 to vector<16x1xi32>
    %add3A_77 = arith.addi %add3A_76, %broadcast_in_dim3A_74 : vector<16x1xi32>
    %eq3A_78 = vector.broadcast %broadcast_in_dim3A_71 : vector<1x128xi32> to vector<16x128xi32>
    %eq3A_79 = vector.broadcast %add3A_77 : vector<16x1xi32> to vector<16x128xi32>
    %eq3A_80 = arith.cmpi eq, %eq3A_78, %eq3A_79 : vector<16x128xi32>
    %jit3A_81 = arith.constant 1.000000e+00 : f32
    %jit3A_82 = arith.constant 0.000000e+00 : f32
    %broadcast_in_dim3A_83 = vector.broadcast %jit3A_81 : f32 to vector<16x128xf32>
    %broadcast_in_dim3A_84 = vector.broadcast %jit3A_82 : f32 to vector<16x128xf32>
    %select_n3A_85 = arith.select %eq3A_80, %broadcast_in_dim3A_83, %broadcast_in_dim3A_84 : vector<16x128xi1>, vector<16x128xf32>
    %broadcast_in_dim3A_86 = vector.shape_cast %iota3A_0 : vector<128xi32> to vector<1x128xi32>
    %iota3A_87 = tpu.iota {dimensions = array<i32: 1>} : vector<1x16xi32>
    %iota3A_88 = vector.shape_cast %iota3A_87 : vector<1x16xi32> to vector<16xi32>
    %broadcast_in_dim3A_89 = vector.shape_cast %iota3A_88 : vector<16xi32> to vector<16x1xi32>
    %add3A_90 = arith.constant 96 : i32
    %add3A_91 = vector.broadcast %add3A_90 : i32 to vector<16x1xi32>
    %add3A_92 = arith.addi %add3A_91, %broadcast_in_dim3A_89 : vector<16x1xi32>
    %eq3A_93 = vector.broadcast %broadcast_in_dim3A_86 : vector<1x128xi32> to vector<16x128xi32>
    %eq3A_94 = vector.broadcast %add3A_92 : vector<16x1xi32> to vector<16x128xi32>
    %eq3A_95 = arith.cmpi eq, %eq3A_93, %eq3A_94 : vector<16x128xi32>
    %jit3A_96 = arith.constant 1.000000e+00 : f32
    %jit3A_97 = arith.constant 0.000000e+00 : f32
    %broadcast_in_dim3A_98 = vector.broadcast %jit3A_96 : f32 to vector<16x128xf32>
    %broadcast_in_dim3A_99 = vector.broadcast %jit3A_97 : f32 to vector<16x128xf32>
    %select_n3A_100 = arith.select %eq3A_95, %broadcast_in_dim3A_98, %broadcast_in_dim3A_99 : vector<16x128xi1>, vector<16x128xf32>
    %broadcast_in_dim3A_101 = vector.shape_cast %iota3A_0 : vector<128xi32> to vector<1x128xi32>
    %iota3A_102 = tpu.iota {dimensions = array<i32: 1>} : vector<1x16xi32>
    %iota3A_103 = vector.shape_cast %iota3A_102 : vector<1x16xi32> to vector<16xi32>
    %broadcast_in_dim3A_104 = vector.shape_cast %iota3A_103 : vector<16xi32> to vector<16x1xi32>
    %add3A_105 = arith.constant 112 : i32
    %add3A_106 = vector.broadcast %add3A_105 : i32 to vector<16x1xi32>
    %add3A_107 = arith.addi %add3A_106, %broadcast_in_dim3A_104 : vector<16x1xi32>
    %eq3A_108 = vector.broadcast %broadcast_in_dim3A_101 : vector<1x128xi32> to vector<16x128xi32>
    %eq3A_109 = vector.broadcast %add3A_107 : vector<16x1xi32> to vector<16x128xi32>
    %eq3A_110 = arith.cmpi eq, %eq3A_108, %eq3A_109 : vector<16x128xi32>
    %jit3A_111 = arith.constant 1.000000e+00 : f32
    %jit3A_112 = arith.constant 0.000000e+00 : f32
    %broadcast_in_dim3A_113 = vector.broadcast %jit3A_111 : f32 to vector<16x128xf32>
    %broadcast_in_dim3A_114 = vector.broadcast %jit3A_112 : f32 to vector<16x128xf32>
    %select_n3A_115 = arith.select %eq3A_110, %broadcast_in_dim3A_113, %broadcast_in_dim3A_114 : vector<16x128xi1>, vector<16x128xf32>
    %iota3A_116 = tpu.iota {dimensions = array<i32: 0>} : vector<16x16xi32>
    %iota3A_117 = tpu.iota {dimensions = array<i32: 1>} : vector<16x16xi32>
    %add3A_118 = arith.constant 0 : i32
    %add3A_119 = vector.broadcast %add3A_118 : i32 to vector<16x16xi32>
    %add3A_120 = arith.addi %iota3A_116, %add3A_119 : vector<16x16xi32>
    %eq3A_121 = arith.cmpi eq, %add3A_120, %iota3A_117 : vector<16x16xi32>
    %convert_element_type3A = arith.extui %eq3A_121 : vector<16x16xi1> to vector<16x16xi32>
    %convert_element_type3A_122 = arith.sitofp %convert_element_type3A : vector<16x16xi32> to vector<16x16xf32>
    %get3A = arith.constant 0 : index
    %get3A_123 = arith.constant 0 : index
    %get3A_124 = vector.load %arg1[%get3A, %get3A_123] : memref<16x2048xf32, #tpu.memory_space<vmem>>, vector<16x2048xf32>
    %dot_general3A = arith.constant dense<0.000000e+00> : vector<2048x16xf32>
    %dot_general3A_125 = tpu.matmul %get3A_124, %convert_element_type3A_122, %dot_general3A {dimension_numbers = #tpu.dot_dimension_numbers<[0], [0], [1], [1], [0, 1, 1, 1], [], []>, transpose_lhs_hint = false} : vector<16x2048xf32>, vector<16x16xf32>, vector<2048x16xf32> -> vector<2048x16xf32>
    %reshape3A = vector.shape_cast %dot_general3A_125 : vector<2048x16xf32> to vector<256x8x16xf32>
    %broadcast_in_dim3A_126 = arith.constant 0.000000e+00 : f32
    %broadcast_in_dim3A_127 = vector.broadcast %broadcast_in_dim3A_126 : f32 to vector<256x128xf32>
    %slice3A = vector.extract_strided_slice %reshape3A {offsets = [0, 0, 0], sizes = [256, 1, 16], strides = [1, 1, 1]} : vector<256x8x16xf32> to vector<256x1x16xf32>
    %squeeze3A = vector.shape_cast %slice3A : vector<256x1x16xf32> to vector<256x16xf32>
    %dot_general3A_128 = arith.constant dense<0.000000e+00> : vector<256x128xf32>
    %dot_general3A_129 = tpu.matmul %squeeze3A, %select_n3A, %dot_general3A_128 {dimension_numbers = #tpu.dot_dimension_numbers<[1], [0], [0], [1], [0, 0, 1, 1], [], []>, transpose_lhs_hint = false} : vector<256x16xf32>, vector<16x128xf32>, vector<256x128xf32> -> vector<256x128xf32>
    %add3A_130 = arith.addf %broadcast_in_dim3A_127, %dot_general3A_129 : vector<256x128xf32>
    %slice3A_131 = vector.extract_strided_slice %reshape3A {offsets = [0, 1, 0], sizes = [256, 1, 16], strides = [1, 1, 1]} : vector<256x8x16xf32> to vector<256x1x16xf32>
    %squeeze3A_132 = vector.shape_cast %slice3A_131 : vector<256x1x16xf32> to vector<256x16xf32>
    %dot_general3A_133 = arith.constant dense<0.000000e+00> : vector<256x128xf32>
    %dot_general3A_134 = tpu.matmul %squeeze3A_132, %select_n3A_25, %dot_general3A_133 {dimension_numbers = #tpu.dot_dimension_numbers<[1], [0], [0], [1], [0, 0, 1, 1], [], []>, transpose_lhs_hint = false} : vector<256x16xf32>, vector<16x128xf32>, vector<256x128xf32> -> vector<256x128xf32>
    %add3A_135 = arith.addf %add3A_130, %dot_general3A_134 : vector<256x128xf32>
    %slice3A_136 = vector.extract_strided_slice %reshape3A {offsets = [0, 2, 0], sizes = [256, 1, 16], strides = [1, 1, 1]} : vector<256x8x16xf32> to vector<256x1x16xf32>
    %squeeze3A_137 = vector.shape_cast %slice3A_136 : vector<256x1x16xf32> to vector<256x16xf32>
    %dot_general3A_138 = arith.constant dense<0.000000e+00> : vector<256x128xf32>
    %dot_general3A_139 = tpu.matmul %squeeze3A_137, %select_n3A_40, %dot_general3A_138 {dimension_numbers = #tpu.dot_dimension_numbers<[1], [0], [0], [1], [0, 0, 1, 1], [], []>, transpose_lhs_hint = false} : vector<256x16xf32>, vector<16x128xf32>, vector<256x128xf32> -> vector<256x128xf32>
    %add3A_140 = arith.addf %add3A_135, %dot_general3A_139 : vector<256x128xf32>
    %slice3A_141 = vector.extract_strided_slice %reshape3A {offsets = [0, 3, 0], sizes = [256, 1, 16], strides = [1, 1, 1]} : vector<256x8x16xf32> to vector<256x1x16xf32>
    %squeeze3A_142 = vector.shape_cast %slice3A_141 : vector<256x1x16xf32> to vector<256x16xf32>
    %dot_general3A_143 = arith.constant dense<0.000000e+00> : vector<256x128xf32>
    %dot_general3A_144 = tpu.matmul %squeeze3A_142, %select_n3A_55, %dot_general3A_143 {dimension_numbers = #tpu.dot_dimension_numbers<[1], [0], [0], [1], [0, 0, 1, 1], [], []>, transpose_lhs_hint = false} : vector<256x16xf32>, vector<16x128xf32>, vector<256x128xf32> -> vector<256x128xf32>
    %add3A_145 = arith.addf %add3A_140, %dot_general3A_144 : vector<256x128xf32>
    %slice3A_146 = vector.extract_strided_slice %reshape3A {offsets = [0, 4, 0], sizes = [256, 1, 16], strides = [1, 1, 1]} : vector<256x8x16xf32> to vector<256x1x16xf32>
    %squeeze3A_147 = vector.shape_cast %slice3A_146 : vector<256x1x16xf32> to vector<256x16xf32>
    %dot_general3A_148 = arith.constant dense<0.000000e+00> : vector<256x128xf32>
    %dot_general3A_149 = tpu.matmul %squeeze3A_147, %select_n3A_70, %dot_general3A_148 {dimension_numbers = #tpu.dot_dimension_numbers<[1], [0], [0], [1], [0, 0, 1, 1], [], []>, transpose_lhs_hint = false} : vector<256x16xf32>, vector<16x128xf32>, vector<256x128xf32> -> vector<256x128xf32>
    %add3A_150 = arith.addf %add3A_145, %dot_general3A_149 : vector<256x128xf32>
    %slice3A_151 = vector.extract_strided_slice %reshape3A {offsets = [0, 5, 0], sizes = [256, 1, 16], strides = [1, 1, 1]} : vector<256x8x16xf32> to vector<256x1x16xf32>
    %squeeze3A_152 = vector.shape_cast %slice3A_151 : vector<256x1x16xf32> to vector<256x16xf32>
    %dot_general3A_153 = arith.constant dense<0.000000e+00> : vector<256x128xf32>
    %dot_general3A_154 = tpu.matmul %squeeze3A_152, %select_n3A_85, %dot_general3A_153 {dimension_numbers = #tpu.dot_dimension_numbers<[1], [0], [0], [1], [0, 0, 1, 1], [], []>, transpose_lhs_hint = false} : vector<256x16xf32>, vector<16x128xf32>, vector<256x128xf32> -> vector<256x128xf32>
    %add3A_155 = arith.addf %add3A_150, %dot_general3A_154 : vector<256x128xf32>
    %slice3A_156 = vector.extract_strided_slice %reshape3A {offsets = [0, 6, 0], sizes = [256, 1, 16], strides = [1, 1, 1]} : vector<256x8x16xf32> to vector<256x1x16xf32>
    %squeeze3A_157 = vector.shape_cast %slice3A_156 : vector<256x1x16xf32> to vector<256x16xf32>
    %dot_general3A_158 = arith.constant dense<0.000000e+00> : vector<256x128xf32>
    %dot_general3A_159 = tpu.matmul %squeeze3A_157, %select_n3A_100, %dot_general3A_158 {dimension_numbers = #tpu.dot_dimension_numbers<[1], [0], [0], [1], [0, 0, 1, 1], [], []>, transpose_lhs_hint = false} : vector<256x16xf32>, vector<16x128xf32>, vector<256x128xf32> -> vector<256x128xf32>
    %add3A_160 = arith.addf %add3A_155, %dot_general3A_159 : vector<256x128xf32>
    %slice3A_161 = vector.extract_strided_slice %reshape3A {offsets = [0, 7, 0], sizes = [256, 1, 16], strides = [1, 1, 1]} : vector<256x8x16xf32> to vector<256x1x16xf32>
    %squeeze3A_162 = vector.shape_cast %slice3A_161 : vector<256x1x16xf32> to vector<256x16xf32>
    %dot_general3A_163 = arith.constant dense<0.000000e+00> : vector<256x128xf32>
    %dot_general3A_164 = tpu.matmul %squeeze3A_162, %select_n3A_115, %dot_general3A_163 {dimension_numbers = #tpu.dot_dimension_numbers<[1], [0], [0], [1], [0, 0, 1, 1], [], []>, transpose_lhs_hint = false} : vector<256x16xf32>, vector<16x128xf32>, vector<256x128xf32> -> vector<256x128xf32>
    %add3A_165 = arith.addf %add3A_160, %dot_general3A_164 : vector<256x128xf32>
    %swap3A = arith.constant 0 : index
    %swap3A_166 = arith.constant 0 : index
    %swap3A_167 = vector.load %arg3[%swap3A, %swap3A_166] : memref<256x128xf32, #tpu.memory_space<vmem>>, vector<256x128xf32>
    tpu.vector_store %arg3[%swap3A, %swap3A_166], %add3A_165 {strides = array<i32>} : memref<256x128xf32, #tpu.memory_space<vmem>>, vector<256x128xf32>,
    %get3A_168 = arith.constant 0 : index
    %get3A_169 = arith.constant 0 : index
    %get3A_170 = vector.load %arg2[%get3A_168, %get3A_169] : memref<16x2048xf32, #tpu.memory_space<vmem>>, vector<16x2048xf32>
    %dot_general3A_171 = arith.constant dense<0.000000e+00> : vector<2048x16xf32>
    %dot_general3A_172 = tpu.matmul %get3A_170, %convert_element_type3A_122, %dot_general3A_171 {dimension_numbers = #tpu.dot_dimension_numbers<[0], [0], [1], [1], [0, 1, 1, 1], [], []>, transpose_lhs_hint = false} : vector<16x2048xf32>, vector<16x16xf32>, vector<2048x16xf32> -> vector<2048x16xf32>
    %reshape3A_173 = vector.shape_cast %dot_general3A_172 : vector<2048x16xf32> to vector<256x8x16xf32>
    %broadcast_in_dim3A_174 = arith.constant 0.000000e+00 : f32
    %broadcast_in_dim3A_175 = vector.broadcast %broadcast_in_dim3A_174 : f32 to vector<256x128xf32>
    %slice3A_176 = vector.extract_strided_slice %reshape3A_173 {offsets = [0, 0, 0], sizes = [256, 1, 16], strides = [1, 1, 1]} : vector<256x8x16xf32> to vector<256x1x16xf32>
    %squeeze3A_177 = vector.shape_cast %slice3A_176 : vector<256x1x16xf32> to vector<256x16xf32>
    %dot_general3A_178 = arith.constant dense<0.000000e+00> : vector<256x128xf32>
    %dot_general3A_179 = tpu.matmul %squeeze3A_177, %select_n3A, %dot_general3A_178 {dimension_numbers = #tpu.dot_dimension_numbers<[1], [0], [0], [1], [0, 0, 1, 1], [], []>, transpose_lhs_hint = false} : vector<256x16xf32>, vector<16x128xf32>, vector<256x128xf32> -> vector<256x128xf32>
    %add3A_180 = arith.addf %broadcast_in_dim3A_175, %dot_general3A_179 : vector<256x128xf32>
    %slice3A_181 = vector.extract_strided_slice %reshape3A_173 {offsets = [0, 1, 0], sizes = [256, 1, 16], strides = [1, 1, 1]} : vector<256x8x16xf32> to vector<256x1x16xf32>
    %squeeze3A_182 = vector.shape_cast %slice3A_181 : vector<256x1x16xf32> to vector<256x16xf32>
    %dot_general3A_183 = arith.constant dense<0.000000e+00> : vector<256x128xf32>
    %dot_general3A_184 = tpu.matmul %squeeze3A_182, %select_n3A_25, %dot_general3A_183 {dimension_numbers = #tpu.dot_dimension_numbers<[1], [0], [0], [1], [0, 0, 1, 1], [], []>, transpose_lhs_hint = false} : vector<256x16xf32>, vector<16x128xf32>, vector<256x128xf32> -> vector<256x128xf32>
    %add3A_185 = arith.addf %add3A_180, %dot_general3A_184 : vector<256x128xf32>
    %slice3A_186 = vector.extract_strided_slice %reshape3A_173 {offsets = [0, 2, 0], sizes = [256, 1, 16], strides = [1, 1, 1]} : vector<256x8x16xf32> to vector<256x1x16xf32>
    %squeeze3A_187 = vector.shape_cast %slice3A_186 : vector<256x1x16xf32> to vector<256x16xf32>
    %dot_general3A_188 = arith.constant dense<0.000000e+00> : vector<256x128xf32>
    %dot_general3A_189 = tpu.matmul %squeeze3A_187, %select_n3A_40, %dot_general3A_188 {dimension_numbers = #tpu.dot_dimension_numbers<[1], [0], [0], [1], [0, 0, 1, 1], [], []>, transpose_lhs_hint = false} : vector<256x16xf32>, vector<16x128xf32>, vector<256x128xf32> -> vector<256x128xf32>
    %add3A_190 = arith.addf %add3A_185, %dot_general3A_189 : vector<256x128xf32>
    %slice3A_191 = vector.extract_strided_slice %reshape3A_173 {offsets = [0, 3, 0], sizes = [256, 1, 16], strides = [1, 1, 1]} : vector<256x8x16xf32> to vector<256x1x16xf32>
    %squeeze3A_192 = vector.shape_cast %slice3A_191 : vector<256x1x16xf32> to vector<256x16xf32>
    %dot_general3A_193 = arith.constant dense<0.000000e+00> : vector<256x128xf32>
    %dot_general3A_194 = tpu.matmul %squeeze3A_192, %select_n3A_55, %dot_general3A_193 {dimension_numbers = #tpu.dot_dimension_numbers<[1], [0], [0], [1], [0, 0, 1, 1], [], []>, transpose_lhs_hint = false} : vector<256x16xf32>, vector<16x128xf32>, vector<256x128xf32> -> vector<256x128xf32>
    %add3A_195 = arith.addf %add3A_190, %dot_general3A_194 : vector<256x128xf32>
    %slice3A_196 = vector.extract_strided_slice %reshape3A_173 {offsets = [0, 4, 0], sizes = [256, 1, 16], strides = [1, 1, 1]} : vector<256x8x16xf32> to vector<256x1x16xf32>
    %squeeze3A_197 = vector.shape_cast %slice3A_196 : vector<256x1x16xf32> to vector<256x16xf32>
    %dot_general3A_198 = arith.constant dense<0.000000e+00> : vector<256x128xf32>
    %dot_general3A_199 = tpu.matmul %squeeze3A_197, %select_n3A_70, %dot_general3A_198 {dimension_numbers = #tpu.dot_dimension_numbers<[1], [0], [0], [1], [0, 0, 1, 1], [], []>, transpose_lhs_hint = false} : vector<256x16xf32>, vector<16x128xf32>, vector<256x128xf32> -> vector<256x128xf32>
    %add3A_200 = arith.addf %add3A_195, %dot_general3A_199 : vector<256x128xf32>
    %slice3A_201 = vector.extract_strided_slice %reshape3A_173 {offsets = [0, 5, 0], sizes = [256, 1, 16], strides = [1, 1, 1]} : vector<256x8x16xf32> to vector<256x1x16xf32>
    %squeeze3A_202 = vector.shape_cast %slice3A_201 : vector<256x1x16xf32> to vector<256x16xf32>
    %dot_general3A_203 = arith.constant dense<0.000000e+00> : vector<256x128xf32>
    %dot_general3A_204 = tpu.matmul %squeeze3A_202, %select_n3A_85, %dot_general3A_203 {dimension_numbers = #tpu.dot_dimension_numbers<[1], [0], [0], [1], [0, 0, 1, 1], [], []>, transpose_lhs_hint = false} : vector<256x16xf32>, vector<16x128xf32>, vector<256x128xf32> -> vector<256x128xf32>
    %add3A_205 = arith.addf %add3A_200, %dot_general3A_204 : vector<256x128xf32>
    %slice3A_206 = vector.extract_strided_slice %reshape3A_173 {offsets = [0, 6, 0], sizes = [256, 1, 16], strides = [1, 1, 1]} : vector<256x8x16xf32> to vector<256x1x16xf32>
    %squeeze3A_207 = vector.shape_cast %slice3A_206 : vector<256x1x16xf32> to vector<256x16xf32>
    %dot_general3A_208 = arith.constant dense<0.000000e+00> : vector<256x128xf32>
    %dot_general3A_209 = tpu.matmul %squeeze3A_207, %select_n3A_100, %dot_general3A_208 {dimension_numbers = #tpu.dot_dimension_numbers<[1], [0], [0], [1], [0, 0, 1, 1], [], []>, transpose_lhs_hint = false} : vector<256x16xf32>, vector<16x128xf32>, vector<256x128xf32> -> vector<256x128xf32>
    %add3A_210 = arith.addf %add3A_205, %dot_general3A_209 : vector<256x128xf32>
    %slice3A_211 = vector.extract_strided_slice %reshape3A_173 {offsets = [0, 7, 0], sizes = [256, 1, 16], strides = [1, 1, 1]} : vector<256x8x16xf32> to vector<256x1x16xf32>
    %squeeze3A_212 = vector.shape_cast %slice3A_211 : vector<256x1x16xf32> to vector<256x16xf32>
    %dot_general3A_213 = arith.constant dense<0.000000e+00> : vector<256x128xf32>
    %dot_general3A_214 = tpu.matmul %squeeze3A_212, %select_n3A_115, %dot_general3A_213 {dimension_numbers = #tpu.dot_dimension_numbers<[1], [0], [0], [1], [0, 0, 1, 1], [], []>, transpose_lhs_hint = false} : vector<256x16xf32>, vector<16x128xf32>, vector<256x128xf32> -> vector<256x128xf32>
    %add3A_215 = arith.addf %add3A_210, %dot_general3A_214 : vector<256x128xf32>
    %swap3A_216 = arith.constant 0 : index
    %swap3A_217 = arith.constant 0 : index
    %swap3A_218 = vector.load %arg4[%swap3A_216, %swap3A_217] : memref<256x128xf32, #tpu.memory_space<vmem>>, vector<256x128xf32>
    tpu.vector_store %arg4[%swap3A_216, %swap3A_217], %add3A_215 {strides = array<i32>} : memref<256x128xf32, #tpu.memory_space<vmem>>, vector<256x128xf32>,
    return
  }
  func.func @transform_0(%arg0: i32) -> (i32, i32) {
    %c0_i32 = arith.constant 0 : i32
    %c0_i32_0 = arith.constant 0 : i32
    return %c0_i32, %arg0 : i32, i32
  }
  func.func @transform_1(%arg0: i32) -> (i32, i32) {
    %c0_i32 = arith.constant 0 : i32
    %c0_i32_0 = arith.constant 0 : i32
    return %c0_i32, %arg0 : i32, i32
  }
  func.func @transform_2(%arg0: i32) -> (i32, i32) {
    %c0_i32 = arith.constant 0 : i32
    %c0_i32_0 = arith.constant 0 : i32
    return %arg0, %c0_i32 : i32, i32
  }
  func.func @transform_3(%arg0: i32) -> (i32, i32) {
    %c0_i32 = arith.constant 0 : i32
    %c0_i32_0 = arith.constant 0 : i32
    return %arg0, %c0_i32 : i32, i32
  }
}

</mosaic_0001>

<sc_bundles>
// kernel: kernel.5.cloned.1.call-start
scs
__scs_entry_jumppad:
0x0: {  	(pc) =	sbr.rel $0x88, $3  }
0x1: {  	(tag) =	ssettag $0x0;
	lr =	simm.s32 $0x1  }
0x2: {  	[smem:$0x3F9C] =	sst lr;
	_ =	strace $0xD0000000  }
0x3: {  	_ = 	snop  }
0x4: {  	_ = 	snop  }
0x5: {  	_ = 	snop  }
0x6: {  	_ = 	snop  }
0x7: {  	_ = 	snop  }
__scs_overlays_trampoline_lowered:
0x8: {  	[smem:$0x3FAB] =	sst s0  }
0x9: {  	[smem:$0x3FAC] =	sst s1  }
0xa: {  	[smem:$0x3FAD] =	sst s2  }
0xb: {  	[smem:$0x3FAE] =	sst s3  }
0xc: {  	[smem:$0x3FAF] =	sst s4  }
0xd: {  	[smem:$0x3FB0] =	sst s5  }
0xe: {  	[smem:$0x3FB1] =	sst s6  }
0xf: {  	[smem:$0x3FB2] =	sst s7  }
0x10: {  	[smem:$0x3FB3] =	sst s8  }
0x11: {  	[smem:$0x3FB4] =	sst s9;
	s0 =	simm.s32 @!p0 $0x0  }
0x12: {  	s1 =	sld [smem:$0x3F9A];
	s0 =	simm.s32 @p0 $0x1  }
0x13: {  	[smem:$0x3FB5] =	sst s0;
	s0 =	simm.s32 @!p1 $0x0  }
0x14: {  	s2 =	sld [smem:$0x3F99];
	s0 =	simm.s32 @p1 $0x1  }
0x15: {  	[smem:$0x3FB6] =	sst s0;
	s0 =	simm.s32 @!p2 $0x0  }
0x16: {  	s3 =	sld [smem:$0x3FDB];
	s0 =	simm.s32 @p2 $0x1  }
0x17: {  	s4 =	simm.s32 $0x1BF5;
	[smem:$0x3FB8] =	sst s0  }
0x18: {  	s0 =	sld [smem:$0x3F9B];
	_ =	swait.ge [sflag:s4], $0x0  }
0x19: {  	s7 =	sld [smem:$0x3F9C]  }
0x1a: {  	s8 =	sadd.s32 $0xFFFFE003, lr  }
0x1b: {  	s9 =	sadd.s32 $0xFFFFFEF7, lr;
	s5 =	simm.s32 $0xFFFFFFFF;
	p2 =	slt.u32 s8, $0xFFFFF086  }
0x1c: {  	p1 =	slt.u32 s9, $0xF7A;
	s5 =	simm.s32 @!p2 $0x0  }
0x1d: {  	s5 =	simm.s32 @p1 $0x1;
	p0 =	seq.s32 s7, s2  }
0x1e: {  	s7 =	smul.u32 @!p0 $0xF7A, s2;
	p2 =	seq.s32 @!p0 s5, $0x0  }
0x1f: {  	s9 =	smul.u32 $0xF7A, s1;
	s8 =	simm.s32 @!p0 $0x1BF5;
	p2 =	por !p2, p0  }
0x20: {  	[sflag:s8] =	ssyncset.s32 @!p0 $0xFFFFF086;
	s6 =	sadd.s32 @!p0 s3, s7;
	s7 =	simm.s32 @!p0 $0x108  }
0x21: {  	s3 =	sadd.s32 s3, s9;
	s6 =	sadd.s32 @!p0 $0x88, s6;
	s7 =	simm.s32 @p2 $0x1082  }
0x22: {  	[simem:s7], [sflag:s8] =	dma.local @!p0 [hbm:s6], $0xF7A  }
0x23: {  	s9 =	sor.u32 $0xD0000000, s2;
	s6 =	simm.s32 $0x108;
	_ =	swait.ge @!p0 [sflag:s8], $0x0  }
0x24: {  	s3 =	sadd.s32 $0x88, s3;
	s6 =	simm.s32 @!p1 $0x1082;
	[sflag:s4] =	ssyncset.s32 $0xFFFFF086  }
0x25: {  	[simem:s6], [sflag:s4] =	dma.local [hbm:s3], $0xF7A  }
0x26: {  	[smem:$0x3F9C] =	sst s1;
	(tag) =	ssettag s2;
	_ =	strace s9  }
0x27: {  	s1 =	sld [smem:$0x3FAC]  }
0x28: {  	s2 =	sld [smem:$0x3FAD]  }
0x29: {  	s4 =	sld [smem:$0x3FAF]  }
0x2a: {  	p0 =	seq.s32 s5, $0x0;
	s5 =	sld [smem:$0x3FB0]  }
0x2b: {  	s6 =	sld [smem:$0x3FB1]  }
0x2c: {  	s7 =	sld [smem:$0x3FB2]  }
0x2d: {  	s3 =	simm.s32 $0x108;
	s8 =	sld [smem:$0x3FB3]  }
0x2e: {  	s3 =	simm.s32 @!p0 $0x1082;
	s9 =	sld [smem:$0x3FB4]  }
0x2f: {  	lr =	sadd.s32 s0, s3;
	s0 =	sld [smem:$0x3FAB]  }
0x30: {  	s3 =	sld [smem:$0x3FAE]  }
0x31: {  	[smem:$0x3FB7] =	sst s10  }
0x32: {  	s10 =	sld [smem:$0x3FB5];
	_ =	sdelay $0x3  }
0x33: {  	p0 =	seq.s32 s10, $0x1;
	s10 =	sld [smem:$0x3FB7];
	_ =	sdelay $0x3  }
0x34: {  	[smem:$0x3FB7] =	sst s10  }
0x35: {  	s10 =	sld [smem:$0x3FB6];
	_ =	sdelay $0x3  }
0x36: {  	p1 =	seq.s32 s10, $0x1;
	s10 =	sld [smem:$0x3FB7];
	_ =	sdelay $0x3  }
0x37: {  	[smem:$0x3FB7] =	sst s10  }
0x38: {  	s10 =	sld [smem:$0x3FB8]  }
0x39: {  	_ = 	snop;
	(pc) =	sbr.ind lr, $3  }
0x3a: {  	_ = 	snop  }
0x3b: {  	_ = 	snop  }
0x3c: {  	p2 =	seq.s32 s10, $0x1;
	s10 =	sld [smem:$0x3FB7]  }
0x3d: {  	_ =	shalt  }
0x3e: {  	_ =	shalt  }
0x3f: {  	_ =	shalt  }
0x40: {  	_ =	shalt  }
0x41: {  	_ =	shalt  }
0x42: {  	_ =	shalt  }
0x43: {  	_ =	shalt  }
0x44: {  	_ =	shalt  }
0x45: {  	_ =	shalt  }
0x46: {  	_ =	shalt  }
0x47: {  	_ =	shalt  }
0x48: {  	_ =	shalt  }
0x49: {  	_ =	shalt  }
0x4a: {  	_ =	shalt  }
0x4b: {  	_ =	shalt  }
0x4c: {  	_ =	shalt  }
0x4d: {  	_ =	shalt  }
0x4e: {  	_ =	shalt  }
0x4f: {  	_ =	shalt  }
0x50: {  	_ =	shalt  }
0x51: {  	_ =	shalt  }
0x52: {  	_ =	shalt  }
0x53: {  	_ =	shalt  }
0x54: {  	_ =	shalt  }
0x55: {  	_ =	shalt  }
0x56: {  	_ =	shalt  }
0x57: {  	_ =	shalt  }
0x58: {  	_ =	shalt  }
0x59: {  	_ =	shalt  }
0x5a: {  	_ =	shalt  }
0x5b: {  	_ =	shalt  }
0x5c: {  	_ =	shalt  }
0x5d: {  	_ =	shalt  }
0x5e: {  	_ =	shalt  }
0x5f: {  	_ =	shalt  }
0x60: {  	_ =	shalt  }
0x61: {  	_ =	shalt  }
0x62: {  	_ =	shalt  }
0x63: {  	_ =	shalt  }
0x64: {  	_ =	shalt  }
0x65: {  	_ =	shalt  }
0x66: {  	_ =	shalt  }
0x67: {  	_ =	shalt  }
0x68: {  	_ =	shalt  }
0x69: {  	_ =	shalt  }
0x6a: {  	_ =	shalt  }
0x6b: {  	_ =	shalt  }
0x6c: {  	_ =	shalt  }
0x6d: {  	_ =	shalt  }
0x6e: {  	_ =	shalt  }
0x6f: {  	_ =	shalt  }
0x70: {  	_ =	shalt  }
0x71: {  	_ =	shalt  }
0x72: {  	_ =	shalt  }
0x73: {  	_ =	shalt  }
0x74: {  	_ =	shalt  }
0x75: {  	_ =	shalt  }
0x76: {  	_ =	shalt  }
0x77: {  	_ =	shalt  }
0x78: {  	_ =	shalt  }
0x79: {  	_ =	shalt  }
0x7a: {  	_ =	shalt  }
0x7b: {  	_ =	shalt  }
0x7c: {  	_ =	shalt  }
0x7d: {  	_ =	shalt  }
0x7e: {  	_ =	shalt  }
0x7f: {  	_ =	shalt  }
0x80: {  	_ =	shalt  }
0x81: {  	_ =	shalt  }
0x82: {  	_ =	shalt  }
0x83: {  	_ =	shalt  }
0x84: {  	_ =	shalt  }
0x85: {  	_ =	shalt  }
0x86: {  	_ =	shalt  }
0x87: {  	_ =	shalt  }
.Lfunc_end0:
.L_simem_size_0:
called_computation_lowered:
.L_overlay_start_0:
0x88: {  	s2 =	sld [smem:$0x3FD9]  }
0x89: {  	s3 =	sld [smem:$0x3FFE];
	_ =	sdelay $0x1  }
0x8a: {  	s1 =	srdreg.scid  }
0x8b: {  	s0 =	sand.u32 $0x1, s1  }
0x8c: {  	s17 =	sshll.u32 s0, $0xA;
	s2 =	sadd.s32 s3, s2  }
0x8d: {  	s2 =	sadd.s32 s2, s17  }
0x8e: {  	[smem:$0x3FC3] =	sst s2  }
0x8f: {  	_ = 	snop  }
0x90: {  	s2 =	sld [smem:$0x3FC9]  }
0x91: {  	s18 =	sld [smem:$0x3FC8];
	(tm) =	ssettm $0x1  }
0x92: {  	s4 =	sld [smem:$0x3FFB];
	_ =	sdelay $0x3  }
0x93: {  	_ =	strace s4  }
0x94: {  	s4 =	sld [smem:$0x3FFC];
	_ =	sdelay $0x3  }
0x95: {  	_ =	strace s4  }
0x96: {  	s4 =	sld [smem:$0x3FFD];
	_ =	sdelay $0x3  }
0x97: {  	_ =	strace s4  }
0x98: {  	_ =	strace $0x8FFFFFFF  }
0x99: {  	s19 =	sld [smem:$0x3FDB];
	_ =	sdelay $0x1  }
0x9a: {  	s5 =	simm.s32 $_scs_section_size  }
0x9b: {  	s6 =	simm.s32 $_size__tile_overlayer_lowered;
	s7 =	simm.s32 $_tile_overlayer_lowered  }
0x9c: {  	s22 =	simm.s32 $0x1BFF;
	s21 =	sshll.u32 s7, $0x1;
	s4 =	sadd.s32 s5, s19  }
0x9d: {  	s8 =	simm.s32 $0x0;
	s20 =	sshll.u32 s6, $0x1;
	s6 =	sadd.s32 s21, s4  }
0x9e: {  	[timem:s8], [sflag:s22] =	dma.local [hbm:s6], s20  }
0x9f: {  	_ =	swait.ge [sflag:s22], s20  }
0xa0: {  	s5 =	ssub.s32 $0x0, s20;
	[sflag:s22] =	ssyncset.done $0x0  }
0xa1: {  	[sflag:s22] =	ssyncadd.s32 s5;
	_ =	sdelay $0x1  }
0xa2: {  	s23 =	simm.s32 $0x1B8B  }
0xa3: {  	_ =	swait.ge [sflag:s23], $0x1  }
0xa4: {  	[sflag:s23] =	ssyncset.done $0x0  }
0xa5: {  	s25 =	simm.s32 $0x1B8E;
	s24 =	sld [smem:$0x3FFE];
	[sflag:s23] =	ssyncadd.s32 $0xFFFFFFFF  }
0xa6: {  	s26 =	simm.s32 $execute0_lowered;
	[smem:$0x3FD2] =	sst s25  }
0xa7: {  	s6 =	sshll.u32 s26, $0x1;
	_ =	strace $0x80000046;
	[dreg:$0x1] =	wrdreg $0xFFFFFFFF  }
0xa8: {  	s28 =	simm.s32 $_size_execute0_lowered;
	s4 =	sadd.s32 s4, s6;
	[dreg:$0x0] =	wrdreg $0x0  }
0xa9: {  	s6 =	sshll.u32 s28, $0x1;
	[dreg:$0x2] =	wrdreg s4  }
0xaa: {  	[dreg:$0x3] =	wrdreg s6  }
0xab: {  	[dreg:$0x4] =	wrdreg $0xC0  }
0xac: {  	_ =	task [dreg:s8], $0x5FFFF  }
0xad: {  	[dreg:$0x1] =	wrdreg $0xFFFFFFFF  }
0xae: {  	[dreg:$0x0] =	wrdreg $0x60  }
0xaf: {  	[dreg:$0x2] =	wrdreg s24  }
0xb0: {  	[dreg:$0x3] =	wrdreg s2  }
0xb1: {  	[dreg:$0x4] =	wrdreg s18  }
0xb2: {  	[dreg:$0x5] =	wrdreg $0x9  }
0xb3: {  	_ =	task.clear_ibuf [dreg:s8], $0x6FFFF;
	_ =	strace $0x90000046  }
0xb4: {  	s29 =	simm.s32 $0x9;
	_ =	strace $0x80000048  }
0xb5: {  	_ =	swait.ge [sflag:s29], $0x1  }
0xb6: {  	[sflag:s29] =	ssyncadd.s32 $0xFFFFFFFF  }
0xb7: {  	_ =	strace $0x90000048  }
0xb8: {  	_ =	sfence  }
0xb9: {  	s30 =	sld [smem:$0x0];
	_ =	sdelay $0x2  }
0xba: {  	s31 =	sshll.u32 s1, $0xD;
	s1 =	sshrl.u32 s1, $0x2  }
0xbb: {  	s3 =	sand.u32 $0x4000, s31;
	s1 =	sadd.s32 s1, s30  }
0xbc: {  	s0 =	sor.u32 s3, s0;
	s1 =	sshll.u32 s1, $0x11  }
0xbd: {  	s0 =	sor.u32 s1, s0  }
0xbe: {  	s0 =	sadd.s32 $0x8F2B, s0  }
0xbf: {  	[sflag:s0] =	ssyncadd.remote.s32 $0x1  }
0xc0: {  	_ =	sfence.sel $0xFFFF  }
0xc1: {  	[dreg:$0x0] =	wrdreg $0xFFFFFFFF;
	(pc) =	sbr.abs _section_cstart, $3  }
0xc2: {  	[dreg:$0x1] =	wrdreg $0xFFFFFFFF  }
0xc3: {  	_ =	task.clear_ibuf [dreg:s8], $0x2FFFF;
	_ =	strace $0x9FFFFFFF  }
0xc4: {  	(tm) =	ssettm $0x7FFFFFFF  }
0xc5: {  	_ =	shalt  }
tec
execute0_lowered:
.L_overlay_start_1:
0x0: {  	(tag) =	ssettag $0x1  }
0x1: {  	v0 =	vlaneseq.u32  }
0x2: {  	v0 =	vmul.u32 $0x80, v0;
	_ =	sdelay $0x1  }
0x3: {  	v1 =	vor.u32 $0x8, v0  }
0x4: {  	[tilespmem:$0x1FC80] =	vst v1;
	v1 =	vor.u32 $0x9, v0  }
0x5: {  	[tilespmem:$0x1FC90] =	vst v1;
	v1 =	vor.u32 $0xA, v0  }
0x6: {  	[tilespmem:$0x1FCA0] =	vst v1;
	v1 =	vor.u32 $0xB, v0  }
0x7: {  	[tilespmem:$0x1FCB0] =	vst v1;
	v1 =	vor.u32 $0xC, v0  }
0x8: {  	[tilespmem:$0x1FCC0] =	vst v1;
	v1 =	vor.u32 $0xD, v0  }
0x9: {  	[tilespmem:$0x1FCD0] =	vst v1;
	v1 =	vor.u32 $0xE, v0  }
0xa: {  	[tilespmem:$0x1FCE0] =	vst v1;
	v1 =	vor.u32 $0xF, v0  }
0xb: {  	[tilespmem:$0x1FCF0] =	vst v1;
	v1 =	vor.u32 $0x800, v0  }
0xc: {  	[tilespmem:$0x1FD00] =	vst v1;
	v1 =	vor.u32 $0x801, v0  }
0xd: {  	[tilespmem:$0x1FD10] =	vst v1;
	v1 =	vor.u32 $0x802, v0  }
0xe: {  	[tilespmem:$0x1FD20] =	vst v1;
	v1 =	vor.u32 $0x803, v0  }
0xf: {  	[tilespmem:$0x1FD30] =	vst v1;
	v1 =	vor.u32 $0x804, v0  }
0x10: {  	[tilespmem:$0x1FD40] =	vst v1;
	v1 =	vor.u32 $0x805, v0  }
0x11: {  	[tilespmem:$0x1FD50] =	vst v1;
	v1 =	vor.u32 $0x806, v0  }
0x12: {  	[tilespmem:$0x1FD60] =	vst v1;
	v1 =	vor.u32 $0x807, v0  }
0x13: {  	[tilespmem:$0x1FD70] =	vst v1;
	v1 =	vor.u32 $0x808, v0  }
0x14: {  	[tilespmem:$0x1FD80] =	vst v1;
	v1 =	vor.u32 $0x809, v0  }
0x15: {  	[tilespmem:$0x1FD90] =	vst v1;
	v1 =	vor.u32 $0x80A, v0  }
0x16: {  	[tilespmem:$0x1FDA0] =	vst v1;
	v1 =	vor.u32 $0x80B, v0  }
0x17: {  	[tilespmem:$0x1FDB0] =	vst v1;
	v1 =	vor.u32 $0x80C, v0  }
0x18: {  	[tilespmem:$0x1FDC0] =	vst v1;
	v1 =	vor.u32 $0x80D, v0  }
0x19: {  	[tilespmem:$0x1FDD0] =	vst v1;
	v1 =	vor.u32 $0x80E, v0  }
0x1a: {  	[tilespmem:$0x1FDE0] =	vst v1;
	v1 =	vor.u32 $0x80F, v0  }
0x1b: {  	[tilespmem:$0x1FDF0] =	vst v1;
	v1 =	vor.u32 $0x1000, v0  }
0x1c: {  	[tilespmem:$0x1FE00] =	vst v1;
	v1 =	vor.u32 $0x1001, v0  }
0x1d: {  	[tilespmem:$0x1FE10] =	vst v1;
	v1 =	vor.u32 $0x1002, v0  }
0x1e: {  	[tilespmem:$0x1FE20] =	vst v1;
	v1 =	vor.u32 $0x1003, v0  }
0x1f: {  	[tilespmem:$0x1FE30] =	vst v1;
	v1 =	vor.u32 $0x1004, v0  }
0x20: {  	[tilespmem:$0x1FE40] =	vst v1;
	v1 =	vor.u32 $0x1005, v0  }
0x21: {  	[tilespmem:$0x1FE50] =	vst v1;
	v1 =	vor.u32 $0x1006, v0  }
0x22: {  	[tilespmem:$0x1FE60] =	vst v1;
	v1 =	vor.u32 $0x1007, v0  }
0x23: {  	s5 =	rddreg [dreg:$0x0];
	[tilespmem:$0x1FE70] =	vst v1;
	v1 =	vor.u32 $0x1008, v0  }
0x24: {  	s6 =	rddreg [dreg:$0x1];
	[tilespmem:$0x1FE80] =	vst v1;
	v1 =	vor.u32 $0x1009, v0  }
0x25: {  	s7 =	rddreg [dreg:$0x2];
	s2 =	simm.s32 $0x0;
	[tilespmem:$0x1FE90] =	vst v1;
	v1 =	vor.u32 $0x100A, v0  }
0x26: {  	[smem:$0x7FF] =	sst s2;
	[tilespmem:$0x1FEA0] =	vst v1;
	v1 =	vor.u32 $0x100B, v0  }
0x27: {  	s0 =	rddreg [dreg:$0x3];
	_ =	strace $0x80000047;
	[tilespmem:$0x1FEB0] =	vst v1;
	v1 =	vor.u32 $0x100C, v0  }
0x28: {  	[tilespmem:$0x1FEC0] =	vst v1;
	v1 =	vor.u32 $0x100D, v0  }
0x29: {  	[tilespmem:$0x1FED0] =	vst v1;
	v1 =	vor.u32 $0x100E, v0  }
0x2a: {  	[tilespmem:$0x1FEE0] =	vst v1;
	v1 =	vor.u32 $0x100F, v0  }
0x2b: {  	[tilespmem:$0x1FEF0] =	vst v1;
	v1 =	vor.u32 $0x1800, v0  }
0x2c: {  	[tilespmem:$0x1FF00] =	vst v1;
	v1 =	vor.u32 $0x1801, v0  }
0x2d: {  	[tilespmem:$0x1FF10] =	vst v1;
	v1 =	vor.u32 $0x1802, v0  }
0x2e: {  	[tilespmem:$0x1FF20] =	vst v1;
	v1 =	vor.u32 $0x1803, v0  }
0x2f: {  	[tilespmem:$0x1FF30] =	vst v1;
	v1 =	vor.u32 $0x1804, v0  }
0x30: {  	[tilespmem:$0x1FF40] =	vst v1;
	v1 =	vor.u32 $0x1805, v0  }
0x31: {  	[tilespmem:$0x1FF50] =	vst v1;
	v1 =	vor.u32 $0x1806, v0  }
0x32: {  	[tilespmem:$0x1FF60] =	vst v1;
	v1 =	vor.u32 $0x1807, v0  }
0x33: {  	s3 =	srdreg.scid;
	[tilespmem:$0x1FF70] =	vst v1;
	v1 =	vor.u32 $0x1808, v0  }
0x34: {  	s1 =	stileid.u32;
	s12 =	simm.s32 $0x3000;
	s13 =	simm.s32 $0x7000;
	[tilespmem:$0x1FF80] =	vst v1;
	v1 =	vor.u32 $0x1809, v0  }
0x35: {  	s14 =	simm.s32 $0x1;
	s3 =	sand.u32 $0x1, s3;
	s4 =	sshll.u32 s1, $0x1;
	[tilespmem:$0x1FF90] =	vst v1;
	v1 =	vor.u32 $0x180A, v0  }
0x36: {  	s15 =	simm.s32 $0x2;
	s16 =	simm.s32 $0xB000;
	s4 =	sor.u32 s3, s4;
	[tilespmem:$0x1FFA0] =	vst v1;
	v1 =	vor.u32 $0x180B, v0  }
0x37: {  	s17 =	simm.s32 $0x0;
	s9 =	ssub.s32 $0x2, s3;
	s8 =	smul.u32 $0x180, s4;
	[tilespmem:$0x1FFB0] =	vst v1;
	v1 =	vor.u32 $0x180C, v0  }
0x38: {  	s3 =	sadd.s32 $0xA00, s5;
	s4 =	sadd.s32 $0x1E9000, s5;
	s10 =	sshrl.u32 s9, $0x1;
	[tilespmem:$0x1FFC0] =	vst v1;
	v1 =	vor.u32 $0x180D, v0  }
0x39: {  	v17 =	vor.u32 $0x1, v0;
	v18 =	vor.u32 $0x2, v0;
	s9 =	ssub.s32 s9, s10;
	s10 =	simm.s32 $0xC00;
	s11 =	sadd.s32 s8, s5;
	[tilespmem:$0x1FFD0] =	vst v1;
	v1 =	vor.u32 $0x180E, v0  }
0x3a: {  	v19 =	vor.u32 $0x3, v0;
	v20 =	vor.u32 $0x4, v0;
	s5 =	sadd.s32 s6, s8;
	s6 =	sadd.s32 s7, s8;
	s8 =	smax.u32 s9, $0x1;
	[tilespmem:$0x1FFE0] =	vst v1;
	v1 =	vor.u32 $0x180F, v0  }
0x3b: {  	v21 =	vor.u32 $0x5, v0;
	v22 =	vor.u32 $0x6, v0;
	v23 =	vor.u32 $0x7, v0;
	s9 =	simm.s32 $0x3;
	s7 =	sadd.s32 $0x3D1600, s11;
	s11 =	simm.s32 $0x80;
	[tilespmem:$0x1FFF0] =	vst v1  }
.LBB2_1:
0x3c: {  	[tilespmem:s2], [sflag:$0x3] =	stream.linear.gather [hbm4b:s5+s2], $0xC00, $0x38;
	[tilespmem:$0xBC00] =	vst v63  }
0x3d: {  	_ =	swait.ge [sflag:s9], $0xC00  }
0x3e: {  	[sflag:s9] =	ssyncset.done $0x0  }
0x3f: {  	[sflag:s9] =	ssyncadd.s32 $0xFFFFF400  }
0x40: {  	[tilespmem:s10], [sflag:$0x3] =	stream.linear.gather [hbm4b:s6+s2], $0xC00, $0x38;
	[tilespmem:$0xBC00] =	vst v63  }
0x41: {  	_ =	swait.ge [sflag:s9], $0xC00  }
0x42: {  	v40 =	vld [tilespmem:$0x1FD80]  }
0x43: {  	v41 =	vld [tilespmem:$0x1FD90]  }
0x44: {  	v42 =	vld [tilespmem:$0x1FDA0]  }
0x45: {  	v43 =	vld [tilespmem:$0x1FDB0]  }
0x46: {  	v44 =	vld [tilespmem:$0x1FDC0]  }
0x47: {  	v45 =	vld [tilespmem:$0x1FDD0]  }
0x48: {  	v46 =	vld [tilespmem:$0x1FDE0]  }
0x49: {  	v47 =	vld [tilespmem:$0x1FDF0]  }
0x4a: {  	v48 =	vld [tilespmem:$0x1FE00]  }
0x4b: {  	v49 =	vld [tilespmem:$0x1FE10]  }
0x4c: {  	v50 =	vld [tilespmem:$0x1FE20]  }
0x4d: {  	v51 =	vld [tilespmem:$0x1FE30]  }
0x4e: {  	v52 =	vld [tilespmem:$0x1FE40]  }
0x4f: {  	v53 =	vld [tilespmem:$0x1FE50]  }
0x50: {  	v54 =	vld [tilespmem:$0x1FE60]  }
0x51: {  	v55 =	vld [tilespmem:$0x1FE70]  }
0x52: {  	v56 =	vld [tilespmem:$0x1FE80]  }
0x53: {  	v57 =	vld [tilespmem:$0x1FE90]  }
0x54: {  	v58 =	vld [tilespmem:$0x1FEA0]  }
0x55: {  	v59 =	vld [tilespmem:$0x1FEB0]  }
0x56: {  	v60 =	vld [tilespmem:$0x1FEC0]  }
0x57: {  	v61 =	vld [tilespmem:$0x1FED0]  }
0x58: {  	v62 =	vld [tilespmem:$0x1FEE0]  }
0x59: {  	v63 =	vld [tilespmem:$0x1FEF0]  }
0x5a: {  	v24 =	vld [tilespmem:$0x1FF00]  }
0x5b: {  	v25 =	vld [tilespmem:$0x1FF10]  }
0x5c: {  	v26 =	vld [tilespmem:$0x1FF20]  }
0x5d: {  	v27 =	vld [tilespmem:$0x1FF30]  }
0x5e: {  	v28 =	vld [tilespmem:$0x1FF40]  }
0x5f: {  	v29 =	vld [tilespmem:$0x1FF50]  }
0x60: {  	v30 =	vld [tilespmem:$0x1FF60]  }
0x61: {  	v31 =	vld [tilespmem:$0x1FF70]  }
0x62: {  	v32 =	vld [tilespmem:$0x1FF80]  }
0x63: {  	v33 =	vld [tilespmem:$0x1FF90]  }
0x64: {  	v34 =	vld [tilespmem:$0x1FFA0]  }
0x65: {  	v35 =	vld [tilespmem:$0x1FFB0]  }
0x66: {  	v36 =	vld [tilespmem:$0x1FFC0]  }
0x67: {  	v37 =	vld [tilespmem:$0x1FFD0]  }
0x68: {  	[sflag:s9] =	ssyncset.done $0x0;
	v38 =	vld [tilespmem:$0x1FFE0]  }
0x69: {  	s18 =	simm.s32 $0x0;
	v39 =	vld [tilespmem:$0x1FFF0];
	[sflag:s9] =	ssyncadd.s32 $0xFFFFF400  }
.LBB2_2:
0x6a: {  	s19 =	sshra.s32 s18, $0x2  }
0x6b: {  	v1 =	vld [tilespmem:s19+$0x0]  }
0x6c: {  	v2 =	vld [tilespmem:s19+$0xC00]  }
0x6d: {  	v3 =	vld [tilespmem:s19+$0x10]  }
0x6e: {  	v4 =	vld [tilespmem:s19+$0xC10]  }
0x6f: {  	v5 =	vld [tilespmem:s19+$0x20]  }
0x70: {  	v6 =	vld [tilespmem:s19+$0xC20];
	v1 =	vshrl.u32 v1, $0x3  }
0x71: {  	[tilespmem:s19+$0x1800] =	vst v1;
	v1 =	vshrl.u32 v2, $0x3;
	v2 =	vld [tilespmem:s19+$0x30]  }
0x72: {  	[tilespmem:s19+$0x2400] =	vst v1;
	v1 =	vshrl.u32 v3, $0x3;
	v3 =	vld [tilespmem:s19+$0xC30]  }
0x73: {  	v12 =	vld [tilespmem:s19+$0x40];
	[tilespmem:s19+$0x1810] =	vst v1;
	v1 =	vshrl.u32 v4, $0x3  }
0x74: {  	v13 =	vld [tilespmem:s19+$0xC40];
	[tilespmem:s19+$0x2410] =	vst v1;
	v1 =	vshrl.u32 v5, $0x3  }
0x75: {  	v14 =	vld [tilespmem:s19+$0x50];
	[tilespmem:s19+$0x1820] =	vst v1;
	v1 =	vshrl.u32 v6, $0x3  }
0x76: {  	[tilespmem:s19+$0x2420] =	vst v1;
	v1 =	vshrl.u32 v2, $0x3;
	v2 =	vld [tilespmem:s19+$0xC50]  }
0x77: {  	[tilespmem:s19+$0x1830] =	vst v1;
	v1 =	vshrl.u32 v3, $0x3;
	v3 =	vld [tilespmem:s19+$0x60]  }
0x78: {  	v9 =	vld [tilespmem:s19+$0xC60];
	[tilespmem:s19+$0x2430] =	vst v1;
	v1 =	vshrl.u32 v12, $0x3  }
0x79: {  	v10 =	vld [tilespmem:s19+$0x70];
	[tilespmem:s19+$0x1840] =	vst v1;
	v1 =	vshrl.u32 v13, $0x3  }
0x7a: {  	v11 =	vld [tilespmem:s19+$0xC70];
	[tilespmem:s19+$0x2440] =	vst v1;
	v1 =	vshrl.u32 v14, $0x3  }
0x7b: {  	[tilespmem:s19+$0x1850] =	vst v1;
	v1 =	vshrl.u32 v2, $0x3  }
0x7c: {  	[tilespmem:s19+$0x2450] =	vst v1;
	v1 =	vshrl.u32 v3, $0x3  }
0x7d: {  	[tilespmem:s19+$0x1860] =	vst v1;
	v1 =	vshrl.u32 v9, $0x3  }
0x7e: {  	[tilespmem:s19+$0x2460] =	vst v1;
	v1 =	vshrl.u32 v10, $0x3  }
0x7f: {  	[tilespmem:s19+$0x1870] =	vst v1;
	v1 =	vshrl.u32 v11, $0x3  }
0x80: {  	s20 =	sadd.s32 $0x1800, s19;
	[tilespmem:s19+$0x2470] =	vst v1  }
0x81: {  	[tilespmem:s12], [sflag:$0x1] =	stream.indirect.gather [hbm4b:s3+s11], $0x80, s20, s11, $0xb8;
	[tilespmem:$0xBC00] =	vst v63  }
0x82: {  	s31 =	sadd.s32 $0x2400, s19  }
0x83: {  	[tilespmem:s13], [sflag:$0x2] =	stream.indirect.gather [hbm4b:s4+s11], $0x80, s31, s11, $0xb8;
	[tilespmem:$0xBC00] =	vst v63  }
0x84: {  	_ =	swait.ge [sflag:s14], $0x4000  }
0x85: {  	[sflag:s14] =	ssyncset.done $0x0  }
0x86: {  	[sflag:s14] =	ssyncadd.s32 $0xFFFFC000  }
0x87: {  	_ =	swait.ge [sflag:s15], $0x4000  }
0x88: {  	[sflag:s15] =	ssyncset.done $0x0  }
0x89: {  	[sflag:s15] =	ssyncadd.s32 $0xFFFFC000  }
0x8a: {  	v1 =	vld [tilespmem:s19+$0x0]  }
0x8b: {  	v2 =	vld [tilespmem:s19+$0xC00];
	_ =	sdelay $0x3  }
0x8c: {  	v1 =	vshll.u32 v1, $0x4  }
0x8d: {  	v2 =	vshll.u32 v2, $0x4;
	v1 =	vand.u32 $0x70, v1  }
0x8e: {  	v2 =	vand.u32 $0x70, v2;
	v3 =	vor.u32 v0, v1  }
0x8f: {  	v12 =	vor.u32 v0, v2  }
0x90: {  	v13 =	vor.u32 v17, v1  }
0x91: {  	v14 =	vor.u32 v17, v2  }
0x92: {  	v7 =	vor.u32 v18, v1  }
0x93: {  	v8 =	vor.u32 v18, v2;
	v3 =	vld.idx.msk [tilespmem:v3+s12+$0x0], $0xffff  }
0x94: {  	v4 =	vld.idx.msk [tilespmem:v12+s13+$0x0], $0xffff  }
0x95: {  	v5 =	vld.idx.msk [tilespmem:v13+s12+$0x0], $0xffff  }
0x96: {  	v9 =	vor.u32 v19, v1;
	v6 =	vld.idx.msk [tilespmem:v14+s13+$0x0], $0xffff  }
0x97: {  	v10 =	vor.u32 v19, v2;
	v7 =	vld.idx.msk [tilespmem:v7+s12+$0x0], $0xffff  }
0x98: {  	v8 =	vld.idx.msk [tilespmem:v8+s13+$0x0], $0xffff;
	v14 =	vor.u32 v21, v2  }
0x99: {  	v3 =	vmul.f32 v4, v3  }
0x9a: {  	v11 =	vor.u32 v20, v1  }
0x9b: {  	v12 =	vor.u32 v20, v2;
	v9 =	vld.idx.msk [tilespmem:v9+s12+$0x0], $0xffff;
	v5 =	vmul.f32 v6, v5;
	v3 =	vadd.f32 $0.0e+00, v3  }
0x9c: {  	v15 =	vor.u32 v22, v2;
	v4 =	vld.idx.msk [tilespmem:v10+s13+$0x0], $0xffff  }
0x9d: {  	v3 =	vadd.f32 v5, v3;
	v5 =	vmul.f32 v8, v7;
	v7 =	vld.idx.msk [tilespmem:v14+s13+$0x0], $0xffff  }
0x9e: {  	v13 =	vor.u32 v21, v1;
	v14 =	vld [tilespmem:$0x1FC80]  }
0x9f: {  	v11 =	vld.idx.msk [tilespmem:v11+s12+$0x0], $0xffff  }
0xa0: {  	v16 =	vor.u32 v23, v2;
	v6 =	vld.idx.msk [tilespmem:v12+s13+$0x0], $0xffff  }
0xa1: {  	v3 =	vadd.f32 v5, v3;
	v5 =	vld.idx.msk [tilespmem:v15+s13+$0x0], $0xffff  }
0xa2: {  	v10 =	vor.u32 v22, v1;
	v15 =	vld [tilespmem:$0x1FC90]  }
0xa3: {  	v13 =	vld.idx.msk [tilespmem:v13+s12+$0x0], $0xffff;
	v4 =	vmul.f32 v4, v9;
	v8 =	vor.u32 v14, v1;
	v14 =	vor.u32 v14, v2;
	_ =	sdelay $0x1  }
0xa4: {  	v3 =	vadd.f32 v4, v3;
	v4 =	vmul.f32 v6, v11;
	v6 =	vld.idx.msk [tilespmem:v16+s13+$0x0], $0xffff  }
0xa5: {  	v12 =	vor.u32 v23, v1;
	v16 =	vld [tilespmem:$0x1FCA0]  }
0xa6: {  	v10 =	vld.idx.msk [tilespmem:v10+s12+$0x0], $0xffff;
	v9 =	vor.u32 v15, v1;
	v15 =	vor.u32 v15, v2  }
0xa7: {  	v3 =	vadd.f32 v4, v3;
	v4 =	vmul.f32 v7, v13;
	v7 =	vld.idx.msk [tilespmem:v14+s13+$0x0], $0xffff  }
0xa8: {  	v14 =	vld [tilespmem:$0x1FCB0];
	_ =	sdelay $0x1  }
0xa9: {  	v12 =	vld.idx.msk [tilespmem:v12+s12+$0x0], $0xffff;
	v11 =	vor.u32 v16, v1;
	v16 =	vor.u32 v16, v2  }
0xaa: {  	v3 =	vadd.f32 v4, v3;
	v4 =	vmul.f32 v5, v10;
	v5 =	vld.idx.msk [tilespmem:v15+s13+$0x0], $0xffff  }
0xab: {  	v15 =	vld [tilespmem:$0x1FCC0]  }
0xac: {  	v8 =	vld.idx.msk [tilespmem:v8+s12+$0x0], $0xffff;
	v13 =	vor.u32 v14, v1;
	v14 =	vor.u32 v14, v2;
	_ =	sdelay $0x1  }
0xad: {  	v3 =	vadd.f32 v4, v3;
	v4 =	vmul.f32 v6, v12;
	v6 =	vld.idx.msk [tilespmem:v16+s13+$0x0], $0xffff  }
0xae: {  	v16 =	vld [tilespmem:$0x1FCD0]  }
0xaf: {  	v9 =	vld.idx.msk [tilespmem:v9+s12+$0x0], $0xffff;
	v10 =	vor.u32 v15, v1;
	v15 =	vor.u32 v15, v2  }
0xb0: {  	v3 =	vadd.f32 v4, v3;
	v4 =	vmul.f32 v7, v8;
	v7 =	vld.idx.msk [tilespmem:v14+s13+$0x0], $0xffff  }
0xb1: {  	v14 =	vld [tilespmem:$0x1FCE0]  }
0xb2: {  	v11 =	vld.idx.msk [tilespmem:v11+s12+$0x0], $0xffff  }
0xb3: {  	v12 =	vor.u32 v16, v1;
	v13 =	vld.idx.msk [tilespmem:v13+s12+$0x0], $0xffff  }
0xb4: {  	v3 =	vadd.f32 v4, v3;
	v4 =	vmul.f32 v5, v9;
	v5 =	vld.idx.msk [tilespmem:v15+s13+$0x0], $0xffff  }
0xb5: {  	v16 =	vor.u32 v16, v2;
	v15 =	vld [tilespmem:$0x1FCF0]  }
0xb6: {  	v8 =	vor.u32 v14, v1  }
0xb7: {  	v10 =	vld.idx.msk [tilespmem:v10+s12+$0x0], $0xffff;
	v14 =	vor.u32 v14, v2  }
0xb8: {  	v9 =	vld.idx.msk [tilespmem:v12+s12+$0x0], $0xffff  }
0xb9: {  	v12 =	vmul.f32 v6, v11;
	v11 =	vmul.f32 v7, v13;
	v13 =	vld [tilespmem:s19+$0x10]  }
0xba: {  	v6 =	vld.idx.msk [tilespmem:v16+s13+$0x0], $0xffff;
	v1 =	vor.u32 v15, v1  }
0xbb: {  	v3 =	vadd.f32 v4, v3;
	v2 =	vor.u32 v15, v2;
	v8 =	vld.idx.msk [tilespmem:v8+s12+$0x0], $0xffff  }
0xbc: {  	v7 =	vld.idx.msk [tilespmem:v14+s13+$0x0], $0xffff  }
0xbd: {  	v3 =	vadd.f32 v12, v3;
	v14 =	vld [tilespmem:s19+$0xC10]  }
0xbe: {  	v12 =	vmul.f32 v5, v10;
	v5 =	vshll.u32 v13, $0x4;
	v13 =	vld [tilespmem:$0x1FD00]  }
0xbf: {  	v3 =	vadd.f32 v11, v3;
	v1 =	vld.idx.msk [tilespmem:v1+s12+$0x0], $0xffff  }
0xc0: {  	v2 =	vld.idx.msk [tilespmem:v2+s13+$0x0], $0xffff  }
0xc1: {  	v9 =	vmul.f32 v6, v9;
	v3 =	vadd.f32 v12, v3;
	_ =	sdelay $0x1  }
0xc2: {  	v3 =	vadd.f32 v9, v3;
	v11 =	vmul.f32 v7, v8  }
0xc3: {  	v4 =	vand.u32 $0x70, v5;
	v12 =	vshll.u32 v14, $0x4  }
0xc4: {  	v14 =	vor.u32 v13, v4;
	v3 =	vadd.f32 v11, v3;
	v1 =	vmul.f32 v2, v1;
	_ =	sdelay $0x1  }
0xc5: {  	v1 =	vadd.f32 v1, v3  }
0xc6: {  	v2 =	vand.u32 $0x70, v12;
	v12 =	vld [tilespmem:$0x1FD10]  }
0xc7: {  	v6 =	vor.u32 v13, v2;
	v13 =	vld [tilespmem:$0x1FD20];
	[tilespmem:s19+$0xB000] =	vst v1  }
0xc8: {  	v5 =	vld.idx.msk [tilespmem:v14+s12+$0x0], $0xffff  }
0xc9: {  	v14 =	vld [tilespmem:$0x1FD30];
	_ =	sdelay $0x1  }
0xca: {  	v16 =	vld [tilespmem:$0x1FD70];
	v3 =	vor.u32 v12, v4  }
0xcb: {  	v7 =	vor.u32 v12, v2;
	v12 =	vld [tilespmem:$0x1FD40]  }
0xcc: {  	v15 =	vld [tilespmem:$0x1FD60];
	v1 =	vor.u32 v13, v4  }
0xcd: {  	v8 =	vor.u32 v13, v2;
	v9 =	vor.u32 v14, v4;
	v10 =	vor.u32 v14, v2;
	v14 =	vld [tilespmem:$0x1FD50]  }
0xce: {  	v6 =	vld.idx.msk [tilespmem:v6+s13+$0x0], $0xffff  }
0xcf: {  	v3 =	vld.idx.msk [tilespmem:v3+s12+$0x0], $0xffff  }
0xd0: {  	v7 =	vld.idx.msk [tilespmem:v7+s13+$0x0], $0xffff;
	v11 =	vor.u32 v12, v4  }
0xd1: {  	v12 =	vor.u32 v12, v2;
	v1 =	vld.idx.msk [tilespmem:v1+s12+$0x0], $0xffff  }
0xd2: {  	v8 =	vld.idx.msk [tilespmem:v8+s13+$0x0], $0xffff;
	v13 =	vor.u32 v14, v4  }
0xd3: {  	v9 =	vld.idx.msk [tilespmem:v9+s12+$0x0], $0xffff;
	v14 =	vor.u32 v14, v2  }
0xd4: {  	v5 =	vmul.f32 v6, v5;
	v6 =	vld.idx.msk [tilespmem:v10+s13+$0x0], $0xffff;
	v10 =	vor.u32 v15, v4  }
0xd5: {  	v11 =	vld.idx.msk [tilespmem:v11+s12+$0x0], $0xffff;
	v15 =	vor.u32 v15, v2  }
0xd6: {  	v5 =	vadd.f32 $0.0e+00, v5;
	v3 =	vmul.f32 v7, v3;
	v7 =	vld.idx.msk [tilespmem:v12+s13+$0x0], $0xffff;
	v12 =	vor.u32 v16, v4  }
0xd7: {  	v1 =	vmul.f32 v8, v1;
	v8 =	vor.u32 v40, v4;
	v13 =	vld.idx.msk [tilespmem:v13+s12+$0x0], $0xffff  }
0xd8: {  	v16 =	vor.u32 v16, v2;
	v3 =	vadd.f32 v3, v5;
	v5 =	vld.idx.msk [tilespmem:v14+s13+$0x0], $0xffff  }
0xd9: {  	v10 =	vld.idx.msk [tilespmem:v10+s12+$0x0], $0xffff;
	v14 =	vor.u32 v40, v2  }
0xda: {  	v1 =	vadd.f32 v1, v3;
	v3 =	vmul.f32 v6, v9;
	v6 =	vld.idx.msk [tilespmem:v15+s13+$0x0], $0xffff;
	v9 =	vor.u32 v41, v4  }
0xdb: {  	v12 =	vld.idx.msk [tilespmem:v12+s12+$0x0], $0xffff;
	v15 =	vor.u32 v41, v2  }
0xdc: {  	v8 =	vld.idx.msk [tilespmem:v8+s12+$0x0], $0xffff;
	v1 =	vadd.f32 v3, v1;
	v3 =	vmul.f32 v7, v11;
	v11 =	vor.u32 v42, v4  }
0xdd: {  	v7 =	vld.idx.msk [tilespmem:v16+s13+$0x0], $0xffff;
	v16 =	vor.u32 v42, v2  }
0xde: {  	v1 =	vadd.f32 v3, v1;
	v3 =	vmul.f32 v5, v13;
	v5 =	vld.idx.msk [tilespmem:v14+s13+$0x0], $0xffff;
	v13 =	vor.u32 v43, v4  }
0xdf: {  	v9 =	vld.idx.msk [tilespmem:v9+s12+$0x0], $0xffff;
	v14 =	vor.u32 v43, v2  }
0xe0: {  	v1 =	vadd.f32 v3, v1;
	v3 =	vmul.f32 v6, v10;
	v6 =	vld.idx.msk [tilespmem:v15+s13+$0x0], $0xffff;
	v10 =	vor.u32 v44, v4  }
0xe1: {  	v11 =	vld.idx.msk [tilespmem:v11+s12+$0x0], $0xffff;
	v15 =	vor.u32 v44, v2  }
0xe2: {  	v1 =	vadd.f32 v3, v1;
	v3 =	vmul.f32 v7, v12;
	v7 =	vld.idx.msk [tilespmem:v16+s13+$0x0], $0xffff;
	v12 =	vor.u32 v45, v4  }
0xe3: {  	v16 =	vor.u32 v45, v2;
	v13 =	vld.idx.msk [tilespmem:v13+s12+$0x0], $0xffff  }
0xe4: {  	v1 =	vadd.f32 v3, v1;
	v3 =	vmul.f32 v5, v8;
	v5 =	vld.idx.msk [tilespmem:v14+s13+$0x0], $0xffff;
	v8 =	vor.u32 v46, v4  }
0xe5: {  	v14 =	vor.u32 v46, v2;
	v10 =	vld.idx.msk [tilespmem:v10+s12+$0x0], $0xffff  }
0xe6: {  	v4 =	vor.u32 v47, v4;
	v1 =	vadd.f32 v3, v1;
	v3 =	vmul.f32 v6, v9;
	v6 =	vld.idx.msk [tilespmem:v15+s13+$0x0], $0xffff  }
0xe7: {  	v9 =	vld.idx.msk [tilespmem:v12+s12+$0x0], $0xffff  }
0xe8: {  	v2 =	vor.u32 v47, v2;
	v1 =	vadd.f32 v3, v1;
	v3 =	vmul.f32 v7, v11;
	v7 =	vld.idx.msk [tilespmem:v16+s13+$0x0], $0xffff  }
0xe9: {  	v8 =	vld.idx.msk [tilespmem:v8+s12+$0x0], $0xffff  }
0xea: {  	v12 =	vld.idx.msk [tilespmem:v14+s13+$0x0], $0xffff  }
0xeb: {  	v4 =	vld.idx.msk [tilespmem:v4+s12+$0x0], $0xffff;
	v1 =	vadd.f32 v3, v1;
	v3 =	vmul.f32 v5, v13  }
0xec: {  	v14 =	vld [tilespmem:s19+$0xC20]  }
0xed: {  	v2 =	vld.idx.msk [tilespmem:v2+s13+$0x0], $0xffff;
	v1 =	vadd.f32 v3, v1;
	v3 =	vmul.f32 v6, v10  }
0xee: {  	v13 =	vld [tilespmem:s19+$0x20]  }
0xef: {  	v1 =	vadd.f32 v3, v1;
	v3 =	vmul.f32 v7, v9;
	_ =	sdelay $0x1  }
0xf0: {  	v11 =	vshll.u32 v14, $0x4;
	v1 =	vadd.f32 v3, v1;
	v3 =	vmul.f32 v12, v8  }
0xf1: {  	v2 =	vmul.f32 v2, v4;
	v4 =	vand.u32 $0x70, v11  }
0xf2: {  	v9 =	vshll.u32 v13, $0x4;
	v13 =	vor.u32 v48, v4;
	v1 =	vadd.f32 v3, v1  }
0xf3: {  	v14 =	vor.u32 v49, v4;
	v3 =	vand.u32 $0x70, v9  }
0xf4: {  	v12 =	vor.u32 v48, v3;
	v1 =	vadd.f32 v2, v1  }
0xf5: {  	v8 =	vor.u32 v50, v4  }
0xf6: {  	v2 =	vor.u32 v49, v3;
	[tilespmem:s19+$0xB010] =	vst v1  }
0xf7: {  	v9 =	vor.u32 v51, v3;
	v6 =	vld.idx.msk [tilespmem:v13+s13+$0x0], $0xffff  }
0xf8: {  	v1 =	vor.u32 v50, v3;
	v7 =	vld.idx.msk [tilespmem:v14+s13+$0x0], $0xffff  }
0xf9: {  	v10 =	vor.u32 v51, v4;
	v5 =	vld.idx.msk [tilespmem:v12+s12+$0x0], $0xffff  }
0xfa: {  	v11 =	vor.u32 v52, v3;
	v8 =	vld.idx.msk [tilespmem:v8+s13+$0x0], $0xffff  }
0xfb: {  	v12 =	vor.u32 v52, v4;
	v2 =	vld.idx.msk [tilespmem:v2+s12+$0x0], $0xffff  }
0xfc: {  	v13 =	vor.u32 v53, v3;
	v9 =	vld.idx.msk [tilespmem:v9+s12+$0x0], $0xffff  }
0xfd: {  	v14 =	vor.u32 v53, v4;
	v1 =	vld.idx.msk [tilespmem:v1+s12+$0x0], $0xffff  }
0xfe: {  	v5 =	vmul.f32 v6, v5;
	v6 =	vld.idx.msk [tilespmem:v10+s13+$0x0], $0xffff;
	v10 =	vor.u32 v54, v3  }
0xff: {  	v15 =	vor.u32 v54, v4;
	v11 =	vld.idx.msk [tilespmem:v11+s12+$0x0], $0xffff  }
0x100: {  	v2 =	vmul.f32 v7, v2;
	v7 =	vld.idx.msk [tilespmem:v12+s13+$0x0], $0xffff;
	v12 =	vor.u32 v55, v3;
	v5 =	vadd.f32 $0.0e+00, v5  }
0x101: {  	v16 =	vor.u32 v55, v4;
	v13 =	vld.idx.msk [tilespmem:v13+s12+$0x0], $0xffff  }
0x102: {  	v1 =	vmul.f32 v8, v1;
	v8 =	vor.u32 v56, v3;
	v2 =	vadd.f32 v2, v5;
	v5 =	vld.idx.msk [tilespmem:v14+s13+$0x0], $0xffff  }
0x103: {  	v14 =	vor.u32 v56, v4;
	v10 =	vld.idx.msk [tilespmem:v10+s12+$0x0], $0xffff  }
0x104: {  	v1 =	vadd.f32 v1, v2;
	v2 =	vmul.f32 v6, v9;
	v6 =	vld.idx.msk [tilespmem:v15+s13+$0x0], $0xffff;
	v9 =	vor.u32 v57, v3  }
0x105: {  	v12 =	vld.idx.msk [tilespmem:v12+s12+$0x0], $0xffff;
	v15 =	vor.u32 v57, v4  }
0x106: {  	v1 =	vadd.f32 v2, v1;
	v2 =	vmul.f32 v7, v11;
	v7 =	vld.idx.msk [tilespmem:v16+s13+$0x0], $0xffff;
	v11 =	vor.u32 v58, v3  }
0x107: {  	v8 =	vld.idx.msk [tilespmem:v8+s12+$0x0], $0xffff;
	v16 =	vor.u32 v58, v4  }
0x108: {  	v1 =	vadd.f32 v2, v1;
	v2 =	vmul.f32 v5, v13;
	v5 =	vld.idx.msk [tilespmem:v14+s13+$0x0], $0xffff;
	v13 =	vor.u32 v59, v3  }
0x109: {  	v14 =	vor.u32 v59, v4;
	v9 =	vld.idx.msk [tilespmem:v9+s12+$0x0], $0xffff  }
0x10a: {  	v1 =	vadd.f32 v2, v1;
	v2 =	vmul.f32 v6, v10;
	v6 =	vld.idx.msk [tilespmem:v15+s13+$0x0], $0xffff;
	v10 =	vor.u32 v60, v3  }
0x10b: {  	v15 =	vor.u32 v60, v4;
	v11 =	vld.idx.msk [tilespmem:v11+s12+$0x0], $0xffff  }
0x10c: {  	v1 =	vadd.f32 v2, v1;
	v2 =	vmul.f32 v7, v12;
	v7 =	vld.idx.msk [tilespmem:v16+s13+$0x0], $0xffff;
	v12 =	vor.u32 v61, v3  }
0x10d: {  	v16 =	vor.u32 v61, v4;
	v13 =	vld.idx.msk [tilespmem:v13+s12+$0x0], $0xffff  }
0x10e: {  	v1 =	vadd.f32 v2, v1;
	v2 =	vmul.f32 v5, v8;
	v5 =	vld.idx.msk [tilespmem:v14+s13+$0x0], $0xffff;
	v8 =	vor.u32 v62, v3  }
0x10f: {  	v14 =	vor.u32 v62, v4;
	v10 =	vld.idx.msk [tilespmem:v10+s12+$0x0], $0xffff  }
0x110: {  	v3 =	vor.u32 v63, v3;
	v1 =	vadd.f32 v2, v1;
	v2 =	vmul.f32 v6, v9;
	v6 =	vld.idx.msk [tilespmem:v15+s13+$0x0], $0xffff  }
0x111: {  	v9 =	vld.idx.msk [tilespmem:v12+s12+$0x0], $0xffff  }
0x112: {  	v4 =	vor.u32 v63, v4;
	v1 =	vadd.f32 v2, v1;
	v2 =	vmul.f32 v7, v11;
	v7 =	vld.idx.msk [tilespmem:v16+s13+$0x0], $0xffff  }
0x113: {  	v8 =	vld.idx.msk [tilespmem:v8+s12+$0x0], $0xffff  }
0x114: {  	v12 =	vld.idx.msk [tilespmem:v14+s13+$0x0], $0xffff  }
0x115: {  	v3 =	vld.idx.msk [tilespmem:v3+s12+$0x0], $0xffff  }
0x116: {  	v14 =	vld [tilespmem:s19+$0xC30];
	v1 =	vadd.f32 v2, v1;
	v2 =	vmul.f32 v5, v13  }
0x117: {  	v4 =	vld.idx.msk [tilespmem:v4+s13+$0x0], $0xffff  }
0x118: {  	v13 =	vld [tilespmem:s19+$0x30];
	v1 =	vadd.f32 v2, v1;
	v2 =	vmul.f32 v6, v10;
	_ =	sdelay $0x1  }
0x119: {  	v1 =	vadd.f32 v2, v1;
	v2 =	vmul.f32 v7, v9;
	_ =	sdelay $0x1  }
0x11a: {  	v1 =	vadd.f32 v2, v1;
	v2 =	vmul.f32 v12, v8;
	v12 =	vshll.u32 v14, $0x4  }
0x11b: {  	v3 =	vmul.f32 v4, v3;
	v11 =	vshll.u32 v13, $0x4;
	v4 =	vand.u32 $0x70, v12  }
0x11c: {  	v1 =	vadd.f32 v2, v1;
	v2 =	vand.u32 $0x70, v11;
	v14 =	vor.u32 v24, v4  }
0x11d: {  	v13 =	vor.u32 v24, v2  }
0x11e: {  	v12 =	vor.u32 v25, v4;
	v1 =	vadd.f32 v3, v1  }
0x11f: {  	v3 =	vor.u32 v25, v2  }
0x120: {  	v8 =	vor.u32 v26, v4;
	[tilespmem:s19+$0xB020] =	vst v1  }
0x121: {  	v1 =	vor.u32 v26, v2;
	v6 =	vld.idx.msk [tilespmem:v14+s13+$0x0], $0xffff  }
0x122: {  	v9 =	vor.u32 v27, v2;
	v5 =	vld.idx.msk [tilespmem:v13+s12+$0x0], $0xffff  }
0x123: {  	v10 =	vor.u32 v27, v4;
	v7 =	vld.idx.msk [tilespmem:v12+s13+$0x0], $0xffff  }
0x124: {  	v11 =	vor.u32 v28, v2;
	v3 =	vld.idx.msk [tilespmem:v3+s12+$0x0], $0xffff  }
0x125: {  	v12 =	vor.u32 v28, v4;
	v8 =	vld.idx.msk [tilespmem:v8+s13+$0x0], $0xffff  }
0x126: {  	v13 =	vor.u32 v29, v2;
	v1 =	vld.idx.msk [tilespmem:v1+s12+$0x0], $0xffff  }
0x127: {  	v5 =	vmul.f32 v6, v5;
	v6 =	vld.idx.msk [tilespmem:v9+s12+$0x0], $0xffff;
	v9 =	vor.u32 v29, v4  }
0x128: {  	v10 =	vld.idx.msk [tilespmem:v10+s13+$0x0], $0xffff;
	v14 =	vor.u32 v30, v2  }
0x129: {  	v3 =	vmul.f32 v7, v3;
	v7 =	vld.idx.msk [tilespmem:v11+s12+$0x0], $0xffff;
	v11 =	vor.u32 v30, v4;
	v5 =	vadd.f32 $0.0e+00, v5  }
0x12a: {  	v15 =	vor.u32 v31, v2;
	v12 =	vld.idx.msk [tilespmem:v12+s13+$0x0], $0xffff  }
0x12b: {  	v1 =	vmul.f32 v8, v1;
	v8 =	vor.u32 v31, v4;
	v3 =	vadd.f32 v3, v5;
	v5 =	vld.idx.msk [tilespmem:v13+s12+$0x0], $0xffff  }
0x12c: {  	v13 =	vor.u32 v32, v2;
	v9 =	vld.idx.msk [tilespmem:v9+s13+$0x0], $0xffff  }
0x12d: {  	v1 =	vadd.f32 v1, v3;
	v3 =	vmul.f32 v10, v6;
	v6 =	vld.idx.msk [tilespmem:v14+s12+$0x0], $0xffff;
	v10 =	vor.u32 v32, v4  }
0x12e: {  	v11 =	vld.idx.msk [tilespmem:v11+s13+$0x0], $0xffff;
	v14 =	vor.u32 v33, v2  }
0x12f: {  	v1 =	vadd.f32 v3, v1;
	v3 =	vmul.f32 v12, v7;
	v7 =	vld.idx.msk [tilespmem:v15+s12+$0x0], $0xffff;
	v12 =	vor.u32 v33, v4  }
0x130: {  	v8 =	vld.idx.msk [tilespmem:v8+s13+$0x0], $0xffff;
	v15 =	vor.u32 v34, v2  }
0x131: {  	v1 =	vadd.f32 v3, v1;
	v3 =	vmul.f32 v9, v5;
	v5 =	vld.idx.msk [tilespmem:v13+s12+$0x0], $0xffff;
	v9 =	vor.u32 v34, v4  }
0x132: {  	v13 =	vor.u32 v35, v2;
	v10 =	vld.idx.msk [tilespmem:v10+s13+$0x0], $0xffff  }
0x133: {  	v1 =	vadd.f32 v3, v1;
	v3 =	vmul.f32 v11, v6;
	v6 =	vld.idx.msk [tilespmem:v14+s12+$0x0], $0xffff;
	v11 =	vor.u32 v35, v4  }
0x134: {  	v14 =	vor.u32 v36, v2;
	v12 =	vld.idx.msk [tilespmem:v12+s13+$0x0], $0xffff  }
0x135: {  	v1 =	vadd.f32 v3, v1;
	v3 =	vmul.f32 v8, v7;
	v7 =	vld.idx.msk [tilespmem:v15+s12+$0x0], $0xffff;
	v8 =	vor.u32 v36, v4  }
0x136: {  	v15 =	vor.u32 v37, v2;
	v9 =	vld.idx.msk [tilespmem:v9+s13+$0x0], $0xffff  }
0x137: {  	v1 =	vadd.f32 v3, v1;
	v3 =	vmul.f32 v10, v5;
	v5 =	vld.idx.msk [tilespmem:v13+s12+$0x0], $0xffff;
	v10 =	vor.u32 v37, v4  }
0x138: {  	v13 =	vor.u32 v38, v2;
	v11 =	vld.idx.msk [tilespmem:v11+s13+$0x0], $0xffff  }
0x139: {  	v1 =	vadd.f32 v3, v1;
	v3 =	vmul.f32 v12, v6;
	v6 =	vld.idx.msk [tilespmem:v14+s12+$0x0], $0xffff;
	v12 =	vor.u32 v38, v4  }
0x13a: {  	v8 =	vld.idx.msk [tilespmem:v8+s13+$0x0], $0xffff  }
0x13b: {  	v2 =	vor.u32 v39, v2;
	v1 =	vadd.f32 v3, v1;
	v3 =	vmul.f32 v9, v7;
	v7 =	vld.idx.msk [tilespmem:v15+s12+$0x0], $0xffff  }
0x13c: {  	v9 =	vld.idx.msk [tilespmem:v10+s13+$0x0], $0xffff  }
0x13d: {  	v4 =	vor.u32 v39, v4;
	v1 =	vadd.f32 v3, v1;
	v3 =	vmul.f32 v11, v5;
	v5 =	vld.idx.msk [tilespmem:v13+s12+$0x0], $0xffff  }
0x13e: {  	v13 =	vld.idx.msk [tilespmem:v12+s13+$0x0], $0xffff  }
0x13f: {  	v14 =	vld [tilespmem:s19+$0x40];
	v1 =	vadd.f32 v3, v1;
	v3 =	vmul.f32 v8, v6  }
0x140: {  	v2 =	vld.idx.msk [tilespmem:v2+s12+$0x0], $0xffff  }
0x141: {  	v1 =	vadd.f32 v3, v1;
	v3 =	vmul.f32 v9, v7;
	v9 =	vld [tilespmem:s19+$0xC40]  }
0x142: {  	v4 =	vld.idx.msk [tilespmem:v4+s13+$0x0], $0xffff  }
0x143: {  	v1 =	vadd.f32 v3, v1;
	v3 =	vmul.f32 v13, v5;
	_ =	sdelay $0x1  }
0x144: {  	v1 =	vadd.f32 v3, v1;
	v3 =	vshll.u32 v14, $0x4  }
0x145: {  	v11 =	vor.u32 $0x2000, v0;
	v3 =	vand.u32 $0x70, v3;
	v10 =	vshll.u32 v9, $0x4  }
0x146: {  	v2 =	vmul.f32 v4, v2;
	v4 =	vand.u32 $0x70, v10;
	v12 =	vor.u32 v11, v3  }
0x147: {  	v13 =	vor.u32 $0x2001, v0;
	v6 =	vor.u32 v11, v4  }
0x148: {  	v1 =	vadd.f32 v2, v1;
	v2 =	vor.u32 v13, v3  }
0x149: {  	v7 =	vor.u32 v13, v4  }
0x14a: {  	[tilespmem:s19+$0xB030] =	vst v1;
	v1 =	vor.u32 $0x2002, v0  }
0x14b: {  	v8 =	vor.u32 v1, v3;
	v5 =	vld.idx.msk [tilespmem:v12+s12+$0x0], $0xffff  }
0x14c: {  	v14 =	vor.u32 $0x2003, v0;
	v1 =	vor.u32 v1, v4;
	v6 =	vld.idx.msk [tilespmem:v6+s13+$0x0], $0xffff  }
0x14d: {  	v10 =	vor.u32 v14, v3;
	v2 =	vld.idx.msk [tilespmem:v2+s12+$0x0], $0xffff  }
0x14e: {  	v9 =	vor.u32 v14, v4;
	v11 =	vor.u32 $0x2004, v0;
	v7 =	vld.idx.msk [tilespmem:v7+s13+$0x0], $0xffff  }
0x14f: {  	v12 =	vor.u32 v11, v3  }
0x150: {  	v13 =	vor.u32 $0x2005, v0;
	v11 =	vor.u32 v11, v4;
	v8 =	vld.idx.msk [tilespmem:v8+s12+$0x0], $0xffff  }
0x151: {  	v1 =	vld.idx.msk [tilespmem:v1+s13+$0x0], $0xffff;
	v5 =	vmul.f32 v6, v5;
	v6 =	vor.u32 v13, v3  }
0x152: {  	v14 =	vor.u32 $0x2006, v0;
	v10 =	vld.idx.msk [tilespmem:v10+s12+$0x0], $0xffff;
	v13 =	vor.u32 v13, v4  }
0x153: {  	v2 =	vmul.f32 v7, v2;
	v7 =	vld.idx.msk [tilespmem:v9+s13+$0x0], $0xffff;
	v9 =	vor.u32 v14, v3;
	v5 =	vadd.f32 $0.0e+00, v5  }
0x154: {  	v15 =	vor.u32 $0x2007, v0;
	v12 =	vld.idx.msk [tilespmem:v12+s12+$0x0], $0xffff;
	v14 =	vor.u32 v14, v4  }
0x155: {  	v2 =	vadd.f32 v2, v5;
	v5 =	vld.idx.msk [tilespmem:v11+s13+$0x0], $0xffff;
	v11 =	vor.u32 v15, v3  }
0x156: {  	v1 =	vmul.f32 v1, v8;
	v8 =	vor.u32 v15, v4;
	v15 =	vor.u32 $0x2008, v0;
	v6 =	vld.idx.msk [tilespmem:v6+s12+$0x0], $0xffff  }
0x157: {  	v13 =	vld.idx.msk [tilespmem:v13+s13+$0x0], $0xffff;
	v16 =	vor.u32 v15, v3  }
0x158: {  	v1 =	vadd.f32 v1, v2;
	v2 =	vmul.f32 v7, v10;
	v7 =	vld.idx.msk [tilespmem:v9+s12+$0x0], $0xffff;
	v9 =	vor.u32 v15, v4  }
0x159: {  	v10 =	vld.idx.msk [tilespmem:v14+s13+$0x0], $0xffff;
	v14 =	vor.u32 $0x2009, v0  }
0x15a: {  	v1 =	vadd.f32 v2, v1;
	v2 =	vmul.f32 v5, v12;
	v5 =	vld.idx.msk [tilespmem:v11+s12+$0x0], $0xffff;
	v11 =	vor.u32 v14, v3  }
0x15b: {  	v8 =	vld.idx.msk [tilespmem:v8+s13+$0x0], $0xffff;
	v12 =	vor.u32 v14, v4;
	v14 =	vor.u32 $0x200A, v0  }
0x15c: {  	v1 =	vadd.f32 v2, v1;
	v2 =	vmul.f32 v13, v6;
	v6 =	vld.idx.msk [tilespmem:v16+s12+$0x0], $0xffff;
	v13 =	vor.u32 v14, v3  }
0x15d: {  	v15 =	vor.u32 $0x200B, v0;
	v9 =	vld.idx.msk [tilespmem:v9+s13+$0x0], $0xffff;
	v14 =	vor.u32 v14, v4  }
0x15e: {  	v1 =	vadd.f32 v2, v1;
	v2 =	vmul.f32 v10, v7;
	v7 =	vor.u32 v15, v3  }
0x15f: {  	v10 =	vld.idx.msk [tilespmem:v11+s12+$0x0], $0xffff;
	v11 =	vor.u32 v15, v4;
	v15 =	vor.u32 $0x200C, v0  }
0x160: {  	v1 =	vadd.f32 v2, v1;
	v2 =	vmul.f32 v8, v5;
	v5 =	vld.idx.msk [tilespmem:v12+s13+$0x0], $0xffff;
	v8 =	vor.u32 v15, v3  }
0x161: {  	v12 =	vld.idx.msk [tilespmem:v13+s12+$0x0], $0xffff;
	v13 =	vor.u32 v15, v4;
	v15 =	vor.u32 $0x200D, v0  }
0x162: {  	v1 =	vadd.f32 v2, v1;
	v2 =	vmul.f32 v9, v6;
	v6 =	vld.idx.msk [tilespmem:v14+s13+$0x0], $0xffff;
	v9 =	vor.u32 v15, v3  }
0x163: {  	v14 =	vor.u32 v15, v4;
	v15 =	vor.u32 $0x200E, v0;
	v7 =	vld.idx.msk [tilespmem:v7+s12+$0x0], $0xffff  }
0x164: {  	v1 =	vadd.f32 v2, v1;
	v2 =	vld.idx.msk [tilespmem:v11+s13+$0x0], $0xffff;
	v11 =	vor.u32 v15, v3  }
0x165: {  	v5 =	vmul.f32 v5, v10;
	v8 =	vld.idx.msk [tilespmem:v8+s12+$0x0], $0xffff;
	v10 =	vor.u32 v15, v4  }
0x166: {  	v15 =	vor.u32 $0x200F, v0;
	v13 =	vld.idx.msk [tilespmem:v13+s13+$0x0], $0xffff  }
0x167: {  	v3 =	vor.u32 v15, v3;
	v1 =	vadd.f32 v5, v1;
	v12 =	vmul.f32 v6, v12;
	v6 =	vld.idx.msk [tilespmem:v9+s12+$0x0], $0xffff  }
0x168: {  	v9 =	vld.idx.msk [tilespmem:v14+s13+$0x0], $0xffff  }
0x169: {  	v4 =	vor.u32 v15, v4;
	v1 =	vadd.f32 v12, v1;
	v2 =	vmul.f32 v2, v7;
	v5 =	vld.idx.msk [tilespmem:v11+s12+$0x0], $0xffff  }
0x16a: {  	v12 =	vld.idx.msk [tilespmem:v10+s13+$0x0], $0xffff  }
0x16b: {  	v14 =	vld [tilespmem:s19+$0x50];
	v1 =	vadd.f32 v2, v1;
	v2 =	vmul.f32 v13, v8  }
0x16c: {  	v3 =	vld.idx.msk [tilespmem:v3+s12+$0x0], $0xffff  }
0x16d: {  	v1 =	vadd.f32 v2, v1;
	v2 =	vmul.f32 v9, v6;
	v9 =	vld [tilespmem:s19+$0xC50]  }
0x16e: {  	v4 =	vld.idx.msk [tilespmem:v4+s13+$0x0], $0xffff  }
0x16f: {  	v1 =	vadd.f32 v2, v1;
	v2 =	vmul.f32 v12, v5;
	_ =	sdelay $0x1  }
0x170: {  	v1 =	vadd.f32 v2, v1;
	v2 =	vshll.u32 v14, $0x4  }
0x171: {  	v11 =	vor.u32 $0x2800, v0;
	v2 =	vand.u32 $0x70, v2;
	v10 =	vshll.u32 v9, $0x4  }
0x172: {  	v3 =	vmul.f32 v4, v3;
	v4 =	vand.u32 $0x70, v10;
	v12 =	vor.u32 v11, v2  }
0x173: {  	v13 =	vor.u32 $0x2801, v0;
	v6 =	vor.u32 v11, v4  }
0x174: {  	v1 =	vadd.f32 v3, v1;
	v3 =	vor.u32 v13, v2  }
0x175: {  	v7 =	vor.u32 v13, v4  }
0x176: {  	[tilespmem:s19+$0xB040] =	vst v1;
	v1 =	vor.u32 $0x2802, v0  }
0x177: {  	v8 =	vor.u32 v1, v2;
	v5 =	vld.idx.msk [tilespmem:v12+s12+$0x0], $0xffff  }
0x178: {  	v14 =	vor.u32 $0x2803, v0;
	v1 =	vor.u32 v1, v4;
	v6 =	vld.idx.msk [tilespmem:v6+s13+$0x0], $0xffff  }
0x179: {  	v10 =	vor.u32 v14, v2;
	v3 =	vld.idx.msk [tilespmem:v3+s12+$0x0], $0xffff  }
0x17a: {  	v9 =	vor.u32 v14, v4;
	v11 =	vor.u32 $0x2804, v0;
	v7 =	vld.idx.msk [tilespmem:v7+s13+$0x0], $0xffff  }
0x17b: {  	v12 =	vor.u32 v11, v2  }
0x17c: {  	v13 =	vor.u32 $0x2805, v0;
	v11 =	vor.u32 v11, v4;
	v8 =	vld.idx.msk [tilespmem:v8+s12+$0x0], $0xffff  }
0x17d: {  	v1 =	vld.idx.msk [tilespmem:v1+s13+$0x0], $0xffff;
	v5 =	vmul.f32 v6, v5;
	v6 =	vor.u32 v13, v2  }
0x17e: {  	v14 =	vor.u32 $0x2806, v0;
	v10 =	vld.idx.msk [tilespmem:v10+s12+$0x0], $0xffff;
	v13 =	vor.u32 v13, v4  }
0x17f: {  	v3 =	vmul.f32 v7, v3;
	v7 =	vld.idx.msk [tilespmem:v9+s13+$0x0], $0xffff;
	v9 =	vor.u32 v14, v2;
	v5 =	vadd.f32 $0.0e+00, v5  }
0x180: {  	v15 =	vor.u32 $0x2807, v0;
	v12 =	vld.idx.msk [tilespmem:v12+s12+$0x0], $0xffff;
	v14 =	vor.u32 v14, v4  }
0x181: {  	v3 =	vadd.f32 v3, v5;
	v5 =	vld.idx.msk [tilespmem:v11+s13+$0x0], $0xffff;
	v11 =	vor.u32 v15, v2  }
0x182: {  	v1 =	vmul.f32 v1, v8;
	v8 =	vor.u32 v15, v4;
	v15 =	vor.u32 $0x2808, v0;
	v6 =	vld.idx.msk [tilespmem:v6+s12+$0x0], $0xffff  }
0x183: {  	v13 =	vld.idx.msk [tilespmem:v13+s13+$0x0], $0xffff;
	v16 =	vor.u32 v15, v2  }
0x184: {  	v1 =	vadd.f32 v1, v3;
	v3 =	vmul.f32 v7, v10;
	v7 =	vld.idx.msk [tilespmem:v9+s12+$0x0], $0xffff;
	v9 =	vor.u32 v15, v4  }
0x185: {  	v10 =	vld.idx.msk [tilespmem:v14+s13+$0x0], $0xffff;
	v14 =	vor.u32 $0x2809, v0  }
0x186: {  	v1 =	vadd.f32 v3, v1;
	v3 =	vmul.f32 v5, v12;
	v5 =	vld.idx.msk [tilespmem:v11+s12+$0x0], $0xffff;
	v11 =	vor.u32 v14, v2  }
0x187: {  	v8 =	vld.idx.msk [tilespmem:v8+s13+$0x0], $0xffff;
	v12 =	vor.u32 v14, v4;
	v14 =	vor.u32 $0x280A, v0  }
0x188: {  	v1 =	vadd.f32 v3, v1;
	v3 =	vmul.f32 v13, v6;
	v6 =	vld.idx.msk [tilespmem:v16+s12+$0x0], $0xffff;
	v13 =	vor.u32 v14, v2  }
0x189: {  	v15 =	vor.u32 $0x280B, v0;
	v9 =	vld.idx.msk [tilespmem:v9+s13+$0x0], $0xffff;
	v14 =	vor.u32 v14, v4  }
0x18a: {  	v1 =	vadd.f32 v3, v1;
	v3 =	vmul.f32 v10, v7;
	v7 =	vor.u32 v15, v2  }
0x18b: {  	v10 =	vld.idx.msk [tilespmem:v11+s12+$0x0], $0xffff;
	v11 =	vor.u32 v15, v4;
	v15 =	vor.u32 $0x280C, v0  }
0x18c: {  	v1 =	vadd.f32 v3, v1;
	v3 =	vmul.f32 v8, v5;
	v5 =	vld.idx.msk [tilespmem:v12+s13+$0x0], $0xffff;
	v8 =	vor.u32 v15, v2  }
0x18d: {  	v12 =	vld.idx.msk [tilespmem:v13+s12+$0x0], $0xffff;
	v13 =	vor.u32 v15, v4;
	v15 =	vor.u32 $0x280D, v0  }
0x18e: {  	v1 =	vadd.f32 v3, v1;
	v3 =	vmul.f32 v9, v6;
	v6 =	vld.idx.msk [tilespmem:v14+s13+$0x0], $0xffff;
	v9 =	vor.u32 v15, v2  }
0x18f: {  	v14 =	vor.u32 v15, v4;
	v15 =	vor.u32 $0x280E, v0;
	v7 =	vld.idx.msk [tilespmem:v7+s12+$0x0], $0xffff  }
0x190: {  	v1 =	vadd.f32 v3, v1;
	v3 =	vld.idx.msk [tilespmem:v11+s13+$0x0], $0xffff;
	v11 =	vor.u32 v15, v2  }
0x191: {  	v5 =	vmul.f32 v5, v10;
	v8 =	vld.idx.msk [tilespmem:v8+s12+$0x0], $0xffff;
	v10 =	vor.u32 v15, v4  }
0x192: {  	v15 =	vor.u32 $0x280F, v0;
	v13 =	vld.idx.msk [tilespmem:v13+s13+$0x0], $0xffff  }
0x193: {  	v2 =	vor.u32 v15, v2;
	v1 =	vadd.f32 v5, v1;
	v12 =	vmul.f32 v6, v12;
	v6 =	vld.idx.msk [tilespmem:v9+s12+$0x0], $0xffff  }
0x194: {  	v9 =	vld.idx.msk [tilespmem:v14+s13+$0x0], $0xffff  }
0x195: {  	v4 =	vor.u32 v15, v4;
	v1 =	vadd.f32 v12, v1;
	v3 =	vmul.f32 v3, v7;
	v5 =	vld.idx.msk [tilespmem:v11+s12+$0x0], $0xffff  }
0x196: {  	v12 =	vld.idx.msk [tilespmem:v10+s13+$0x0], $0xffff  }
0x197: {  	v14 =	vld [tilespmem:s19+$0x60];
	v1 =	vadd.f32 v3, v1;
	v3 =	vmul.f32 v13, v8  }
0x198: {  	v2 =	vld.idx.msk [tilespmem:v2+s12+$0x0], $0xffff  }
0x199: {  	v1 =	vadd.f32 v3, v1;
	v3 =	vmul.f32 v9, v6;
	v9 =	vld [tilespmem:s19+$0xC60]  }
0x19a: {  	v4 =	vld.idx.msk [tilespmem:v4+s13+$0x0], $0xffff  }
0x19b: {  	v1 =	vadd.f32 v3, v1;
	v3 =	vmul.f32 v12, v5;
	_ =	sdelay $0x1  }
0x19c: {  	v1 =	vadd.f32 v3, v1;
	v3 =	vshll.u32 v14, $0x4  }
0x19d: {  	v11 =	vor.u32 $0x3000, v0;
	v3 =	vand.u32 $0x70, v3;
	v10 =	vshll.u32 v9, $0x4  }
0x19e: {  	v2 =	vmul.f32 v4, v2;
	v4 =	vand.u32 $0x70, v10;
	v12 =	vor.u32 v11, v3  }
0x19f: {  	v13 =	vor.u32 $0x3001, v0;
	v6 =	vor.u32 v11, v4  }
0x1a0: {  	v1 =	vadd.f32 v2, v1;
	v2 =	vor.u32 v13, v3  }
0x1a1: {  	v7 =	vor.u32 v13, v4  }
0x1a2: {  	[tilespmem:s19+$0xB050] =	vst v1;
	v1 =	vor.u32 $0x3002, v0  }
0x1a3: {  	v8 =	vor.u32 v1, v3;
	v5 =	vld.idx.msk [tilespmem:v12+s12+$0x0], $0xffff  }
0x1a4: {  	v14 =	vor.u32 $0x3003, v0;
	v1 =	vor.u32 v1, v4;
	v6 =	vld.idx.msk [tilespmem:v6+s13+$0x0], $0xffff  }
0x1a5: {  	v10 =	vor.u32 v14, v3;
	v2 =	vld.idx.msk [tilespmem:v2+s12+$0x0], $0xffff  }
0x1a6: {  	v9 =	vor.u32 v14, v4;
	v11 =	vor.u32 $0x3004, v0;
	v7 =	vld.idx.msk [tilespmem:v7+s13+$0x0], $0xffff  }
0x1a7: {  	v12 =	vor.u32 v11, v3  }
0x1a8: {  	v13 =	vor.u32 $0x3005, v0;
	v11 =	vor.u32 v11, v4;
	v8 =	vld.idx.msk [tilespmem:v8+s12+$0x0], $0xffff  }
0x1a9: {  	v1 =	vld.idx.msk [tilespmem:v1+s13+$0x0], $0xffff;
	v5 =	vmul.f32 v6, v5;
	v6 =	vor.u32 v13, v3  }
0x1aa: {  	v14 =	vor.u32 $0x3006, v0;
	v10 =	vld.idx.msk [tilespmem:v10+s12+$0x0], $0xffff;
	v13 =	vor.u32 v13, v4  }
0x1ab: {  	v2 =	vmul.f32 v7, v2;
	v7 =	vld.idx.msk [tilespmem:v9+s13+$0x0], $0xffff;
	v9 =	vor.u32 v14, v3;
	v5 =	vadd.f32 $0.0e+00, v5  }
0x1ac: {  	v15 =	vor.u32 $0x3007, v0;
	v12 =	vld.idx.msk [tilespmem:v12+s12+$0x0], $0xffff;
	v14 =	vor.u32 v14, v4  }
0x1ad: {  	v2 =	vadd.f32 v2, v5;
	v5 =	vld.idx.msk [tilespmem:v11+s13+$0x0], $0xffff;
	v11 =	vor.u32 v15, v3  }
0x1ae: {  	v1 =	vmul.f32 v1, v8;
	v8 =	vor.u32 v15, v4;
	v15 =	vor.u32 $0x3008, v0;
	v6 =	vld.idx.msk [tilespmem:v6+s12+$0x0], $0xffff  }
0x1af: {  	v13 =	vld.idx.msk [tilespmem:v13+s13+$0x0], $0xffff;
	v16 =	vor.u32 v15, v3  }
0x1b0: {  	v1 =	vadd.f32 v1, v2;
	v2 =	vmul.f32 v7, v10;
	v7 =	vld.idx.msk [tilespmem:v9+s12+$0x0], $0xffff;
	v9 =	vor.u32 v15, v4  }
0x1b1: {  	v10 =	vld.idx.msk [tilespmem:v14+s13+$0x0], $0xffff;
	v14 =	vor.u32 $0x3009, v0  }
0x1b2: {  	v1 =	vadd.f32 v2, v1;
	v2 =	vmul.f32 v5, v12;
	v5 =	vld.idx.msk [tilespmem:v11+s12+$0x0], $0xffff;
	v11 =	vor.u32 v14, v3  }
0x1b3: {  	v8 =	vld.idx.msk [tilespmem:v8+s13+$0x0], $0xffff;
	v12 =	vor.u32 v14, v4;
	v14 =	vor.u32 $0x300A, v0  }
0x1b4: {  	v1 =	vadd.f32 v2, v1;
	v2 =	vmul.f32 v13, v6;
	v6 =	vld.idx.msk [tilespmem:v16+s12+$0x0], $0xffff;
	v13 =	vor.u32 v14, v3  }
0x1b5: {  	v15 =	vor.u32 $0x300B, v0;
	v9 =	vld.idx.msk [tilespmem:v9+s13+$0x0], $0xffff;
	v14 =	vor.u32 v14, v4  }
0x1b6: {  	v1 =	vadd.f32 v2, v1;
	v2 =	vmul.f32 v10, v7;
	v7 =	vor.u32 v15, v3  }
0x1b7: {  	v10 =	vld.idx.msk [tilespmem:v11+s12+$0x0], $0xffff;
	v11 =	vor.u32 v15, v4;
	v15 =	vor.u32 $0x300C, v0  }
0x1b8: {  	v1 =	vadd.f32 v2, v1;
	v2 =	vmul.f32 v8, v5;
	v5 =	vld.idx.msk [tilespmem:v12+s13+$0x0], $0xffff;
	v8 =	vor.u32 v15, v3  }
0x1b9: {  	v12 =	vld.idx.msk [tilespmem:v13+s12+$0x0], $0xffff;
	v13 =	vor.u32 v15, v4;
	v15 =	vor.u32 $0x300D, v0  }
0x1ba: {  	v1 =	vadd.f32 v2, v1;
	v2 =	vmul.f32 v9, v6;
	v6 =	vld.idx.msk [tilespmem:v14+s13+$0x0], $0xffff;
	v9 =	vor.u32 v15, v3  }
0x1bb: {  	v14 =	vor.u32 v15, v4;
	v15 =	vor.u32 $0x300E, v0;
	v7 =	vld.idx.msk [tilespmem:v7+s12+$0x0], $0xffff  }
0x1bc: {  	v1 =	vadd.f32 v2, v1;
	v2 =	vld.idx.msk [tilespmem:v11+s13+$0x0], $0xffff;
	v11 =	vor.u32 v15, v3  }
0x1bd: {  	v5 =	vmul.f32 v5, v10;
	v8 =	vld.idx.msk [tilespmem:v8+s12+$0x0], $0xffff;
	v10 =	vor.u32 v15, v4  }
0x1be: {  	v15 =	vor.u32 $0x300F, v0;
	v13 =	vld.idx.msk [tilespmem:v13+s13+$0x0], $0xffff  }
0x1bf: {  	v3 =	vor.u32 v15, v3;
	v1 =	vadd.f32 v5, v1;
	v12 =	vmul.f32 v6, v12;
	v6 =	vld.idx.msk [tilespmem:v9+s12+$0x0], $0xffff  }
0x1c0: {  	v9 =	vld.idx.msk [tilespmem:v14+s13+$0x0], $0xffff  }
0x1c1: {  	v4 =	vor.u32 v15, v4;
	v1 =	vadd.f32 v12, v1;
	v2 =	vmul.f32 v2, v7;
	v5 =	vld.idx.msk [tilespmem:v11+s12+$0x0], $0xffff  }
0x1c2: {  	v12 =	vld.idx.msk [tilespmem:v10+s13+$0x0], $0xffff  }
0x1c3: {  	v14 =	vld [tilespmem:s19+$0x70];
	v1 =	vadd.f32 v2, v1;
	v2 =	vmul.f32 v13, v8  }
0x1c4: {  	v3 =	vld.idx.msk [tilespmem:v3+s12+$0x0], $0xffff  }
0x1c5: {  	v1 =	vadd.f32 v2, v1;
	v2 =	vmul.f32 v9, v6;
	v9 =	vld [tilespmem:s19+$0xC70]  }
0x1c6: {  	v4 =	vld.idx.msk [tilespmem:v4+s13+$0x0], $0xffff  }
0x1c7: {  	v1 =	vadd.f32 v2, v1;
	v2 =	vmul.f32 v12, v5;
	_ =	sdelay $0x1  }
0x1c8: {  	v1 =	vadd.f32 v2, v1;
	v2 =	vshll.u32 v14, $0x4  }
0x1c9: {  	v11 =	vor.u32 $0x3800, v0;
	v2 =	vand.u32 $0x70, v2;
	v10 =	vshll.u32 v9, $0x4  }
0x1ca: {  	v3 =	vmul.f32 v4, v3;
	v4 =	vand.u32 $0x70, v10;
	v12 =	vor.u32 v11, v2  }
0x1cb: {  	v13 =	vor.u32 $0x3801, v0;
	v6 =	vor.u32 v11, v4  }
0x1cc: {  	v1 =	vadd.f32 v3, v1;
	v3 =	vor.u32 v13, v2  }
0x1cd: {  	v7 =	vor.u32 v13, v4  }
0x1ce: {  	[tilespmem:s19+$0xB060] =	vst v1;
	v1 =	vor.u32 $0x3802, v0  }
0x1cf: {  	v8 =	vor.u32 v1, v2;
	v5 =	vld.idx.msk [tilespmem:v12+s12+$0x0], $0xffff  }
0x1d0: {  	v14 =	vor.u32 $0x3803, v0;
	v1 =	vor.u32 v1, v4;
	v6 =	vld.idx.msk [tilespmem:v6+s13+$0x0], $0xffff  }
0x1d1: {  	v10 =	vor.u32 v14, v2;
	v3 =	vld.idx.msk [tilespmem:v3+s12+$0x0], $0xffff  }
0x1d2: {  	v9 =	vor.u32 v14, v4;
	v11 =	vor.u32 $0x3804, v0;
	v7 =	vld.idx.msk [tilespmem:v7+s13+$0x0], $0xffff  }
0x1d3: {  	v12 =	vor.u32 v11, v2  }
0x1d4: {  	v13 =	vor.u32 $0x3805, v0;
	v11 =	vor.u32 v11, v4;
	v8 =	vld.idx.msk [tilespmem:v8+s12+$0x0], $0xffff  }
0x1d5: {  	v1 =	vld.idx.msk [tilespmem:v1+s13+$0x0], $0xffff;
	v5 =	vmul.f32 v6, v5;
	v6 =	vor.u32 v13, v2  }
0x1d6: {  	v14 =	vor.u32 $0x3806, v0;
	v10 =	vld.idx.msk [tilespmem:v10+s12+$0x0], $0xffff;
	v13 =	vor.u32 v13, v4  }
0x1d7: {  	v3 =	vmul.f32 v7, v3;
	v7 =	vld.idx.msk [tilespmem:v9+s13+$0x0], $0xffff;
	v9 =	vor.u32 v14, v2;
	v5 =	vadd.f32 $0.0e+00, v5  }
0x1d8: {  	v15 =	vor.u32 $0x3807, v0;
	v12 =	vld.idx.msk [tilespmem:v12+s12+$0x0], $0xffff;
	v14 =	vor.u32 v14, v4  }
0x1d9: {  	v3 =	vadd.f32 v3, v5;
	v5 =	vld.idx.msk [tilespmem:v11+s13+$0x0], $0xffff;
	v11 =	vor.u32 v15, v2  }
0x1da: {  	v1 =	vmul.f32 v1, v8;
	v8 =	vor.u32 v15, v4;
	v15 =	vor.u32 $0x3808, v0;
	v6 =	vld.idx.msk [tilespmem:v6+s12+$0x0], $0xffff  }
0x1db: {  	v13 =	vld.idx.msk [tilespmem:v13+s13+$0x0], $0xffff;
	v16 =	vor.u32 v15, v2  }
0x1dc: {  	v1 =	vadd.f32 v1, v3;
	v3 =	vmul.f32 v7, v10;
	v7 =	vld.idx.msk [tilespmem:v9+s12+$0x0], $0xffff;
	v9 =	vor.u32 v15, v4  }
0x1dd: {  	v10 =	vld.idx.msk [tilespmem:v14+s13+$0x0], $0xffff;
	v14 =	vor.u32 $0x3809, v0  }
0x1de: {  	v1 =	vadd.f32 v3, v1;
	v3 =	vmul.f32 v5, v12;
	v5 =	vld.idx.msk [tilespmem:v11+s12+$0x0], $0xffff;
	v11 =	vor.u32 v14, v2  }
0x1df: {  	v8 =	vld.idx.msk [tilespmem:v8+s13+$0x0], $0xffff;
	v12 =	vor.u32 v14, v4;
	v14 =	vor.u32 $0x380A, v0  }
0x1e0: {  	v1 =	vadd.f32 v3, v1;
	v3 =	vmul.f32 v13, v6;
	v6 =	vld.idx.msk [tilespmem:v16+s12+$0x0], $0xffff;
	v13 =	vor.u32 v14, v2  }
0x1e1: {  	v15 =	vor.u32 $0x380B, v0;
	v9 =	vld.idx.msk [tilespmem:v9+s13+$0x0], $0xffff;
	v14 =	vor.u32 v14, v4  }
0x1e2: {  	v1 =	vadd.f32 v3, v1;
	v3 =	vmul.f32 v10, v7;
	v7 =	vor.u32 v15, v2  }
0x1e3: {  	v10 =	vld.idx.msk [tilespmem:v11+s12+$0x0], $0xffff;
	v11 =	vor.u32 v15, v4;
	v15 =	vor.u32 $0x380C, v0  }
0x1e4: {  	v1 =	vadd.f32 v3, v1;
	v3 =	vmul.f32 v8, v5;
	v5 =	vld.idx.msk [tilespmem:v12+s13+$0x0], $0xffff;
	v8 =	vor.u32 v15, v2  }
0x1e5: {  	v12 =	vld.idx.msk [tilespmem:v13+s12+$0x0], $0xffff;
	v13 =	vor.u32 v15, v4;
	v15 =	vor.u32 $0x380D, v0  }
0x1e6: {  	v1 =	vadd.f32 v3, v1;
	v3 =	vmul.f32 v9, v6;
	v6 =	vld.idx.msk [tilespmem:v14+s13+$0x0], $0xffff;
	v9 =	vor.u32 v15, v2  }
0x1e7: {  	v14 =	vor.u32 v15, v4;
	v15 =	vor.u32 $0x380E, v0;
	v7 =	vld.idx.msk [tilespmem:v7+s12+$0x0], $0xffff  }
0x1e8: {  	v1 =	vadd.f32 v3, v1;
	v3 =	vld.idx.msk [tilespmem:v11+s13+$0x0], $0xffff;
	v11 =	vor.u32 v15, v2  }
0x1e9: {  	v5 =	vmul.f32 v5, v10;
	v8 =	vld.idx.msk [tilespmem:v8+s12+$0x0], $0xffff;
	v10 =	vor.u32 v15, v4;
	v15 =	vor.u32 $0x380F, v0  }
0x1ea: {  	v13 =	vld.idx.msk [tilespmem:v13+s13+$0x0], $0xffff;
	v2 =	vor.u32 v15, v2  }
0x1eb: {  	v4 =	vor.u32 v15, v4;
	v1 =	vadd.f32 v5, v1;
	v12 =	vmul.f32 v6, v12;
	v6 =	vld.idx.msk [tilespmem:v9+s12+$0x0], $0xffff  }
0x1ec: {  	v9 =	vld.idx.msk [tilespmem:v14+s13+$0x0], $0xffff  }
0x1ed: {  	v1 =	vadd.f32 v12, v1;
	v3 =	vmul.f32 v3, v7;
	v12 =	vld.idx.msk [tilespmem:v11+s12+$0x0], $0xffff  }
0x1ee: {  	v14 =	vld.idx.msk [tilespmem:v10+s13+$0x0], $0xffff  }
0x1ef: {  	v1 =	vadd.f32 v3, v1;
	v3 =	vmul.f32 v13, v8;
	v2 =	vld.idx.msk [tilespmem:v2+s12+$0x0], $0xffff  }
0x1f0: {  	v4 =	vld.idx.msk [tilespmem:v4+s13+$0x0], $0xffff  }
0x1f1: {  	v1 =	vadd.f32 v3, v1;
	v3 =	vmul.f32 v9, v6;
	_ =	sdelay $0x1  }
0x1f2: {  	v1 =	vadd.f32 v3, v1;
	v3 =	vmul.f32 v14, v12  }
0x1f3: {  	p0 =	sne.s32 s18, $0x2E00  }
.Ltmp0:
0x1f4: {  	v2 =	vmul.f32 v4, v2;
	v1 =	vadd.f32 v3, v1;
	(pc) =	sbr.rel @p0 .LBB2_2-.Ltmp0, $3  }
0x1f5: {  	_ = 	snop  }
0x1f6: {  	v1 =	vadd.f32 v2, v1;
	_ =	sdelay $0x1  }
0x1f7: {  	s18 =	sadd.s32 $0x200, s18;
	[tilespmem:s19+$0xB070] =	vst v1  }
0x1f8: {  	s17 =	sadd.s32 $0x1, s17  }
0x1f9: {  	p0 =	sne.s32 s17, s8  }
.Ltmp1:
0x1fa: {  	_ = 	snop;
	(pc) =	sbr.rel @p0 .LBB2_1-.Ltmp1, $4  }
0x1fb: {  	[hbm4b:s7+s2] =	stream.linear.scatter [tilespmem:s16], [sflag:$0x3], $0xC00, $0x38;
	[tilespmem:$0xBC00] =	vst v63  }
0x1fc: {  	_ =	swait.ge [sflag:s9], $0xC00  }
0x1fd: {  	[sflag:s9] =	ssyncset.done $0x0  }
0x1fe: {  	[sflag:s9] =	ssyncadd.s32 $0xFFFFF400  }
0x1ff: {  	_ =	sfence.sel $0x180000  }
0x200: {  	[bflag:$0x0] =	sbarrier.arrive $0xFFFF  }
0x201: {  	p0 =	sne.s32 s1, $0x0;
	_ =	strace $0x90000047  }
0x202: {  	s0 =	sadd.s32 @!p0 $0x100000, s0;
	[bflag:$0x2] =	sbarrier.arrive $0xFFFF  }
0x203: {  	[sflag:s0] =	ssyncadd.tile.s32 @!p0 $0x1;
	_ =	shalt  }
.Lfunc_end2:
_tile_overlayer_lowered:
.L_overlay_start_2:
0x204: {  	(tag) =	ssettag $0x2  }
0x205: {  	s0 =	rddreg [dreg:$0x0];
	s2 =	stileid.u32  }
0x206: {  	s1 =	rddreg [dreg:$0x1];
	p0 =	sne.s32 s2, $0x0  }
0x207: {  	s3 =	rddreg [dreg:$0x2];
	[bflag:$0x3] =	sbarrier.arrive $0xFFFF;
	s2 =	simm.s32 @!p0 $0x1C03  }
0x208: {  	[timem:s3], [sflag:s2] =	dma.local @!p0 [hbm:s0], s1  }
0x209: {  	s0 =	simm.s32 @!p0 $0x3  }
0x20a: {  	_ =	swait.ge @!p0 [sflag:s0], s1  }
0x20b: {  	s1 =	ssub.s32 @!p0 $0x0, s1;
	[sflag:s0] =	ssyncset.done @!p0 $0x0  }
0x20c: {  	[sflag:s0] =	ssyncadd.s32 @!p0 s1  }
0x20d: {  	[bflag:$0x3] =	sbarrier.arrive $0xFFFF  }
0x20e: {  	_ =	shalt  }

</sc_bundles>
